<compile_context>
chip_gen: v7x
topology: tpu7x:2x2x1
jax: 0.10.2.dev20260603
libtpu: 0.0.44.dev20260713+nightly
codegen_flags: <defaults>
</compile_context>

<pallas_src>
import jax
import jax.numpy as jnp
from jax import lax
from jax.experimental import pallas as pl
from jax.experimental.pallas import tpu as pltpu
from jax.experimental.pallas import tpu_sc as plsc

MAX_DEPTH = 20
_NUM_CORES = 2
_NUM_SUBCORES = 16
_NW = _NUM_CORES * _NUM_SUBCORES


def _table_and_idx_body(spine_smem, spine_row_ref, spine_col_ref, parents_row_ref,
                        emb_ref, pos_ref, table_ref, idx_ref):
    S = spine_row_ref.shape[1]
    D = emb_ref.shape[1]
    emb = emb_ref[...]
    spine_row = spine_row_ref[...]
    parents_row = parents_row_ref[...]
    cur = spine_col_ref[...]
    enc = jnp.zeros((S, D), dtype=jnp.float32)
    plen = jnp.zeros((S, 1), dtype=jnp.int32)
    done = jnp.zeros((S, 1), dtype=jnp.bool_)
    col_iota = lax.broadcasted_iota(jnp.int32, (S, S), 1)
    for _ in range(MAX_DEPTH):
        active = jnp.logical_not(done)
        at_zero = jnp.logical_and(active, cur == 0)
        enc = enc + jnp.where(at_zero, emb[0:1, :], 0.0)
        plen = plen + at_zero.astype(jnp.int32)
        done = jnp.logical_or(done, at_zero)
        step = jnp.logical_and(active, cur != 0)
        cnt = jnp.sum((cur >= spine_row).astype(jnp.int32), axis=1, keepdims=True)
        idx = jnp.clip(cnt - 1, 0, S - 1)
        onehot = (idx == col_iota)
        gathered = jax.lax.dot(onehot.astype(jnp.float32), emb,
                               preferred_element_type=jnp.float32)
        spoint = jnp.sum(jnp.where(onehot, spine_row, 0), axis=1, keepdims=True)
        par = jnp.sum(jnp.where(onehot, parents_row, 0), axis=1, keepdims=True)
        enc = enc + jnp.where(step, gathered, 0.0)
        plen = plen + step.astype(jnp.int32)
        cur = jnp.where(jnp.logical_and(step, spoint > 0), par, cur)
        done = jnp.logical_or(done, jnp.logical_and(step, spoint <= 0))
    norm = jax.lax.rsqrt(jnp.maximum(plen, 1).astype(jnp.float32))
    table_ref[...] = enc * norm

    p = pos_ref[...]
    acc = jnp.zeros(p.shape, dtype=jnp.int32)
    for j in range(S):
        acc = acc + (p >= spine_smem[0, j]).astype(jnp.int32)
    idx_ref[...] = jnp.clip(acc - 1, 0, S - 1)


def _sc_gather_body(table_hbm, idx_hbm, out_hbm, table_v, idx_v, ssem):
    wid = lax.axis_index("s") * _NUM_CORES + lax.axis_index("c")
    nrows = idx_v.shape[0]
    pltpu.sync_copy(table_hbm, table_v)
    pltpu.sync_copy(idx_hbm.at[wid], idx_v)

    def group_body(g, carry):
        ivec = idx_v[pl.ds(g * 16, 16)]
        for j in range(16):
            ridx = ivec[j]
            pltpu.async_copy(table_v.at[ridx], out_hbm.at[wid, g * 16 + j], ssem)
        return carry

    lax.fori_loop(0, nrows // 16, group_body, 0, unroll=False)

    nspb = table_v.shape[0]

    def drain_body(r, carry):
        pltpu.make_async_copy(table_v, out_hbm.at[wid, pl.ds(0, nspb)], ssem).wait()
        return carry

    lax.fori_loop(0, nrows // nspb, drain_body, 0, unroll=False)


def kernel(positions, spine, parents, emb):
    B = positions.shape[0]
    S = spine.shape[0]
    D = emb.shape[1]
    b_per_w = B // _NW

    spine32 = spine.astype(jnp.int32)
    parents32 = parents.astype(jnp.int32)
    pos2d = positions.astype(jnp.int32).reshape(B // 2048, 2048)

    table, idx2d = pl.pallas_call(
        _table_and_idx_body,
        out_shape=(
            jax.ShapeDtypeStruct((S, D), jnp.float32),
            jax.ShapeDtypeStruct(pos2d.shape, jnp.int32),
        ),
        in_specs=[
            pl.BlockSpec(memory_space=pltpu.SMEM),
            pl.BlockSpec(memory_space=pltpu.VMEM),
            pl.BlockSpec(memory_space=pltpu.VMEM),
            pl.BlockSpec(memory_space=pltpu.VMEM),
            pl.BlockSpec(memory_space=pltpu.VMEM),
            pl.BlockSpec(memory_space=pltpu.VMEM),
        ],
        out_specs=(
            pl.BlockSpec(memory_space=pltpu.VMEM),
            pl.BlockSpec(memory_space=pltpu.VMEM),
        ),
    )(
        spine32.reshape(1, S),
        spine32.reshape(1, S),
        spine32.reshape(S, 1),
        parents32.reshape(1, S),
        emb,
        pos2d,
    )

    idx_w = idx2d.reshape(_NW, b_per_w)

    mesh = plsc.VectorSubcoreMesh(
        core_axis_name="c", subcore_axis_name="s",
        num_cores=_NUM_CORES, num_subcores=_NUM_SUBCORES)
    out3d = pl.kernel(
        _sc_gather_body,
        out_type=jax.ShapeDtypeStruct((_NW, b_per_w, D), jnp.float32),
        mesh=mesh,
        scratch_types=[
            pltpu.VMEM((S, D), jnp.float32),
            pltpu.VMEM((b_per_w,), jnp.int32),
            pltpu.SemaphoreType.DMA,
        ],
    )(table, idx_w)

    return out3d.reshape(B, D)

# --- scband reference (transcript-rebuilt; emitter-appended) ---
"""Pipeline reference for scband-pell-lucas-time-spine-77300821393851 (READ-ONLY COPY).

The authoritative reference and input builder live on the scoring server;
editing this copy changes nothing except your own understanding.
"""

import jax, jax.numpy as jnp
import numpy as np

MAX_SEQ_LEN = 131072
D_MODEL = 1024
N_POS = 32768
MAX_DEPTH = 20


def _build_spine(max_seq_len=MAX_SEQ_LEN):
    spine = [0, 1, 2]
    while spine[-1] < max_seq_len:
        spine.append(2 * spine[-1] + spine[-2])
    return np.asarray(spine, dtype=np.int64)


def setup_inputs(seed: int = 0):
    key = jax.random.key(seed)
    spine_np = _build_spine()
    # parent_approx = int(spine_point / 2.414), computed once in float64 to match Python semantics
    parents_np = np.floor(spine_np.astype(np.float64) / 2.414).astype(np.int64)
    positions = jax.random.randint(jax.random.fold_in(key, 0), (N_POS,), 0, MAX_SEQ_LEN)
    emb = jax.random.normal(jax.random.fold_in(key, 1), (spine_np.shape[0], D_MODEL), dtype=jnp.float32) * 0.02
    return {
        "positions": positions,
        "spine": jnp.asarray(spine_np),
        "parents": jnp.asarray(parents_np),
        "emb": emb,
    }


def reference(positions, spine, parents, emb):
    # Vectorized translation of get_position_encoding over a batch of positions.
    # Each position performs a recursive descent along the Pell-Lucas spine
    # (at most MAX_DEPTH steps), summing the spine embeddings on its path and
    # normalizing by sqrt(path length).
    B = positions.shape[0]
    enc = jnp.zeros((B, emb.shape[1]), dtype=emb.dtype)
    path_len = jnp.zeros((B,), dtype=jnp.int32)
    current = positions.astype(spine.dtype)
    done = jnp.zeros((B,), dtype=bool)
    for _ in range(MAX_DEPTH):
        active = ~done
        # Case 1: current == 0 -> path appends spine point 0 (embedding row 0) and stops
        at_zero = active & (current == 0)
        enc = enc + jnp.where(at_zero[:, None], emb[0][None, :], 0.0)
        path_len = path_len + at_zero.astype(jnp.int32)
        done = done | at_zero
        # Case 2: descend via searchsorted on the spine
        step = active & (current != 0)
        idx = jnp.clip(jnp.searchsorted(spine, current, side='right') - 1, 0, spine.shape[0] - 1)
        spine_point = spine[idx]
        enc = enc + jnp.where(step[:, None], jnp.take(emb, idx, axis=0), 0.0)
        path_len = path_len + step.astype(jnp.int32)
        current = jnp.where(step & (spine_point > 0), parents[idx].astype(current.dtype), current)
        done = done | (step & (spine_point <= 0))
    enc = enc / jnp.sqrt(jnp.maximum(path_len, 1).astype(emb.dtype))[:, None]
    return enc

if __name__ == "__main__":
    import jax
    _d = setup_inputs()
    print(jax.jit(kernel)(*tuple(_d.values())))

</pallas_src>

<mosaic_0001>
#map = affine_map<(d0, d1) -> (0, 0)>
#map1 = affine_map<(d0, d1) -> (0, 0, 0)>
module attributes {stable_mosaic.version = 14 : i64} {
  func.func @_sc_gather_body(%arg0: i32, %arg1: i32, %arg2: memref<16x1024xf32, #tpu.memory_space<hbm>>, %arg3: memref<32x1024xi32, #tpu.memory_space<hbm>>, %arg4: memref<32x1024x1024xf32, #tpu.memory_space<hbm>>, %arg5: memref<16x1024xf32, #tpu.memory_space<vmem>>, %arg6: memref<1024xi32, #tpu.memory_space<vmem>>, %arg7: memref<!tpu.dma_semaphore, #tpu.memory_space<semaphore_mem>>) attributes {dimension_semantics = [#tpu.dimension_semantics<core_parallel>, #tpu.dimension_semantics<subcore_parallel>], iteration_bounds = array<i64: 2, 16>, scalar_prefetch = 0 : i64, scratch_operands = 3 : i64, tpu.core_type = #tpu.core_type<sc_vector_subcore>, window_params = [{transform_indices = #map}, {transform_indices = #map}, {transform_indices = #map1}]} {
    %mul3A = arith.constant 2 : i32
    %mul3A_0 = arith.muli %arg1, %mul3A : i32
    %add3A = arith.addi %mul3A_0, %arg0 : i32
    "tpu.region"() ({
      %run_scoped3A = tpu.sem_alloc : memref<!tpu.dma_semaphore, #tpu.memory_space<semaphore_mem>>
      tpu.enqueue_dma source(%arg2 : memref<16x1024xf32, #tpu.memory_space<hbm>>) target(%arg5 : memref<16x1024xf32, #tpu.memory_space<vmem>>) target_semaphore(%run_scoped3A : memref<!tpu.dma_semaphore, #tpu.memory_space<semaphore_mem>>)
      tpu.wait_dma2 semaphore(%run_scoped3A : memref<!tpu.dma_semaphore, #tpu.memory_space<semaphore_mem>>) src(%arg2 : memref<16x1024xf32, #tpu.memory_space<hbm>>) dst(%arg5 : memref<16x1024xf32, #tpu.memory_space<vmem>>)
      tpu.yield
    }) : () -> ()
    "tpu.region"() ({
      %run_scoped3A = tpu.sem_alloc : memref<!tpu.dma_semaphore, #tpu.memory_space<semaphore_mem>>
      %dma_start3A = arith.constant 0 : i32
      %dma_start3A_12 = tpu.memref_slice %arg3[%add3A, %dma_start3A] : memref<32x1024xi32, #tpu.memory_space<hbm>> -> memref<1x1024xi32, #tpu.memory_space<hbm>>
      %dma_start3A_13 = tpu.memref_squeeze %dma_start3A_12 : memref<1x1024xi32, #tpu.memory_space<hbm>> -> memref<1024xi32, #tpu.memory_space<hbm>>
      %dma_start3A_14 = arith.constant 0 : i32
      %dma_start3A_15 = tpu.memref_slice %arg3[%add3A, %dma_start3A_14] : memref<32x1024xi32, #tpu.memory_space<hbm>> -> memref<1x1024xi32, #tpu.memory_space<hbm>>
      %dma_start3A_16 = tpu.memref_squeeze %dma_start3A_15 : memref<1x1024xi32, #tpu.memory_space<hbm>> -> memref<1024xi32, #tpu.memory_space<hbm>>
      tpu.enqueue_dma source(%dma_start3A_16 : memref<1024xi32, #tpu.memory_space<hbm>>) target(%arg6 : memref<1024xi32, #tpu.memory_space<vmem>>) target_semaphore(%run_scoped3A : memref<!tpu.dma_semaphore, #tpu.memory_space<semaphore_mem>>)
      %dma_wait3A = arith.constant 0 : i32
      %dma_wait3A_17 = tpu.memref_slice %arg3[%add3A, %dma_wait3A] : memref<32x1024xi32, #tpu.memory_space<hbm>> -> memref<1x1024xi32, #tpu.memory_space<hbm>>
      %dma_wait3A_18 = tpu.memref_squeeze %dma_wait3A_17 : memref<1x1024xi32, #tpu.memory_space<hbm>> -> memref<1024xi32, #tpu.memory_space<hbm>>
      %dma_wait3A_19 = arith.constant 0 : i32
      %dma_wait3A_20 = tpu.memref_slice %arg3[%add3A, %dma_wait3A_19] : memref<32x1024xi32, #tpu.memory_space<hbm>> -> memref<1x1024xi32, #tpu.memory_space<hbm>>
      %dma_wait3A_21 = tpu.memref_squeeze %dma_wait3A_20 : memref<1x1024xi32, #tpu.memory_space<hbm>> -> memref<1024xi32, #tpu.memory_space<hbm>>
      tpu.wait_dma2 semaphore(%run_scoped3A : memref<!tpu.dma_semaphore, #tpu.memory_space<semaphore_mem>>) src(%dma_wait3A_21 : memref<1024xi32, #tpu.memory_space<hbm>>) dst(%arg6 : memref<1024xi32, #tpu.memory_space<vmem>>)
      tpu.yield
    }) : () -> ()
    %scan3A = arith.constant 0 : i32
    %scan3A_1 = arith.constant 0 : i32
    %scan3A_2 = arith.constant 64 : i32
    %scan3A_3 = arith.addi %scan3A_1, %scan3A_2 : i32
    %scan3A_4 = arith.constant 1 : i32
    scf.for %scan3A_12 = %scan3A_1 to %scan3A_3 step %scan3A_4  : i32 {
      %mul3A_13 = arith.constant 16 : i32
      %mul3A_14 = arith.muli %scan3A_12, %mul3A_13 : i32
      %get3A = arith.index_cast %mul3A_14 : i32 to index
      %get3A_15 = tpu.vector_load %arg6[%get3A] {strides = array<i32>} : memref<1024xi32, #tpu.memory_space<vmem>>, vector<16xi32>,
      %get3A_16 = vector.shape_cast %get3A_15 : vector<16xi32> to vector<16xi32>
      %slice3A = vector.extract_strided_slice %get3A_16 {offsets = [0], sizes = [1], strides = [1]} : vector<16xi32> to vector<1xi32>
      %squeeze3A = vector.extract %slice3A[0] : i32 from vector<1xi32>
      %mul3A_17 = arith.constant 16 : i32
      %mul3A_18 = arith.muli %scan3A_12, %mul3A_17 : i32
      %add3A_19 = arith.constant 0 : i32
      %add3A_20 = arith.addi %mul3A_18, %add3A_19 : i32
      %dma_start3A = arith.constant 0 : i32
      %dma_start3A_21 = tpu.memref_slice %arg5[%squeeze3A, %dma_start3A] : memref<16x1024xf32, #tpu.memory_space<vmem>> -> memref<1x1024xf32, #tpu.memory_space<vmem>>
      %dma_start3A_22 = tpu.memref_squeeze %dma_start3A_21 : memref<1x1024xf32, #tpu.memory_space<vmem>> -> memref<1024xf32, #tpu.memory_space<vmem>>
      %dma_start3A_23 = arith.constant 0 : i32
      %dma_start3A_24 = tpu.memref_slice %arg4[%add3A, %add3A_20, %dma_start3A_23] : memref<32x1024x1024xf32, #tpu.memory_space<hbm>> -> memref<1x1x1024xf32, #tpu.memory_space<hbm>>
      %dma_start3A_25 = tpu.memref_squeeze %dma_start3A_24 : memref<1x1x1024xf32, #tpu.memory_space<hbm>> -> memref<1024xf32, #tpu.memory_space<hbm>>
      %dma_start3A_26 = arith.constant 0 : i32
      %dma_start3A_27 = tpu.memref_slice %arg4[%add3A, %add3A_20, %dma_start3A_26] : memref<32x1024x1024xf32, #tpu.memory_space<hbm>> -> memref<1x1x1024xf32, #tpu.memory_space<hbm>>
      %dma_start3A_28 = tpu.memref_squeeze %dma_start3A_27 : memref<1x1x1024xf32, #tpu.memory_space<hbm>> -> memref<1024xf32, #tpu.memory_space<hbm>>
      %dma_start3A_29 = arith.constant 0 : i32
      %dma_start3A_30 = tpu.memref_slice %arg5[%squeeze3A, %dma_start3A_29] : memref<16x1024xf32, #tpu.memory_space<vmem>> -> memref<1x1024xf32, #tpu.memory_space<vmem>>
      %dma_start3A_31 = tpu.memref_squeeze %dma_start3A_30 : memref<1x1024xf32, #tpu.memory_space<vmem>> -> memref<1024xf32, #tpu.memory_space<vmem>>
      tpu.enqueue_dma source(%dma_start3A_31 : memref<1024xf32, #tpu.memory_space<vmem>>) target(%dma_start3A_28 : memref<1024xf32, #tpu.memory_space<hbm>>) target_semaphore(%arg7 : memref<!tpu.dma_semaphore, #tpu.memory_space<semaphore_mem>>)
      %slice3A_32 = vector.extract_strided_slice %get3A_16 {offsets = [1], sizes = [1], strides = [1]} : vector<16xi32> to vector<1xi32>
      %squeeze3A_33 = vector.extract %slice3A_32[0] : i32 from vector<1xi32>
      %mul3A_34 = arith.constant 16 : i32
      %mul3A_35 = arith.muli %scan3A_12, %mul3A_34 : i32
      %add3A_36 = arith.constant 1 : i32
      %add3A_37 = arith.addi %mul3A_35, %add3A_36 : i32
      %dma_start3A_38 = arith.constant 0 : i32
      %dma_start3A_39 = tpu.memref_slice %arg5[%squeeze3A_33, %dma_start3A_38] : memref<16x1024xf32, #tpu.memory_space<vmem>> -> memref<1x1024xf32, #tpu.memory_space<vmem>>
      %dma_start3A_40 = tpu.memref_squeeze %dma_start3A_39 : memref<1x1024xf32, #tpu.memory_space<vmem>> -> memref<1024xf32, #tpu.memory_space<vmem>>
      %dma_start3A_41 = arith.constant 0 : i32
      %dma_start3A_42 = tpu.memref_slice %arg4[%add3A, %add3A_37, %dma_start3A_41] : memref<32x1024x1024xf32, #tpu.memory_space<hbm>> -> memref<1x1x1024xf32, #tpu.memory_space<hbm>>
      %dma_start3A_43 = tpu.memref_squeeze %dma_start3A_42 : memref<1x1x1024xf32, #tpu.memory_space<hbm>> -> memref<1024xf32, #tpu.memory_space<hbm>>
      %dma_start3A_44 = arith.constant 0 : i32
      %dma_start3A_45 = tpu.memref_slice %arg4[%add3A, %add3A_37, %dma_start3A_44] : memref<32x1024x1024xf32, #tpu.memory_space<hbm>> -> memref<1x1x1024xf32, #tpu.memory_space<hbm>>
      %dma_start3A_46 = tpu.memref_squeeze %dma_start3A_45 : memref<1x1x1024xf32, #tpu.memory_space<hbm>> -> memref<1024xf32, #tpu.memory_space<hbm>>
      %dma_start3A_47 = arith.constant 0 : i32
      %dma_start3A_48 = tpu.memref_slice %arg5[%squeeze3A_33, %dma_start3A_47] : memref<16x1024xf32, #tpu.memory_space<vmem>> -> memref<1x1024xf32, #tpu.memory_space<vmem>>
      %dma_start3A_49 = tpu.memref_squeeze %dma_start3A_48 : memref<1x1024xf32, #tpu.memory_space<vmem>> -> memref<1024xf32, #tpu.memory_space<vmem>>
      tpu.enqueue_dma source(%dma_start3A_49 : memref<1024xf32, #tpu.memory_space<vmem>>) target(%dma_start3A_46 : memref<1024xf32, #tpu.memory_space<hbm>>) target_semaphore(%arg7 : memref<!tpu.dma_semaphore, #tpu.memory_space<semaphore_mem>>)
      %slice3A_50 = vector.extract_strided_slice %get3A_16 {offsets = [2], sizes = [1], strides = [1]} : vector<16xi32> to vector<1xi32>
      %squeeze3A_51 = vector.extract %slice3A_50[0] : i32 from vector<1xi32>
      %mul3A_52 = arith.constant 16 : i32
      %mul3A_53 = arith.muli %scan3A_12, %mul3A_52 : i32
      %add3A_54 = arith.constant 2 : i32
      %add3A_55 = arith.addi %mul3A_53, %add3A_54 : i32
      %dma_start3A_56 = arith.constant 0 : i32
      %dma_start3A_57 = tpu.memref_slice %arg5[%squeeze3A_51, %dma_start3A_56] : memref<16x1024xf32, #tpu.memory_space<vmem>> -> memref<1x1024xf32, #tpu.memory_space<vmem>>
      %dma_start3A_58 = tpu.memref_squeeze %dma_start3A_57 : memref<1x1024xf32, #tpu.memory_space<vmem>> -> memref<1024xf32, #tpu.memory_space<vmem>>
      %dma_start3A_59 = arith.constant 0 : i32
      %dma_start3A_60 = tpu.memref_slice %arg4[%add3A, %add3A_55, %dma_start3A_59] : memref<32x1024x1024xf32, #tpu.memory_space<hbm>> -> memref<1x1x1024xf32, #tpu.memory_space<hbm>>
      %dma_start3A_61 = tpu.memref_squeeze %dma_start3A_60 : memref<1x1x1024xf32, #tpu.memory_space<hbm>> -> memref<1024xf32, #tpu.memory_space<hbm>>
      %dma_start3A_62 = arith.constant 0 : i32
      %dma_start3A_63 = tpu.memref_slice %arg4[%add3A, %add3A_55, %dma_start3A_62] : memref<32x1024x1024xf32, #tpu.memory_space<hbm>> -> memref<1x1x1024xf32, #tpu.memory_space<hbm>>
      %dma_start3A_64 = tpu.memref_squeeze %dma_start3A_63 : memref<1x1x1024xf32, #tpu.memory_space<hbm>> -> memref<1024xf32, #tpu.memory_space<hbm>>
      %dma_start3A_65 = arith.constant 0 : i32
      %dma_start3A_66 = tpu.memref_slice %arg5[%squeeze3A_51, %dma_start3A_65] : memref<16x1024xf32, #tpu.memory_space<vmem>> -> memref<1x1024xf32, #tpu.memory_space<vmem>>
      %dma_start3A_67 = tpu.memref_squeeze %dma_start3A_66 : memref<1x1024xf32, #tpu.memory_space<vmem>> -> memref<1024xf32, #tpu.memory_space<vmem>>
      tpu.enqueue_dma source(%dma_start3A_67 : memref<1024xf32, #tpu.memory_space<vmem>>) target(%dma_start3A_64 : memref<1024xf32, #tpu.memory_space<hbm>>) target_semaphore(%arg7 : memref<!tpu.dma_semaphore, #tpu.memory_space<semaphore_mem>>)
      %slice3A_68 = vector.extract_strided_slice %get3A_16 {offsets = [3], sizes = [1], strides = [1]} : vector<16xi32> to vector<1xi32>
      %squeeze3A_69 = vector.extract %slice3A_68[0] : i32 from vector<1xi32>
      %mul3A_70 = arith.constant 16 : i32
      %mul3A_71 = arith.muli %scan3A_12, %mul3A_70 : i32
      %add3A_72 = arith.constant 3 : i32
      %add3A_73 = arith.addi %mul3A_71, %add3A_72 : i32
      %dma_start3A_74 = arith.constant 0 : i32
      %dma_start3A_75 = tpu.memref_slice %arg5[%squeeze3A_69, %dma_start3A_74] : memref<16x1024xf32, #tpu.memory_space<vmem>> -> memref<1x1024xf32, #tpu.memory_space<vmem>>
      %dma_start3A_76 = tpu.memref_squeeze %dma_start3A_75 : memref<1x1024xf32, #tpu.memory_space<vmem>> -> memref<1024xf32, #tpu.memory_space<vmem>>
      %dma_start3A_77 = arith.constant 0 : i32
      %dma_start3A_78 = tpu.memref_slice %arg4[%add3A, %add3A_73, %dma_start3A_77] : memref<32x1024x1024xf32, #tpu.memory_space<hbm>> -> memref<1x1x1024xf32, #tpu.memory_space<hbm>>
      %dma_start3A_79 = tpu.memref_squeeze %dma_start3A_78 : memref<1x1x1024xf32, #tpu.memory_space<hbm>> -> memref<1024xf32, #tpu.memory_space<hbm>>
      %dma_start3A_80 = arith.constant 0 : i32
      %dma_start3A_81 = tpu.memref_slice %arg4[%add3A, %add3A_73, %dma_start3A_80] : memref<32x1024x1024xf32, #tpu.memory_space<hbm>> -> memref<1x1x1024xf32, #tpu.memory_space<hbm>>
      %dma_start3A_82 = tpu.memref_squeeze %dma_start3A_81 : memref<1x1x1024xf32, #tpu.memory_space<hbm>> -> memref<1024xf32, #tpu.memory_space<hbm>>
      %dma_start3A_83 = arith.constant 0 : i32
      %dma_start3A_84 = tpu.memref_slice %arg5[%squeeze3A_69, %dma_start3A_83] : memref<16x1024xf32, #tpu.memory_space<vmem>> -> memref<1x1024xf32, #tpu.memory_space<vmem>>
      %dma_start3A_85 = tpu.memref_squeeze %dma_start3A_84 : memref<1x1024xf32, #tpu.memory_space<vmem>> -> memref<1024xf32, #tpu.memory_space<vmem>>
      tpu.enqueue_dma source(%dma_start3A_85 : memref<1024xf32, #tpu.memory_space<vmem>>) target(%dma_start3A_82 : memref<1024xf32, #tpu.memory_space<hbm>>) target_semaphore(%arg7 : memref<!tpu.dma_semaphore, #tpu.memory_space<semaphore_mem>>)
      %slice3A_86 = vector.extract_strided_slice %get3A_16 {offsets = [4], sizes = [1], strides = [1]} : vector<16xi32> to vector<1xi32>
      %squeeze3A_87 = vector.extract %slice3A_86[0] : i32 from vector<1xi32>
      %mul3A_88 = arith.constant 16 : i32
      %mul3A_89 = arith.muli %scan3A_12, %mul3A_88 : i32
      %add3A_90 = arith.constant 4 : i32
      %add3A_91 = arith.addi %mul3A_89, %add3A_90 : i32
      %dma_start3A_92 = arith.constant 0 : i32
      %dma_start3A_93 = tpu.memref_slice %arg5[%squeeze3A_87, %dma_start3A_92] : memref<16x1024xf32, #tpu.memory_space<vmem>> -> memref<1x1024xf32, #tpu.memory_space<vmem>>
      %dma_start3A_94 = tpu.memref_squeeze %dma_start3A_93 : memref<1x1024xf32, #tpu.memory_space<vmem>> -> memref<1024xf32, #tpu.memory_space<vmem>>
      %dma_start3A_95 = arith.constant 0 : i32
      %dma_start3A_96 = tpu.memref_slice %arg4[%add3A, %add3A_91, %dma_start3A_95] : memref<32x1024x1024xf32, #tpu.memory_space<hbm>> -> memref<1x1x1024xf32, #tpu.memory_space<hbm>>
      %dma_start3A_97 = tpu.memref_squeeze %dma_start3A_96 : memref<1x1x1024xf32, #tpu.memory_space<hbm>> -> memref<1024xf32, #tpu.memory_space<hbm>>
      %dma_start3A_98 = arith.constant 0 : i32
      %dma_start3A_99 = tpu.memref_slice %arg4[%add3A, %add3A_91, %dma_start3A_98] : memref<32x1024x1024xf32, #tpu.memory_space<hbm>> -> memref<1x1x1024xf32, #tpu.memory_space<hbm>>
      %dma_start3A_100 = tpu.memref_squeeze %dma_start3A_99 : memref<1x1x1024xf32, #tpu.memory_space<hbm>> -> memref<1024xf32, #tpu.memory_space<hbm>>
      %dma_start3A_101 = arith.constant 0 : i32
      %dma_start3A_102 = tpu.memref_slice %arg5[%squeeze3A_87, %dma_start3A_101] : memref<16x1024xf32, #tpu.memory_space<vmem>> -> memref<1x1024xf32, #tpu.memory_space<vmem>>
      %dma_start3A_103 = tpu.memref_squeeze %dma_start3A_102 : memref<1x1024xf32, #tpu.memory_space<vmem>> -> memref<1024xf32, #tpu.memory_space<vmem>>
      tpu.enqueue_dma source(%dma_start3A_103 : memref<1024xf32, #tpu.memory_space<vmem>>) target(%dma_start3A_100 : memref<1024xf32, #tpu.memory_space<hbm>>) target_semaphore(%arg7 : memref<!tpu.dma_semaphore, #tpu.memory_space<semaphore_mem>>)
      %slice3A_104 = vector.extract_strided_slice %get3A_16 {offsets = [5], sizes = [1], strides = [1]} : vector<16xi32> to vector<1xi32>
      %squeeze3A_105 = vector.extract %slice3A_104[0] : i32 from vector<1xi32>
      %mul3A_106 = arith.constant 16 : i32
      %mul3A_107 = arith.muli %scan3A_12, %mul3A_106 : i32
      %add3A_108 = arith.constant 5 : i32
      %add3A_109 = arith.addi %mul3A_107, %add3A_108 : i32
      %dma_start3A_110 = arith.constant 0 : i32
      %dma_start3A_111 = tpu.memref_slice %arg5[%squeeze3A_105, %dma_start3A_110] : memref<16x1024xf32, #tpu.memory_space<vmem>> -> memref<1x1024xf32, #tpu.memory_space<vmem>>
      %dma_start3A_112 = tpu.memref_squeeze %dma_start3A_111 : memref<1x1024xf32, #tpu.memory_space<vmem>> -> memref<1024xf32, #tpu.memory_space<vmem>>
      %dma_start3A_113 = arith.constant 0 : i32
      %dma_start3A_114 = tpu.memref_slice %arg4[%add3A, %add3A_109, %dma_start3A_113] : memref<32x1024x1024xf32, #tpu.memory_space<hbm>> -> memref<1x1x1024xf32, #tpu.memory_space<hbm>>
      %dma_start3A_115 = tpu.memref_squeeze %dma_start3A_114 : memref<1x1x1024xf32, #tpu.memory_space<hbm>> -> memref<1024xf32, #tpu.memory_space<hbm>>
      %dma_start3A_116 = arith.constant 0 : i32
      %dma_start3A_117 = tpu.memref_slice %arg4[%add3A, %add3A_109, %dma_start3A_116] : memref<32x1024x1024xf32, #tpu.memory_space<hbm>> -> memref<1x1x1024xf32, #tpu.memory_space<hbm>>
      %dma_start3A_118 = tpu.memref_squeeze %dma_start3A_117 : memref<1x1x1024xf32, #tpu.memory_space<hbm>> -> memref<1024xf32, #tpu.memory_space<hbm>>
      %dma_start3A_119 = arith.constant 0 : i32
      %dma_start3A_120 = tpu.memref_slice %arg5[%squeeze3A_105, %dma_start3A_119] : memref<16x1024xf32, #tpu.memory_space<vmem>> -> memref<1x1024xf32, #tpu.memory_space<vmem>>
      %dma_start3A_121 = tpu.memref_squeeze %dma_start3A_120 : memref<1x1024xf32, #tpu.memory_space<vmem>> -> memref<1024xf32, #tpu.memory_space<vmem>>
      tpu.enqueue_dma source(%dma_start3A_121 : memref<1024xf32, #tpu.memory_space<vmem>>) target(%dma_start3A_118 : memref<1024xf32, #tpu.memory_space<hbm>>) target_semaphore(%arg7 : memref<!tpu.dma_semaphore, #tpu.memory_space<semaphore_mem>>)
      %slice3A_122 = vector.extract_strided_slice %get3A_16 {offsets = [6], sizes = [1], strides = [1]} : vector<16xi32> to vector<1xi32>
      %squeeze3A_123 = vector.extract %slice3A_122[0] : i32 from vector<1xi32>
      %mul3A_124 = arith.constant 16 : i32
      %mul3A_125 = arith.muli %scan3A_12, %mul3A_124 : i32
      %add3A_126 = arith.constant 6 : i32
      %add3A_127 = arith.addi %mul3A_125, %add3A_126 : i32
      %dma_start3A_128 = arith.constant 0 : i32
      %dma_start3A_129 = tpu.memref_slice %arg5[%squeeze3A_123, %dma_start3A_128] : memref<16x1024xf32, #tpu.memory_space<vmem>> -> memref<1x1024xf32, #tpu.memory_space<vmem>>
      %dma_start3A_130 = tpu.memref_squeeze %dma_start3A_129 : memref<1x1024xf32, #tpu.memory_space<vmem>> -> memref<1024xf32, #tpu.memory_space<vmem>>
      %dma_start3A_131 = arith.constant 0 : i32
      %dma_start3A_132 = tpu.memref_slice %arg4[%add3A, %add3A_127, %dma_start3A_131] : memref<32x1024x1024xf32, #tpu.memory_space<hbm>> -> memref<1x1x1024xf32, #tpu.memory_space<hbm>>
      %dma_start3A_133 = tpu.memref_squeeze %dma_start3A_132 : memref<1x1x1024xf32, #tpu.memory_space<hbm>> -> memref<1024xf32, #tpu.memory_space<hbm>>
      %dma_start3A_134 = arith.constant 0 : i32
      %dma_start3A_135 = tpu.memref_slice %arg4[%add3A, %add3A_127, %dma_start3A_134] : memref<32x1024x1024xf32, #tpu.memory_space<hbm>> -> memref<1x1x1024xf32, #tpu.memory_space<hbm>>
      %dma_start3A_136 = tpu.memref_squeeze %dma_start3A_135 : memref<1x1x1024xf32, #tpu.memory_space<hbm>> -> memref<1024xf32, #tpu.memory_space<hbm>>
      %dma_start3A_137 = arith.constant 0 : i32
      %dma_start3A_138 = tpu.memref_slice %arg5[%squeeze3A_123, %dma_start3A_137] : memref<16x1024xf32, #tpu.memory_space<vmem>> -> memref<1x1024xf32, #tpu.memory_space<vmem>>
      %dma_start3A_139 = tpu.memref_squeeze %dma_start3A_138 : memref<1x1024xf32, #tpu.memory_space<vmem>> -> memref<1024xf32, #tpu.memory_space<vmem>>
      tpu.enqueue_dma source(%dma_start3A_139 : memref<1024xf32, #tpu.memory_space<vmem>>) target(%dma_start3A_136 : memref<1024xf32, #tpu.memory_space<hbm>>) target_semaphore(%arg7 : memref<!tpu.dma_semaphore, #tpu.memory_space<semaphore_mem>>)
      %slice3A_140 = vector.extract_strided_slice %get3A_16 {offsets = [7], sizes = [1], strides = [1]} : vector<16xi32> to vector<1xi32>
      %squeeze3A_141 = vector.extract %slice3A_140[0] : i32 from vector<1xi32>
      %mul3A_142 = arith.constant 16 : i32
      %mul3A_143 = arith.muli %scan3A_12, %mul3A_142 : i32
      %add3A_144 = arith.constant 7 : i32
      %add3A_145 = arith.addi %mul3A_143, %add3A_144 : i32
      %dma_start3A_146 = arith.constant 0 : i32
      %dma_start3A_147 = tpu.memref_slice %arg5[%squeeze3A_141, %dma_start3A_146] : memref<16x1024xf32, #tpu.memory_space<vmem>> -> memref<1x1024xf32, #tpu.memory_space<vmem>>
      %dma_start3A_148 = tpu.memref_squeeze %dma_start3A_147 : memref<1x1024xf32, #tpu.memory_space<vmem>> -> memref<1024xf32, #tpu.memory_space<vmem>>
      %dma_start3A_149 = arith.constant 0 : i32
      %dma_start3A_150 = tpu.memref_slice %arg4[%add3A, %add3A_145, %dma_start3A_149] : memref<32x1024x1024xf32, #tpu.memory_space<hbm>> -> memref<1x1x1024xf32, #tpu.memory_space<hbm>>
      %dma_start3A_151 = tpu.memref_squeeze %dma_start3A_150 : memref<1x1x1024xf32, #tpu.memory_space<hbm>> -> memref<1024xf32, #tpu.memory_space<hbm>>
      %dma_start3A_152 = arith.constant 0 : i32
      %dma_start3A_153 = tpu.memref_slice %arg4[%add3A, %add3A_145, %dma_start3A_152] : memref<32x1024x1024xf32, #tpu.memory_space<hbm>> -> memref<1x1x1024xf32, #tpu.memory_space<hbm>>
      %dma_start3A_154 = tpu.memref_squeeze %dma_start3A_153 : memref<1x1x1024xf32, #tpu.memory_space<hbm>> -> memref<1024xf32, #tpu.memory_space<hbm>>
      %dma_start3A_155 = arith.constant 0 : i32
      %dma_start3A_156 = tpu.memref_slice %arg5[%squeeze3A_141, %dma_start3A_155] : memref<16x1024xf32, #tpu.memory_space<vmem>> -> memref<1x1024xf32, #tpu.memory_space<vmem>>
      %dma_start3A_157 = tpu.memref_squeeze %dma_start3A_156 : memref<1x1024xf32, #tpu.memory_space<vmem>> -> memref<1024xf32, #tpu.memory_space<vmem>>
      tpu.enqueue_dma source(%dma_start3A_157 : memref<1024xf32, #tpu.memory_space<vmem>>) target(%dma_start3A_154 : memref<1024xf32, #tpu.memory_space<hbm>>) target_semaphore(%arg7 : memref<!tpu.dma_semaphore, #tpu.memory_space<semaphore_mem>>)
      %slice3A_158 = vector.extract_strided_slice %get3A_16 {offsets = [8], sizes = [1], strides = [1]} : vector<16xi32> to vector<1xi32>
      %squeeze3A_159 = vector.extract %slice3A_158[0] : i32 from vector<1xi32>
      %mul3A_160 = arith.constant 16 : i32
      %mul3A_161 = arith.muli %scan3A_12, %mul3A_160 : i32
      %add3A_162 = arith.constant 8 : i32
      %add3A_163 = arith.addi %mul3A_161, %add3A_162 : i32
      %dma_start3A_164 = arith.constant 0 : i32
      %dma_start3A_165 = tpu.memref_slice %arg5[%squeeze3A_159, %dma_start3A_164] : memref<16x1024xf32, #tpu.memory_space<vmem>> -> memref<1x1024xf32, #tpu.memory_space<vmem>>
      %dma_start3A_166 = tpu.memref_squeeze %dma_start3A_165 : memref<1x1024xf32, #tpu.memory_space<vmem>> -> memref<1024xf32, #tpu.memory_space<vmem>>
      %dma_start3A_167 = arith.constant 0 : i32
      %dma_start3A_168 = tpu.memref_slice %arg4[%add3A, %add3A_163, %dma_start3A_167] : memref<32x1024x1024xf32, #tpu.memory_space<hbm>> -> memref<1x1x1024xf32, #tpu.memory_space<hbm>>
      %dma_start3A_169 = tpu.memref_squeeze %dma_start3A_168 : memref<1x1x1024xf32, #tpu.memory_space<hbm>> -> memref<1024xf32, #tpu.memory_space<hbm>>
      %dma_start3A_170 = arith.constant 0 : i32
      %dma_start3A_171 = tpu.memref_slice %arg4[%add3A, %add3A_163, %dma_start3A_170] : memref<32x1024x1024xf32, #tpu.memory_space<hbm>> -> memref<1x1x1024xf32, #tpu.memory_space<hbm>>
      %dma_start3A_172 = tpu.memref_squeeze %dma_start3A_171 : memref<1x1x1024xf32, #tpu.memory_space<hbm>> -> memref<1024xf32, #tpu.memory_space<hbm>>
      %dma_start3A_173 = arith.constant 0 : i32
      %dma_start3A_174 = tpu.memref_slice %arg5[%squeeze3A_159, %dma_start3A_173] : memref<16x1024xf32, #tpu.memory_space<vmem>> -> memref<1x1024xf32, #tpu.memory_space<vmem>>
      %dma_start3A_175 = tpu.memref_squeeze %dma_start3A_174 : memref<1x1024xf32, #tpu.memory_space<vmem>> -> memref<1024xf32, #tpu.memory_space<vmem>>
      tpu.enqueue_dma source(%dma_start3A_175 : memref<1024xf32, #tpu.memory_space<vmem>>) target(%dma_start3A_172 : memref<1024xf32, #tpu.memory_space<hbm>>) target_semaphore(%arg7 : memref<!tpu.dma_semaphore, #tpu.memory_space<semaphore_mem>>)
      %slice3A_176 = vector.extract_strided_slice %get3A_16 {offsets = [9], sizes = [1], strides = [1]} : vector<16xi32> to vector<1xi32>
      %squeeze3A_177 = vector.extract %slice3A_176[0] : i32 from vector<1xi32>
      %mul3A_178 = arith.constant 16 : i32
      %mul3A_179 = arith.muli %scan3A_12, %mul3A_178 : i32
      %add3A_180 = arith.constant 9 : i32
      %add3A_181 = arith.addi %mul3A_179, %add3A_180 : i32
      %dma_start3A_182 = arith.constant 0 : i32
      %dma_start3A_183 = tpu.memref_slice %arg5[%squeeze3A_177, %dma_start3A_182] : memref<16x1024xf32, #tpu.memory_space<vmem>> -> memref<1x1024xf32, #tpu.memory_space<vmem>>
      %dma_start3A_184 = tpu.memref_squeeze %dma_start3A_183 : memref<1x1024xf32, #tpu.memory_space<vmem>> -> memref<1024xf32, #tpu.memory_space<vmem>>
      %dma_start3A_185 = arith.constant 0 : i32
      %dma_start3A_186 = tpu.memref_slice %arg4[%add3A, %add3A_181, %dma_start3A_185] : memref<32x1024x1024xf32, #tpu.memory_space<hbm>> -> memref<1x1x1024xf32, #tpu.memory_space<hbm>>
      %dma_start3A_187 = tpu.memref_squeeze %dma_start3A_186 : memref<1x1x1024xf32, #tpu.memory_space<hbm>> -> memref<1024xf32, #tpu.memory_space<hbm>>
      %dma_start3A_188 = arith.constant 0 : i32
      %dma_start3A_189 = tpu.memref_slice %arg4[%add3A, %add3A_181, %dma_start3A_188] : memref<32x1024x1024xf32, #tpu.memory_space<hbm>> -> memref<1x1x1024xf32, #tpu.memory_space<hbm>>
      %dma_start3A_190 = tpu.memref_squeeze %dma_start3A_189 : memref<1x1x1024xf32, #tpu.memory_space<hbm>> -> memref<1024xf32, #tpu.memory_space<hbm>>
      %dma_start3A_191 = arith.constant 0 : i32
      %dma_start3A_192 = tpu.memref_slice %arg5[%squeeze3A_177, %dma_start3A_191] : memref<16x1024xf32, #tpu.memory_space<vmem>> -> memref<1x1024xf32, #tpu.memory_space<vmem>>
      %dma_start3A_193 = tpu.memref_squeeze %dma_start3A_192 : memref<1x1024xf32, #tpu.memory_space<vmem>> -> memref<1024xf32, #tpu.memory_space<vmem>>
      tpu.enqueue_dma source(%dma_start3A_193 : memref<1024xf32, #tpu.memory_space<vmem>>) target(%dma_start3A_190 : memref<1024xf32, #tpu.memory_space<hbm>>) target_semaphore(%arg7 : memref<!tpu.dma_semaphore, #tpu.memory_space<semaphore_mem>>)
      %slice3A_194 = vector.extract_strided_slice %get3A_16 {offsets = [10], sizes = [1], strides = [1]} : vector<16xi32> to vector<1xi32>
      %squeeze3A_195 = vector.extract %slice3A_194[0] : i32 from vector<1xi32>
      %mul3A_196 = arith.constant 16 : i32
      %mul3A_197 = arith.muli %scan3A_12, %mul3A_196 : i32
      %add3A_198 = arith.constant 10 : i32
      %add3A_199 = arith.addi %mul3A_197, %add3A_198 : i32
      %dma_start3A_200 = arith.constant 0 : i32
      %dma_start3A_201 = tpu.memref_slice %arg5[%squeeze3A_195, %dma_start3A_200] : memref<16x1024xf32, #tpu.memory_space<vmem>> -> memref<1x1024xf32, #tpu.memory_space<vmem>>
      %dma_start3A_202 = tpu.memref_squeeze %dma_start3A_201 : memref<1x1024xf32, #tpu.memory_space<vmem>> -> memref<1024xf32, #tpu.memory_space<vmem>>
      %dma_start3A_203 = arith.constant 0 : i32
      %dma_start3A_204 = tpu.memref_slice %arg4[%add3A, %add3A_199, %dma_start3A_203] : memref<32x1024x1024xf32, #tpu.memory_space<hbm>> -> memref<1x1x1024xf32, #tpu.memory_space<hbm>>
      %dma_start3A_205 = tpu.memref_squeeze %dma_start3A_204 : memref<1x1x1024xf32, #tpu.memory_space<hbm>> -> memref<1024xf32, #tpu.memory_space<hbm>>
      %dma_start3A_206 = arith.constant 0 : i32
      %dma_start3A_207 = tpu.memref_slice %arg4[%add3A, %add3A_199, %dma_start3A_206] : memref<32x1024x1024xf32, #tpu.memory_space<hbm>> -> memref<1x1x1024xf32, #tpu.memory_space<hbm>>
      %dma_start3A_208 = tpu.memref_squeeze %dma_start3A_207 : memref<1x1x1024xf32, #tpu.memory_space<hbm>> -> memref<1024xf32, #tpu.memory_space<hbm>>
      %dma_start3A_209 = arith.constant 0 : i32
      %dma_start3A_210 = tpu.memref_slice %arg5[%squeeze3A_195, %dma_start3A_209] : memref<16x1024xf32, #tpu.memory_space<vmem>> -> memref<1x1024xf32, #tpu.memory_space<vmem>>
      %dma_start3A_211 = tpu.memref_squeeze %dma_start3A_210 : memref<1x1024xf32, #tpu.memory_space<vmem>> -> memref<1024xf32, #tpu.memory_space<vmem>>
      tpu.enqueue_dma source(%dma_start3A_211 : memref<1024xf32, #tpu.memory_space<vmem>>) target(%dma_start3A_208 : memref<1024xf32, #tpu.memory_space<hbm>>) target_semaphore(%arg7 : memref<!tpu.dma_semaphore, #tpu.memory_space<semaphore_mem>>)
      %slice3A_212 = vector.extract_strided_slice %get3A_16 {offsets = [11], sizes = [1], strides = [1]} : vector<16xi32> to vector<1xi32>
      %squeeze3A_213 = vector.extract %slice3A_212[0] : i32 from vector<1xi32>
      %mul3A_214 = arith.constant 16 : i32
      %mul3A_215 = arith.muli %scan3A_12, %mul3A_214 : i32
      %add3A_216 = arith.constant 11 : i32
      %add3A_217 = arith.addi %mul3A_215, %add3A_216 : i32
      %dma_start3A_218 = arith.constant 0 : i32
      %dma_start3A_219 = tpu.memref_slice %arg5[%squeeze3A_213, %dma_start3A_218] : memref<16x1024xf32, #tpu.memory_space<vmem>> -> memref<1x1024xf32, #tpu.memory_space<vmem>>
      %dma_start3A_220 = tpu.memref_squeeze %dma_start3A_219 : memref<1x1024xf32, #tpu.memory_space<vmem>> -> memref<1024xf32, #tpu.memory_space<vmem>>
      %dma_start3A_221 = arith.constant 0 : i32
      %dma_start3A_222 = tpu.memref_slice %arg4[%add3A, %add3A_217, %dma_start3A_221] : memref<32x1024x1024xf32, #tpu.memory_space<hbm>> -> memref<1x1x1024xf32, #tpu.memory_space<hbm>>
      %dma_start3A_223 = tpu.memref_squeeze %dma_start3A_222 : memref<1x1x1024xf32, #tpu.memory_space<hbm>> -> memref<1024xf32, #tpu.memory_space<hbm>>
      %dma_start3A_224 = arith.constant 0 : i32
      %dma_start3A_225 = tpu.memref_slice %arg4[%add3A, %add3A_217, %dma_start3A_224] : memref<32x1024x1024xf32, #tpu.memory_space<hbm>> -> memref<1x1x1024xf32, #tpu.memory_space<hbm>>
      %dma_start3A_226 = tpu.memref_squeeze %dma_start3A_225 : memref<1x1x1024xf32, #tpu.memory_space<hbm>> -> memref<1024xf32, #tpu.memory_space<hbm>>
      %dma_start3A_227 = arith.constant 0 : i32
      %dma_start3A_228 = tpu.memref_slice %arg5[%squeeze3A_213, %dma_start3A_227] : memref<16x1024xf32, #tpu.memory_space<vmem>> -> memref<1x1024xf32, #tpu.memory_space<vmem>>
      %dma_start3A_229 = tpu.memref_squeeze %dma_start3A_228 : memref<1x1024xf32, #tpu.memory_space<vmem>> -> memref<1024xf32, #tpu.memory_space<vmem>>
      tpu.enqueue_dma source(%dma_start3A_229 : memref<1024xf32, #tpu.memory_space<vmem>>) target(%dma_start3A_226 : memref<1024xf32, #tpu.memory_space<hbm>>) target_semaphore(%arg7 : memref<!tpu.dma_semaphore, #tpu.memory_space<semaphore_mem>>)
      %slice3A_230 = vector.extract_strided_slice %get3A_16 {offsets = [12], sizes = [1], strides = [1]} : vector<16xi32> to vector<1xi32>
      %squeeze3A_231 = vector.extract %slice3A_230[0] : i32 from vector<1xi32>
      %mul3A_232 = arith.constant 16 : i32
      %mul3A_233 = arith.muli %scan3A_12, %mul3A_232 : i32
      %add3A_234 = arith.constant 12 : i32
      %add3A_235 = arith.addi %mul3A_233, %add3A_234 : i32
      %dma_start3A_236 = arith.constant 0 : i32
      %dma_start3A_237 = tpu.memref_slice %arg5[%squeeze3A_231, %dma_start3A_236] : memref<16x1024xf32, #tpu.memory_space<vmem>> -> memref<1x1024xf32, #tpu.memory_space<vmem>>
      %dma_start3A_238 = tpu.memref_squeeze %dma_start3A_237 : memref<1x1024xf32, #tpu.memory_space<vmem>> -> memref<1024xf32, #tpu.memory_space<vmem>>
      %dma_start3A_239 = arith.constant 0 : i32
      %dma_start3A_240 = tpu.memref_slice %arg4[%add3A, %add3A_235, %dma_start3A_239] : memref<32x1024x1024xf32, #tpu.memory_space<hbm>> -> memref<1x1x1024xf32, #tpu.memory_space<hbm>>
      %dma_start3A_241 = tpu.memref_squeeze %dma_start3A_240 : memref<1x1x1024xf32, #tpu.memory_space<hbm>> -> memref<1024xf32, #tpu.memory_space<hbm>>
      %dma_start3A_242 = arith.constant 0 : i32
      %dma_start3A_243 = tpu.memref_slice %arg4[%add3A, %add3A_235, %dma_start3A_242] : memref<32x1024x1024xf32, #tpu.memory_space<hbm>> -> memref<1x1x1024xf32, #tpu.memory_space<hbm>>
      %dma_start3A_244 = tpu.memref_squeeze %dma_start3A_243 : memref<1x1x1024xf32, #tpu.memory_space<hbm>> -> memref<1024xf32, #tpu.memory_space<hbm>>
      %dma_start3A_245 = arith.constant 0 : i32
      %dma_start3A_246 = tpu.memref_slice %arg5[%squeeze3A_231, %dma_start3A_245] : memref<16x1024xf32, #tpu.memory_space<vmem>> -> memref<1x1024xf32, #tpu.memory_space<vmem>>
      %dma_start3A_247 = tpu.memref_squeeze %dma_start3A_246 : memref<1x1024xf32, #tpu.memory_space<vmem>> -> memref<1024xf32, #tpu.memory_space<vmem>>
      tpu.enqueue_dma source(%dma_start3A_247 : memref<1024xf32, #tpu.memory_space<vmem>>) target(%dma_start3A_244 : memref<1024xf32, #tpu.memory_space<hbm>>) target_semaphore(%arg7 : memref<!tpu.dma_semaphore, #tpu.memory_space<semaphore_mem>>)
      %slice3A_248 = vector.extract_strided_slice %get3A_16 {offsets = [13], sizes = [1], strides = [1]} : vector<16xi32> to vector<1xi32>
      %squeeze3A_249 = vector.extract %slice3A_248[0] : i32 from vector<1xi32>
      %mul3A_250 = arith.constant 16 : i32
      %mul3A_251 = arith.muli %scan3A_12, %mul3A_250 : i32
      %add3A_252 = arith.constant 13 : i32
      %add3A_253 = arith.addi %mul3A_251, %add3A_252 : i32
      %dma_start3A_254 = arith.constant 0 : i32
      %dma_start3A_255 = tpu.memref_slice %arg5[%squeeze3A_249, %dma_start3A_254] : memref<16x1024xf32, #tpu.memory_space<vmem>> -> memref<1x1024xf32, #tpu.memory_space<vmem>>
      %dma_start3A_256 = tpu.memref_squeeze %dma_start3A_255 : memref<1x1024xf32, #tpu.memory_space<vmem>> -> memref<1024xf32, #tpu.memory_space<vmem>>
      %dma_start3A_257 = arith.constant 0 : i32
      %dma_start3A_258 = tpu.memref_slice %arg4[%add3A, %add3A_253, %dma_start3A_257] : memref<32x1024x1024xf32, #tpu.memory_space<hbm>> -> memref<1x1x1024xf32, #tpu.memory_space<hbm>>
      %dma_start3A_259 = tpu.memref_squeeze %dma_start3A_258 : memref<1x1x1024xf32, #tpu.memory_space<hbm>> -> memref<1024xf32, #tpu.memory_space<hbm>>
      %dma_start3A_260 = arith.constant 0 : i32
      %dma_start3A_261 = tpu.memref_slice %arg4[%add3A, %add3A_253, %dma_start3A_260] : memref<32x1024x1024xf32, #tpu.memory_space<hbm>> -> memref<1x1x1024xf32, #tpu.memory_space<hbm>>
      %dma_start3A_262 = tpu.memref_squeeze %dma_start3A_261 : memref<1x1x1024xf32, #tpu.memory_space<hbm>> -> memref<1024xf32, #tpu.memory_space<hbm>>
      %dma_start3A_263 = arith.constant 0 : i32
      %dma_start3A_264 = tpu.memref_slice %arg5[%squeeze3A_249, %dma_start3A_263] : memref<16x1024xf32, #tpu.memory_space<vmem>> -> memref<1x1024xf32, #tpu.memory_space<vmem>>
      %dma_start3A_265 = tpu.memref_squeeze %dma_start3A_264 : memref<1x1024xf32, #tpu.memory_space<vmem>> -> memref<1024xf32, #tpu.memory_space<vmem>>
      tpu.enqueue_dma source(%dma_start3A_265 : memref<1024xf32, #tpu.memory_space<vmem>>) target(%dma_start3A_262 : memref<1024xf32, #tpu.memory_space<hbm>>) target_semaphore(%arg7 : memref<!tpu.dma_semaphore, #tpu.memory_space<semaphore_mem>>)
      %slice3A_266 = vector.extract_strided_slice %get3A_16 {offsets = [14], sizes = [1], strides = [1]} : vector<16xi32> to vector<1xi32>
      %squeeze3A_267 = vector.extract %slice3A_266[0] : i32 from vector<1xi32>
      %mul3A_268 = arith.constant 16 : i32
      %mul3A_269 = arith.muli %scan3A_12, %mul3A_268 : i32
      %add3A_270 = arith.constant 14 : i32
      %add3A_271 = arith.addi %mul3A_269, %add3A_270 : i32
      %dma_start3A_272 = arith.constant 0 : i32
      %dma_start3A_273 = tpu.memref_slice %arg5[%squeeze3A_267, %dma_start3A_272] : memref<16x1024xf32, #tpu.memory_space<vmem>> -> memref<1x1024xf32, #tpu.memory_space<vmem>>
      %dma_start3A_274 = tpu.memref_squeeze %dma_start3A_273 : memref<1x1024xf32, #tpu.memory_space<vmem>> -> memref<1024xf32, #tpu.memory_space<vmem>>
      %dma_start3A_275 = arith.constant 0 : i32
      %dma_start3A_276 = tpu.memref_slice %arg4[%add3A, %add3A_271, %dma_start3A_275] : memref<32x1024x1024xf32, #tpu.memory_space<hbm>> -> memref<1x1x1024xf32, #tpu.memory_space<hbm>>
      %dma_start3A_277 = tpu.memref_squeeze %dma_start3A_276 : memref<1x1x1024xf32, #tpu.memory_space<hbm>> -> memref<1024xf32, #tpu.memory_space<hbm>>
      %dma_start3A_278 = arith.constant 0 : i32
      %dma_start3A_279 = tpu.memref_slice %arg4[%add3A, %add3A_271, %dma_start3A_278] : memref<32x1024x1024xf32, #tpu.memory_space<hbm>> -> memref<1x1x1024xf32, #tpu.memory_space<hbm>>
      %dma_start3A_280 = tpu.memref_squeeze %dma_start3A_279 : memref<1x1x1024xf32, #tpu.memory_space<hbm>> -> memref<1024xf32, #tpu.memory_space<hbm>>
      %dma_start3A_281 = arith.constant 0 : i32
      %dma_start3A_282 = tpu.memref_slice %arg5[%squeeze3A_267, %dma_start3A_281] : memref<16x1024xf32, #tpu.memory_space<vmem>> -> memref<1x1024xf32, #tpu.memory_space<vmem>>
      %dma_start3A_283 = tpu.memref_squeeze %dma_start3A_282 : memref<1x1024xf32, #tpu.memory_space<vmem>> -> memref<1024xf32, #tpu.memory_space<vmem>>
      tpu.enqueue_dma source(%dma_start3A_283 : memref<1024xf32, #tpu.memory_space<vmem>>) target(%dma_start3A_280 : memref<1024xf32, #tpu.memory_space<hbm>>) target_semaphore(%arg7 : memref<!tpu.dma_semaphore, #tpu.memory_space<semaphore_mem>>)
      %slice3A_284 = vector.extract_strided_slice %get3A_16 {offsets = [15], sizes = [1], strides = [1]} : vector<16xi32> to vector<1xi32>
      %squeeze3A_285 = vector.extract %slice3A_284[0] : i32 from vector<1xi32>
      %mul3A_286 = arith.constant 16 : i32
      %mul3A_287 = arith.muli %scan3A_12, %mul3A_286 : i32
      %add3A_288 = arith.constant 15 : i32
      %add3A_289 = arith.addi %mul3A_287, %add3A_288 : i32
      %dma_start3A_290 = arith.constant 0 : i32
      %dma_start3A_291 = tpu.memref_slice %arg5[%squeeze3A_285, %dma_start3A_290] : memref<16x1024xf32, #tpu.memory_space<vmem>> -> memref<1x1024xf32, #tpu.memory_space<vmem>>
      %dma_start3A_292 = tpu.memref_squeeze %dma_start3A_291 : memref<1x1024xf32, #tpu.memory_space<vmem>> -> memref<1024xf32, #tpu.memory_space<vmem>>
      %dma_start3A_293 = arith.constant 0 : i32
      %dma_start3A_294 = tpu.memref_slice %arg4[%add3A, %add3A_289, %dma_start3A_293] : memref<32x1024x1024xf32, #tpu.memory_space<hbm>> -> memref<1x1x1024xf32, #tpu.memory_space<hbm>>
      %dma_start3A_295 = tpu.memref_squeeze %dma_start3A_294 : memref<1x1x1024xf32, #tpu.memory_space<hbm>> -> memref<1024xf32, #tpu.memory_space<hbm>>
      %dma_start3A_296 = arith.constant 0 : i32
      %dma_start3A_297 = tpu.memref_slice %arg4[%add3A, %add3A_289, %dma_start3A_296] : memref<32x1024x1024xf32, #tpu.memory_space<hbm>> -> memref<1x1x1024xf32, #tpu.memory_space<hbm>>
      %dma_start3A_298 = tpu.memref_squeeze %dma_start3A_297 : memref<1x1x1024xf32, #tpu.memory_space<hbm>> -> memref<1024xf32, #tpu.memory_space<hbm>>
      %dma_start3A_299 = arith.constant 0 : i32
      %dma_start3A_300 = tpu.memref_slice %arg5[%squeeze3A_285, %dma_start3A_299] : memref<16x1024xf32, #tpu.memory_space<vmem>> -> memref<1x1024xf32, #tpu.memory_space<vmem>>
      %dma_start3A_301 = tpu.memref_squeeze %dma_start3A_300 : memref<1x1024xf32, #tpu.memory_space<vmem>> -> memref<1024xf32, #tpu.memory_space<vmem>>
      tpu.enqueue_dma source(%dma_start3A_301 : memref<1024xf32, #tpu.memory_space<vmem>>) target(%dma_start3A_298 : memref<1024xf32, #tpu.memory_space<hbm>>) target_semaphore(%arg7 : memref<!tpu.dma_semaphore, #tpu.memory_space<semaphore_mem>>)
    }
    %scan3A_5 = arith.constant 64 : i32
    %scan3A_6 = arith.constant 0 : i32
    %scan3A_7 = arith.constant 0 : i32
    %scan3A_8 = arith.constant 64 : i32
    %scan3A_9 = arith.addi %scan3A_7, %scan3A_8 : i32
    %scan3A_10 = arith.constant 1 : i32
    scf.for %scan3A_12 = %scan3A_7 to %scan3A_9 step %scan3A_10  : i32 {
      %dma_wait3A = arith.constant 0 : i32
      %dma_wait3A_13 = arith.constant 0 : i32
      %dma_wait3A_14 = tpu.memref_slice %arg4[%add3A, %dma_wait3A, %dma_wait3A_13] : memref<32x1024x1024xf32, #tpu.memory_space<hbm>> -> memref<1x16x1024xf32, #tpu.memory_space<hbm>>
      %dma_wait3A_15 = tpu.memref_squeeze %dma_wait3A_14 : memref<1x16x1024xf32, #tpu.memory_space<hbm>> -> memref<16x1024xf32, #tpu.memory_space<hbm>>
      %dma_wait3A_16 = arith.constant 0 : i32
      %dma_wait3A_17 = arith.constant 0 : i32
      %dma_wait3A_18 = tpu.memref_slice %arg4[%add3A, %dma_wait3A_16, %dma_wait3A_17] : memref<32x1024x1024xf32, #tpu.memory_space<hbm>> -> memref<1x16x1024xf32, #tpu.memory_space<hbm>>
      %dma_wait3A_19 = tpu.memref_squeeze %dma_wait3A_18 : memref<1x16x1024xf32, #tpu.memory_space<hbm>> -> memref<16x1024xf32, #tpu.memory_space<hbm>>
      tpu.wait_dma2 semaphore(%arg7 : memref<!tpu.dma_semaphore, #tpu.memory_space<semaphore_mem>>) src(%arg5 : memref<16x1024xf32, #tpu.memory_space<vmem>>) dst(%dma_wait3A_19 : memref<16x1024xf32, #tpu.memory_space<hbm>>)
    }
    %scan3A_11 = arith.constant 64 : i32
    return
  }
}

module attributes {stable_mosaic.version = 14 : i64} {
  func.func @_table_and_idx_body(%arg0: memref<1x16xi32, #tpu.memory_space<smem>>, %arg1: memref<1x16xi32, #tpu.memory_space<vmem>>, %arg2: memref<16x1xi32, #tpu.memory_space<vmem>>, %arg3: memref<1x16xi32, #tpu.memory_space<vmem>>, %arg4: memref<16x1024xf32, #tpu.memory_space<vmem>>, %arg5: memref<16x2048xi32, #tpu.memory_space<vmem>>, %arg6: memref<16x1024xf32, #tpu.memory_space<vmem>>, %arg7: memref<16x2048xi32, #tpu.memory_space<vmem>>) attributes {dimension_semantics = [], scalar_prefetch = 0 : i64, scratch_operands = 0 : i64, tpu.core_type = #tpu.core_type<tc>} {
    %get3A = arith.constant 0 : index
    %get3A_0 = arith.constant 0 : index
    %get3A_1 = vector.load %arg4[%get3A, %get3A_0] : memref<16x1024xf32, #tpu.memory_space<vmem>>, vector<16x1024xf32>
    %get3A_2 = arith.constant 0 : index
    %get3A_3 = arith.constant 0 : index
    %get3A_4 = vector.load %arg1[%get3A_2, %get3A_3] : memref<1x16xi32, #tpu.memory_space<vmem>>, vector<1x16xi32>
    %get3A_5 = arith.constant 0 : index
    %get3A_6 = arith.constant 0 : index
    %get3A_7 = vector.load %arg3[%get3A_5, %get3A_6] : memref<1x16xi32, #tpu.memory_space<vmem>>, vector<1x16xi32>
    %get3A_8 = arith.constant 0 : index
    %get3A_9 = arith.constant 0 : index
    %get3A_10 = vector.load %arg2[%get3A_8, %get3A_9] : memref<16x1xi32, #tpu.memory_space<vmem>>, vector<16x1xi32>
    %broadcast_in_dim3A = arith.constant 0.000000e+00 : f32
    %broadcast_in_dim3A_11 = vector.broadcast %broadcast_in_dim3A : f32 to vector<16x1024xf32>
    %broadcast_in_dim3A_12 = arith.constant 0 : i32
    %broadcast_in_dim3A_13 = vector.broadcast %broadcast_in_dim3A_12 : i32 to vector<16x1xi32>
    %broadcast_in_dim3A_14 = arith.constant false
    %broadcast_in_dim3A_15 = vector.broadcast %broadcast_in_dim3A_14 : i1 to vector<16x1xi1>
    %iota3A = tpu.iota {dimensions = array<i32: 1>} : vector<16x16xi32>
    %not3A = arith.constant dense<true> : vector<16x1xi1>
    %not3A_16 = arith.xori %broadcast_in_dim3A_15, %not3A : vector<16x1xi1>
    %eq3A = arith.constant 0 : i32
    %eq3A_17 = vector.broadcast %eq3A : i32 to vector<16x1xi32>
    %eq3A_18 = arith.cmpi eq, %get3A_10, %eq3A_17 : vector<16x1xi32>
    %and3A = arith.andi %not3A_16, %eq3A_18 : vector<16x1xi1>
    %slice3A = vector.extract_strided_slice %get3A_1 {offsets = [0, 0], sizes = [1, 1024], strides = [1, 1]} : vector<16x1024xf32> to vector<1x1024xf32>
    %jit3A = arith.constant 0.000000e+00 : f32
    %broadcast_in_dim3A_19 = vector.shape_cast %and3A : vector<16x1xi1> to vector<16x1xi1>
    %broadcast_in_dim3A_20 = vector.broadcast %broadcast_in_dim3A_19 : vector<16x1xi1> to vector<16x1024xi1>
    %broadcast_in_dim3A_21 = vector.shape_cast %slice3A : vector<1x1024xf32> to vector<1x1024xf32>
    %broadcast_in_dim3A_22 = vector.broadcast %broadcast_in_dim3A_21 : vector<1x1024xf32> to vector<16x1024xf32>
    %broadcast_in_dim3A_23 = vector.broadcast %jit3A : f32 to vector<16x1024xf32>
    %select_n3A = arith.select %broadcast_in_dim3A_20, %broadcast_in_dim3A_22, %broadcast_in_dim3A_23 : vector<16x1024xi1>, vector<16x1024xf32>
    %add3A = arith.addf %broadcast_in_dim3A_11, %select_n3A : vector<16x1024xf32>
    %convert_element_type3A = arith.extui %and3A : vector<16x1xi1> to vector<16x1xi32>
    %add3A_24 = arith.addi %broadcast_in_dim3A_13, %convert_element_type3A : vector<16x1xi32>
    %or3A = arith.ori %broadcast_in_dim3A_15, %and3A : vector<16x1xi1>
    %ne3A = arith.constant 0 : i32
    %ne3A_25 = vector.broadcast %ne3A : i32 to vector<16x1xi32>
    %ne3A_26 = arith.cmpi ne, %get3A_10, %ne3A_25 : vector<16x1xi32>
    %and3A_27 = arith.andi %not3A_16, %ne3A_26 : vector<16x1xi1>
    %ge3A = vector.broadcast %get3A_10 : vector<16x1xi32> to vector<16x16xi32>
    %ge3A_28 = vector.broadcast %get3A_4 : vector<1x16xi32> to vector<16x16xi32>
    %ge3A_29 = arith.cmpi sge, %ge3A, %ge3A_28 : vector<16x16xi32>
    %convert_element_type3A_30 = arith.extui %ge3A_29 : vector<16x16xi1> to vector<16x16xi32>
    %reduce_sum3A = arith.constant dense<0> : vector<16xi32>
    %reduce_sum3A_31 = vector.multi_reduction <add>, %convert_element_type3A_30, %reduce_sum3A [1] : vector<16x16xi32> to vector<16xi32>
    %broadcast_in_dim3A_32 = vector.shape_cast %reduce_sum3A_31 : vector<16xi32> to vector<16x1xi32>
    %sub3A = arith.constant 1 : i32
    %sub3A_33 = vector.broadcast %sub3A : i32 to vector<16x1xi32>
    %sub3A_34 = arith.subi %broadcast_in_dim3A_32, %sub3A_33 : vector<16x1xi32>
    %jit3A_35 = arith.constant 0 : i32
    %jit3A_36 = arith.constant 15 : i32
    %max3A = vector.broadcast %jit3A_35 : i32 to vector<16x1xi32>
    %max3A_37 = arith.maxsi %max3A, %sub3A_34 : vector<16x1xi32>
    %min3A = vector.broadcast %jit3A_36 : i32 to vector<16x1xi32>
    %min3A_38 = arith.minsi %min3A, %max3A_37 : vector<16x1xi32>
    %eq3A_39 = vector.broadcast %min3A_38 : vector<16x1xi32> to vector<16x16xi32>
    %eq3A_40 = arith.cmpi eq, %eq3A_39, %iota3A : vector<16x16xi32>
    %convert_element_type3A_41 = arith.extui %eq3A_40 : vector<16x16xi1> to vector<16x16xi32>
    %convert_element_type3A_42 = arith.sitofp %convert_element_type3A_41 : vector<16x16xi32> to vector<16x16xf32>
    %dot_general3A = arith.constant dense<0.000000e+00> : vector<16x1024xf32>
    %dot_general3A_43 = tpu.matmul %convert_element_type3A_42, %get3A_1, %dot_general3A {dimension_numbers = #tpu.dot_dimension_numbers<[1], [0], [0], [1], [0, 0, 1, 1], [], []>, transpose_lhs_hint = false} : vector<16x16xf32>, vector<16x1024xf32>, vector<16x1024xf32> -> vector<16x1024xf32>
    %jit3A_44 = arith.constant 0 : i32
    %broadcast_in_dim3A_45 = vector.shape_cast %get3A_4 : vector<1x16xi32> to vector<1x16xi32>
    %broadcast_in_dim3A_46 = vector.broadcast %broadcast_in_dim3A_45 : vector<1x16xi32> to vector<16x16xi32>
    %broadcast_in_dim3A_47 = vector.broadcast %jit3A_44 : i32 to vector<16x16xi32>
    %select_n3A_48 = arith.select %eq3A_40, %broadcast_in_dim3A_46, %broadcast_in_dim3A_47 : vector<16x16xi1>, vector<16x16xi32>
    %reduce_sum3A_49 = arith.constant dense<0> : vector<16xi32>
    %reduce_sum3A_50 = vector.multi_reduction <add>, %select_n3A_48, %reduce_sum3A_49 [1] : vector<16x16xi32> to vector<16xi32>
    %broadcast_in_dim3A_51 = vector.shape_cast %reduce_sum3A_50 : vector<16xi32> to vector<16x1xi32>
    %jit3A_52 = arith.constant 0 : i32
    %broadcast_in_dim3A_53 = vector.shape_cast %get3A_7 : vector<1x16xi32> to vector<1x16xi32>
    %broadcast_in_dim3A_54 = vector.broadcast %broadcast_in_dim3A_53 : vector<1x16xi32> to vector<16x16xi32>
    %broadcast_in_dim3A_55 = vector.broadcast %jit3A_52 : i32 to vector<16x16xi32>
    %select_n3A_56 = arith.select %eq3A_40, %broadcast_in_dim3A_54, %broadcast_in_dim3A_55 : vector<16x16xi1>, vector<16x16xi32>
    %reduce_sum3A_57 = arith.constant dense<0> : vector<16xi32>
    %reduce_sum3A_58 = vector.multi_reduction <add>, %select_n3A_56, %reduce_sum3A_57 [1] : vector<16x16xi32> to vector<16xi32>
    %broadcast_in_dim3A_59 = vector.shape_cast %reduce_sum3A_58 : vector<16xi32> to vector<16x1xi32>
    %jit3A_60 = arith.constant 0.000000e+00 : f32
    %broadcast_in_dim3A_61 = vector.shape_cast %and3A_27 : vector<16x1xi1> to vector<16x1xi1>
    %broadcast_in_dim3A_62 = vector.broadcast %broadcast_in_dim3A_61 : vector<16x1xi1> to vector<16x1024xi1>
    %broadcast_in_dim3A_63 = vector.broadcast %jit3A_60 : f32 to vector<16x1024xf32>
    %select_n3A_64 = arith.select %broadcast_in_dim3A_62, %dot_general3A_43, %broadcast_in_dim3A_63 : vector<16x1024xi1>, vector<16x1024xf32>
    %add3A_65 = arith.addf %add3A, %select_n3A_64 : vector<16x1024xf32>
    %convert_element_type3A_66 = arith.extui %and3A_27 : vector<16x1xi1> to vector<16x1xi32>
    %add3A_67 = arith.addi %add3A_24, %convert_element_type3A_66 : vector<16x1xi32>
    %gt3A = arith.constant 0 : i32
    %gt3A_68 = vector.broadcast %gt3A : i32 to vector<16x1xi32>
    %gt3A_69 = arith.cmpi sgt, %broadcast_in_dim3A_51, %gt3A_68 : vector<16x1xi32>
    %and3A_70 = arith.andi %and3A_27, %gt3A_69 : vector<16x1xi1>
    %select_n3A_71 = arith.select %and3A_70, %broadcast_in_dim3A_59, %get3A_10 : vector<16x1xi1>, vector<16x1xi32>
    %le3A = arith.constant 0 : i32
    %le3A_72 = vector.broadcast %le3A : i32 to vector<16x1xi32>
    %le3A_73 = arith.cmpi sle, %broadcast_in_dim3A_51, %le3A_72 : vector<16x1xi32>
    %and3A_74 = arith.andi %and3A_27, %le3A_73 : vector<16x1xi1>
    %or3A_75 = arith.ori %or3A, %and3A_74 : vector<16x1xi1>
    %not3A_76 = arith.constant dense<true> : vector<16x1xi1>
    %not3A_77 = arith.xori %or3A_75, %not3A_76 : vector<16x1xi1>
    %eq3A_78 = arith.constant 0 : i32
    %eq3A_79 = vector.broadcast %eq3A_78 : i32 to vector<16x1xi32>
    %eq3A_80 = arith.cmpi eq, %select_n3A_71, %eq3A_79 : vector<16x1xi32>
    %and3A_81 = arith.andi %not3A_77, %eq3A_80 : vector<16x1xi1>
    %slice3A_82 = vector.extract_strided_slice %get3A_1 {offsets = [0, 0], sizes = [1, 1024], strides = [1, 1]} : vector<16x1024xf32> to vector<1x1024xf32>
    %jit3A_83 = arith.constant 0.000000e+00 : f32
    %broadcast_in_dim3A_84 = vector.shape_cast %and3A_81 : vector<16x1xi1> to vector<16x1xi1>
    %broadcast_in_dim3A_85 = vector.broadcast %broadcast_in_dim3A_84 : vector<16x1xi1> to vector<16x1024xi1>
    %broadcast_in_dim3A_86 = vector.shape_cast %slice3A_82 : vector<1x1024xf32> to vector<1x1024xf32>
    %broadcast_in_dim3A_87 = vector.broadcast %broadcast_in_dim3A_86 : vector<1x1024xf32> to vector<16x1024xf32>
    %broadcast_in_dim3A_88 = vector.broadcast %jit3A_83 : f32 to vector<16x1024xf32>
    %select_n3A_89 = arith.select %broadcast_in_dim3A_85, %broadcast_in_dim3A_87, %broadcast_in_dim3A_88 : vector<16x1024xi1>, vector<16x1024xf32>
    %add3A_90 = arith.addf %add3A_65, %select_n3A_89 : vector<16x1024xf32>
    %convert_element_type3A_91 = arith.extui %and3A_81 : vector<16x1xi1> to vector<16x1xi32>
    %add3A_92 = arith.addi %add3A_67, %convert_element_type3A_91 : vector<16x1xi32>
    %or3A_93 = arith.ori %or3A_75, %and3A_81 : vector<16x1xi1>
    %ne3A_94 = arith.constant 0 : i32
    %ne3A_95 = vector.broadcast %ne3A_94 : i32 to vector<16x1xi32>
    %ne3A_96 = arith.cmpi ne, %select_n3A_71, %ne3A_95 : vector<16x1xi32>
    %and3A_97 = arith.andi %not3A_77, %ne3A_96 : vector<16x1xi1>
    %ge3A_98 = vector.broadcast %select_n3A_71 : vector<16x1xi32> to vector<16x16xi32>
    %ge3A_99 = vector.broadcast %get3A_4 : vector<1x16xi32> to vector<16x16xi32>
    %ge3A_100 = arith.cmpi sge, %ge3A_98, %ge3A_99 : vector<16x16xi32>
    %convert_element_type3A_101 = arith.extui %ge3A_100 : vector<16x16xi1> to vector<16x16xi32>
    %reduce_sum3A_102 = arith.constant dense<0> : vector<16xi32>
    %reduce_sum3A_103 = vector.multi_reduction <add>, %convert_element_type3A_101, %reduce_sum3A_102 [1] : vector<16x16xi32> to vector<16xi32>
    %broadcast_in_dim3A_104 = vector.shape_cast %reduce_sum3A_103 : vector<16xi32> to vector<16x1xi32>
    %sub3A_105 = arith.constant 1 : i32
    %sub3A_106 = vector.broadcast %sub3A_105 : i32 to vector<16x1xi32>
    %sub3A_107 = arith.subi %broadcast_in_dim3A_104, %sub3A_106 : vector<16x1xi32>
    %jit3A_108 = arith.constant 0 : i32
    %jit3A_109 = arith.constant 15 : i32
    %max3A_110 = vector.broadcast %jit3A_108 : i32 to vector<16x1xi32>
    %max3A_111 = arith.maxsi %max3A_110, %sub3A_107 : vector<16x1xi32>
    %min3A_112 = vector.broadcast %jit3A_109 : i32 to vector<16x1xi32>
    %min3A_113 = arith.minsi %min3A_112, %max3A_111 : vector<16x1xi32>
    %eq3A_114 = vector.broadcast %min3A_113 : vector<16x1xi32> to vector<16x16xi32>
    %eq3A_115 = arith.cmpi eq, %eq3A_114, %iota3A : vector<16x16xi32>
    %convert_element_type3A_116 = arith.extui %eq3A_115 : vector<16x16xi1> to vector<16x16xi32>
    %convert_element_type3A_117 = arith.sitofp %convert_element_type3A_116 : vector<16x16xi32> to vector<16x16xf32>
    %dot_general3A_118 = arith.constant dense<0.000000e+00> : vector<16x1024xf32>
    %dot_general3A_119 = tpu.matmul %convert_element_type3A_117, %get3A_1, %dot_general3A_118 {dimension_numbers = #tpu.dot_dimension_numbers<[1], [0], [0], [1], [0, 0, 1, 1], [], []>, transpose_lhs_hint = false} : vector<16x16xf32>, vector<16x1024xf32>, vector<16x1024xf32> -> vector<16x1024xf32>
    %jit3A_120 = arith.constant 0 : i32
    %broadcast_in_dim3A_121 = vector.shape_cast %get3A_4 : vector<1x16xi32> to vector<1x16xi32>
    %broadcast_in_dim3A_122 = vector.broadcast %broadcast_in_dim3A_121 : vector<1x16xi32> to vector<16x16xi32>
    %broadcast_in_dim3A_123 = vector.broadcast %jit3A_120 : i32 to vector<16x16xi32>
    %select_n3A_124 = arith.select %eq3A_115, %broadcast_in_dim3A_122, %broadcast_in_dim3A_123 : vector<16x16xi1>, vector<16x16xi32>
    %reduce_sum3A_125 = arith.constant dense<0> : vector<16xi32>
    %reduce_sum3A_126 = vector.multi_reduction <add>, %select_n3A_124, %reduce_sum3A_125 [1] : vector<16x16xi32> to vector<16xi32>
    %broadcast_in_dim3A_127 = vector.shape_cast %reduce_sum3A_126 : vector<16xi32> to vector<16x1xi32>
    %jit3A_128 = arith.constant 0 : i32
    %broadcast_in_dim3A_129 = vector.shape_cast %get3A_7 : vector<1x16xi32> to vector<1x16xi32>
    %broadcast_in_dim3A_130 = vector.broadcast %broadcast_in_dim3A_129 : vector<1x16xi32> to vector<16x16xi32>
    %broadcast_in_dim3A_131 = vector.broadcast %jit3A_128 : i32 to vector<16x16xi32>
    %select_n3A_132 = arith.select %eq3A_115, %broadcast_in_dim3A_130, %broadcast_in_dim3A_131 : vector<16x16xi1>, vector<16x16xi32>
    %reduce_sum3A_133 = arith.constant dense<0> : vector<16xi32>
    %reduce_sum3A_134 = vector.multi_reduction <add>, %select_n3A_132, %reduce_sum3A_133 [1] : vector<16x16xi32> to vector<16xi32>
    %broadcast_in_dim3A_135 = vector.shape_cast %reduce_sum3A_134 : vector<16xi32> to vector<16x1xi32>
    %jit3A_136 = arith.constant 0.000000e+00 : f32
    %broadcast_in_dim3A_137 = vector.shape_cast %and3A_97 : vector<16x1xi1> to vector<16x1xi1>
    %broadcast_in_dim3A_138 = vector.broadcast %broadcast_in_dim3A_137 : vector<16x1xi1> to vector<16x1024xi1>
    %broadcast_in_dim3A_139 = vector.broadcast %jit3A_136 : f32 to vector<16x1024xf32>
    %select_n3A_140 = arith.select %broadcast_in_dim3A_138, %dot_general3A_119, %broadcast_in_dim3A_139 : vector<16x1024xi1>, vector<16x1024xf32>
    %add3A_141 = arith.addf %add3A_90, %select_n3A_140 : vector<16x1024xf32>
    %convert_element_type3A_142 = arith.extui %and3A_97 : vector<16x1xi1> to vector<16x1xi32>
    %add3A_143 = arith.addi %add3A_92, %convert_element_type3A_142 : vector<16x1xi32>
    %gt3A_144 = arith.constant 0 : i32
    %gt3A_145 = vector.broadcast %gt3A_144 : i32 to vector<16x1xi32>
    %gt3A_146 = arith.cmpi sgt, %broadcast_in_dim3A_127, %gt3A_145 : vector<16x1xi32>
    %and3A_147 = arith.andi %and3A_97, %gt3A_146 : vector<16x1xi1>
    %select_n3A_148 = arith.select %and3A_147, %broadcast_in_dim3A_135, %select_n3A_71 : vector<16x1xi1>, vector<16x1xi32>
    %le3A_149 = arith.constant 0 : i32
    %le3A_150 = vector.broadcast %le3A_149 : i32 to vector<16x1xi32>
    %le3A_151 = arith.cmpi sle, %broadcast_in_dim3A_127, %le3A_150 : vector<16x1xi32>
    %and3A_152 = arith.andi %and3A_97, %le3A_151 : vector<16x1xi1>
    %or3A_153 = arith.ori %or3A_93, %and3A_152 : vector<16x1xi1>
    %not3A_154 = arith.constant dense<true> : vector<16x1xi1>
    %not3A_155 = arith.xori %or3A_153, %not3A_154 : vector<16x1xi1>
    %eq3A_156 = arith.constant 0 : i32
    %eq3A_157 = vector.broadcast %eq3A_156 : i32 to vector<16x1xi32>
    %eq3A_158 = arith.cmpi eq, %select_n3A_148, %eq3A_157 : vector<16x1xi32>
    %and3A_159 = arith.andi %not3A_155, %eq3A_158 : vector<16x1xi1>
    %slice3A_160 = vector.extract_strided_slice %get3A_1 {offsets = [0, 0], sizes = [1, 1024], strides = [1, 1]} : vector<16x1024xf32> to vector<1x1024xf32>
    %jit3A_161 = arith.constant 0.000000e+00 : f32
    %broadcast_in_dim3A_162 = vector.shape_cast %and3A_159 : vector<16x1xi1> to vector<16x1xi1>
    %broadcast_in_dim3A_163 = vector.broadcast %broadcast_in_dim3A_162 : vector<16x1xi1> to vector<16x1024xi1>
    %broadcast_in_dim3A_164 = vector.shape_cast %slice3A_160 : vector<1x1024xf32> to vector<1x1024xf32>
    %broadcast_in_dim3A_165 = vector.broadcast %broadcast_in_dim3A_164 : vector<1x1024xf32> to vector<16x1024xf32>
    %broadcast_in_dim3A_166 = vector.broadcast %jit3A_161 : f32 to vector<16x1024xf32>
    %select_n3A_167 = arith.select %broadcast_in_dim3A_163, %broadcast_in_dim3A_165, %broadcast_in_dim3A_166 : vector<16x1024xi1>, vector<16x1024xf32>
    %add3A_168 = arith.addf %add3A_141, %select_n3A_167 : vector<16x1024xf32>
    %convert_element_type3A_169 = arith.extui %and3A_159 : vector<16x1xi1> to vector<16x1xi32>
    %add3A_170 = arith.addi %add3A_143, %convert_element_type3A_169 : vector<16x1xi32>
    %or3A_171 = arith.ori %or3A_153, %and3A_159 : vector<16x1xi1>
    %ne3A_172 = arith.constant 0 : i32
    %ne3A_173 = vector.broadcast %ne3A_172 : i32 to vector<16x1xi32>
    %ne3A_174 = arith.cmpi ne, %select_n3A_148, %ne3A_173 : vector<16x1xi32>
    %and3A_175 = arith.andi %not3A_155, %ne3A_174 : vector<16x1xi1>
    %ge3A_176 = vector.broadcast %select_n3A_148 : vector<16x1xi32> to vector<16x16xi32>
    %ge3A_177 = vector.broadcast %get3A_4 : vector<1x16xi32> to vector<16x16xi32>
    %ge3A_178 = arith.cmpi sge, %ge3A_176, %ge3A_177 : vector<16x16xi32>
    %convert_element_type3A_179 = arith.extui %ge3A_178 : vector<16x16xi1> to vector<16x16xi32>
    %reduce_sum3A_180 = arith.constant dense<0> : vector<16xi32>
    %reduce_sum3A_181 = vector.multi_reduction <add>, %convert_element_type3A_179, %reduce_sum3A_180 [1] : vector<16x16xi32> to vector<16xi32>
    %broadcast_in_dim3A_182 = vector.shape_cast %reduce_sum3A_181 : vector<16xi32> to vector<16x1xi32>
    %sub3A_183 = arith.constant 1 : i32
    %sub3A_184 = vector.broadcast %sub3A_183 : i32 to vector<16x1xi32>
    %sub3A_185 = arith.subi %broadcast_in_dim3A_182, %sub3A_184 : vector<16x1xi32>
    %jit3A_186 = arith.constant 0 : i32
    %jit3A_187 = arith.constant 15 : i32
    %max3A_188 = vector.broadcast %jit3A_186 : i32 to vector<16x1xi32>
    %max3A_189 = arith.maxsi %max3A_188, %sub3A_185 : vector<16x1xi32>
    %min3A_190 = vector.broadcast %jit3A_187 : i32 to vector<16x1xi32>
    %min3A_191 = arith.minsi %min3A_190, %max3A_189 : vector<16x1xi32>
    %eq3A_192 = vector.broadcast %min3A_191 : vector<16x1xi32> to vector<16x16xi32>
    %eq3A_193 = arith.cmpi eq, %eq3A_192, %iota3A : vector<16x16xi32>
    %convert_element_type3A_194 = arith.extui %eq3A_193 : vector<16x16xi1> to vector<16x16xi32>
    %convert_element_type3A_195 = arith.sitofp %convert_element_type3A_194 : vector<16x16xi32> to vector<16x16xf32>
    %dot_general3A_196 = arith.constant dense<0.000000e+00> : vector<16x1024xf32>
    %dot_general3A_197 = tpu.matmul %convert_element_type3A_195, %get3A_1, %dot_general3A_196 {dimension_numbers = #tpu.dot_dimension_numbers<[1], [0], [0], [1], [0, 0, 1, 1], [], []>, transpose_lhs_hint = false} : vector<16x16xf32>, vector<16x1024xf32>, vector<16x1024xf32> -> vector<16x1024xf32>
    %jit3A_198 = arith.constant 0 : i32
    %broadcast_in_dim3A_199 = vector.shape_cast %get3A_4 : vector<1x16xi32> to vector<1x16xi32>
    %broadcast_in_dim3A_200 = vector.broadcast %broadcast_in_dim3A_199 : vector<1x16xi32> to vector<16x16xi32>
    %broadcast_in_dim3A_201 = vector.broadcast %jit3A_198 : i32 to vector<16x16xi32>
    %select_n3A_202 = arith.select %eq3A_193, %broadcast_in_dim3A_200, %broadcast_in_dim3A_201 : vector<16x16xi1>, vector<16x16xi32>
    %reduce_sum3A_203 = arith.constant dense<0> : vector<16xi32>
    %reduce_sum3A_204 = vector.multi_reduction <add>, %select_n3A_202, %reduce_sum3A_203 [1] : vector<16x16xi32> to vector<16xi32>
    %broadcast_in_dim3A_205 = vector.shape_cast %reduce_sum3A_204 : vector<16xi32> to vector<16x1xi32>
    %jit3A_206 = arith.constant 0 : i32
    %broadcast_in_dim3A_207 = vector.shape_cast %get3A_7 : vector<1x16xi32> to vector<1x16xi32>
    %broadcast_in_dim3A_208 = vector.broadcast %broadcast_in_dim3A_207 : vector<1x16xi32> to vector<16x16xi32>
    %broadcast_in_dim3A_209 = vector.broadcast %jit3A_206 : i32 to vector<16x16xi32>
    %select_n3A_210 = arith.select %eq3A_193, %broadcast_in_dim3A_208, %broadcast_in_dim3A_209 : vector<16x16xi1>, vector<16x16xi32>
    %reduce_sum3A_211 = arith.constant dense<0> : vector<16xi32>
    %reduce_sum3A_212 = vector.multi_reduction <add>, %select_n3A_210, %reduce_sum3A_211 [1] : vector<16x16xi32> to vector<16xi32>
    %broadcast_in_dim3A_213 = vector.shape_cast %reduce_sum3A_212 : vector<16xi32> to vector<16x1xi32>
    %jit3A_214 = arith.constant 0.000000e+00 : f32
    %broadcast_in_dim3A_215 = vector.shape_cast %and3A_175 : vector<16x1xi1> to vector<16x1xi1>
    %broadcast_in_dim3A_216 = vector.broadcast %broadcast_in_dim3A_215 : vector<16x1xi1> to vector<16x1024xi1>
    %broadcast_in_dim3A_217 = vector.broadcast %jit3A_214 : f32 to vector<16x1024xf32>
    %select_n3A_218 = arith.select %broadcast_in_dim3A_216, %dot_general3A_197, %broadcast_in_dim3A_217 : vector<16x1024xi1>, vector<16x1024xf32>
    %add3A_219 = arith.addf %add3A_168, %select_n3A_218 : vector<16x1024xf32>
    %convert_element_type3A_220 = arith.extui %and3A_175 : vector<16x1xi1> to vector<16x1xi32>
    %add3A_221 = arith.addi %add3A_170, %convert_element_type3A_220 : vector<16x1xi32>
    %gt3A_222 = arith.constant 0 : i32
    %gt3A_223 = vector.broadcast %gt3A_222 : i32 to vector<16x1xi32>
    %gt3A_224 = arith.cmpi sgt, %broadcast_in_dim3A_205, %gt3A_223 : vector<16x1xi32>
    %and3A_225 = arith.andi %and3A_175, %gt3A_224 : vector<16x1xi1>
    %select_n3A_226 = arith.select %and3A_225, %broadcast_in_dim3A_213, %select_n3A_148 : vector<16x1xi1>, vector<16x1xi32>
    %le3A_227 = arith.constant 0 : i32
    %le3A_228 = vector.broadcast %le3A_227 : i32 to vector<16x1xi32>
    %le3A_229 = arith.cmpi sle, %broadcast_in_dim3A_205, %le3A_228 : vector<16x1xi32>
    %and3A_230 = arith.andi %and3A_175, %le3A_229 : vector<16x1xi1>
    %or3A_231 = arith.ori %or3A_171, %and3A_230 : vector<16x1xi1>
    %not3A_232 = arith.constant dense<true> : vector<16x1xi1>
    %not3A_233 = arith.xori %or3A_231, %not3A_232 : vector<16x1xi1>
    %eq3A_234 = arith.constant 0 : i32
    %eq3A_235 = vector.broadcast %eq3A_234 : i32 to vector<16x1xi32>
    %eq3A_236 = arith.cmpi eq, %select_n3A_226, %eq3A_235 : vector<16x1xi32>
    %and3A_237 = arith.andi %not3A_233, %eq3A_236 : vector<16x1xi1>
    %slice3A_238 = vector.extract_strided_slice %get3A_1 {offsets = [0, 0], sizes = [1, 1024], strides = [1, 1]} : vector<16x1024xf32> to vector<1x1024xf32>
    %jit3A_239 = arith.constant 0.000000e+00 : f32
    %broadcast_in_dim3A_240 = vector.shape_cast %and3A_237 : vector<16x1xi1> to vector<16x1xi1>
    %broadcast_in_dim3A_241 = vector.broadcast %broadcast_in_dim3A_240 : vector<16x1xi1> to vector<16x1024xi1>
    %broadcast_in_dim3A_242 = vector.shape_cast %slice3A_238 : vector<1x1024xf32> to vector<1x1024xf32>
    %broadcast_in_dim3A_243 = vector.broadcast %broadcast_in_dim3A_242 : vector<1x1024xf32> to vector<16x1024xf32>
    %broadcast_in_dim3A_244 = vector.broadcast %jit3A_239 : f32 to vector<16x1024xf32>
    %select_n3A_245 = arith.select %broadcast_in_dim3A_241, %broadcast_in_dim3A_243, %broadcast_in_dim3A_244 : vector<16x1024xi1>, vector<16x1024xf32>
    %add3A_246 = arith.addf %add3A_219, %select_n3A_245 : vector<16x1024xf32>
    %convert_element_type3A_247 = arith.extui %and3A_237 : vector<16x1xi1> to vector<16x1xi32>
    %add3A_248 = arith.addi %add3A_221, %convert_element_type3A_247 : vector<16x1xi32>
    %or3A_249 = arith.ori %or3A_231, %and3A_237 : vector<16x1xi1>
    %ne3A_250 = arith.constant 0 : i32
    %ne3A_251 = vector.broadcast %ne3A_250 : i32 to vector<16x1xi32>
    %ne3A_252 = arith.cmpi ne, %select_n3A_226, %ne3A_251 : vector<16x1xi32>
    %and3A_253 = arith.andi %not3A_233, %ne3A_252 : vector<16x1xi1>
    %ge3A_254 = vector.broadcast %select_n3A_226 : vector<16x1xi32> to vector<16x16xi32>
    %ge3A_255 = vector.broadcast %get3A_4 : vector<1x16xi32> to vector<16x16xi32>
    %ge3A_256 = arith.cmpi sge, %ge3A_254, %ge3A_255 : vector<16x16xi32>
    %convert_element_type3A_257 = arith.extui %ge3A_256 : vector<16x16xi1> to vector<16x16xi32>
    %reduce_sum3A_258 = arith.constant dense<0> : vector<16xi32>
    %reduce_sum3A_259 = vector.multi_reduction <add>, %convert_element_type3A_257, %reduce_sum3A_258 [1] : vector<16x16xi32> to vector<16xi32>
    %broadcast_in_dim3A_260 = vector.shape_cast %reduce_sum3A_259 : vector<16xi32> to vector<16x1xi32>
    %sub3A_261 = arith.constant 1 : i32
    %sub3A_262 = vector.broadcast %sub3A_261 : i32 to vector<16x1xi32>
    %sub3A_263 = arith.subi %broadcast_in_dim3A_260, %sub3A_262 : vector<16x1xi32>
    %jit3A_264 = arith.constant 0 : i32
    %jit3A_265 = arith.constant 15 : i32
    %max3A_266 = vector.broadcast %jit3A_264 : i32 to vector<16x1xi32>
    %max3A_267 = arith.maxsi %max3A_266, %sub3A_263 : vector<16x1xi32>
    %min3A_268 = vector.broadcast %jit3A_265 : i32 to vector<16x1xi32>
    %min3A_269 = arith.minsi %min3A_268, %max3A_267 : vector<16x1xi32>
    %eq3A_270 = vector.broadcast %min3A_269 : vector<16x1xi32> to vector<16x16xi32>
    %eq3A_271 = arith.cmpi eq, %eq3A_270, %iota3A : vector<16x16xi32>
    %convert_element_type3A_272 = arith.extui %eq3A_271 : vector<16x16xi1> to vector<16x16xi32>
    %convert_element_type3A_273 = arith.sitofp %convert_element_type3A_272 : vector<16x16xi32> to vector<16x16xf32>
    %dot_general3A_274 = arith.constant dense<0.000000e+00> : vector<16x1024xf32>
    %dot_general3A_275 = tpu.matmul %convert_element_type3A_273, %get3A_1, %dot_general3A_274 {dimension_numbers = #tpu.dot_dimension_numbers<[1], [0], [0], [1], [0, 0, 1, 1], [], []>, transpose_lhs_hint = false} : vector<16x16xf32>, vector<16x1024xf32>, vector<16x1024xf32> -> vector<16x1024xf32>
    %jit3A_276 = arith.constant 0 : i32
    %broadcast_in_dim3A_277 = vector.shape_cast %get3A_4 : vector<1x16xi32> to vector<1x16xi32>
    %broadcast_in_dim3A_278 = vector.broadcast %broadcast_in_dim3A_277 : vector<1x16xi32> to vector<16x16xi32>
    %broadcast_in_dim3A_279 = vector.broadcast %jit3A_276 : i32 to vector<16x16xi32>
    %select_n3A_280 = arith.select %eq3A_271, %broadcast_in_dim3A_278, %broadcast_in_dim3A_279 : vector<16x16xi1>, vector<16x16xi32>
    %reduce_sum3A_281 = arith.constant dense<0> : vector<16xi32>
    %reduce_sum3A_282 = vector.multi_reduction <add>, %select_n3A_280, %reduce_sum3A_281 [1] : vector<16x16xi32> to vector<16xi32>
    %broadcast_in_dim3A_283 = vector.shape_cast %reduce_sum3A_282 : vector<16xi32> to vector<16x1xi32>
    %jit3A_284 = arith.constant 0 : i32
    %broadcast_in_dim3A_285 = vector.shape_cast %get3A_7 : vector<1x16xi32> to vector<1x16xi32>
    %broadcast_in_dim3A_286 = vector.broadcast %broadcast_in_dim3A_285 : vector<1x16xi32> to vector<16x16xi32>
    %broadcast_in_dim3A_287 = vector.broadcast %jit3A_284 : i32 to vector<16x16xi32>
    %select_n3A_288 = arith.select %eq3A_271, %broadcast_in_dim3A_286, %broadcast_in_dim3A_287 : vector<16x16xi1>, vector<16x16xi32>
    %reduce_sum3A_289 = arith.constant dense<0> : vector<16xi32>
    %reduce_sum3A_290 = vector.multi_reduction <add>, %select_n3A_288, %reduce_sum3A_289 [1] : vector<16x16xi32> to vector<16xi32>
    %broadcast_in_dim3A_291 = vector.shape_cast %reduce_sum3A_290 : vector<16xi32> to vector<16x1xi32>
    %jit3A_292 = arith.constant 0.000000e+00 : f32
    %broadcast_in_dim3A_293 = vector.shape_cast %and3A_253 : vector<16x1xi1> to vector<16x1xi1>
    %broadcast_in_dim3A_294 = vector.broadcast %broadcast_in_dim3A_293 : vector<16x1xi1> to vector<16x1024xi1>
    %broadcast_in_dim3A_295 = vector.broadcast %jit3A_292 : f32 to vector<16x1024xf32>
    %select_n3A_296 = arith.select %broadcast_in_dim3A_294, %dot_general3A_275, %broadcast_in_dim3A_295 : vector<16x1024xi1>, vector<16x1024xf32>
    %add3A_297 = arith.addf %add3A_246, %select_n3A_296 : vector<16x1024xf32>
    %convert_element_type3A_298 = arith.extui %and3A_253 : vector<16x1xi1> to vector<16x1xi32>
    %add3A_299 = arith.addi %add3A_248, %convert_element_type3A_298 : vector<16x1xi32>
    %gt3A_300 = arith.constant 0 : i32
    %gt3A_301 = vector.broadcast %gt3A_300 : i32 to vector<16x1xi32>
    %gt3A_302 = arith.cmpi sgt, %broadcast_in_dim3A_283, %gt3A_301 : vector<16x1xi32>
    %and3A_303 = arith.andi %and3A_253, %gt3A_302 : vector<16x1xi1>
    %select_n3A_304 = arith.select %and3A_303, %broadcast_in_dim3A_291, %select_n3A_226 : vector<16x1xi1>, vector<16x1xi32>
    %le3A_305 = arith.constant 0 : i32
    %le3A_306 = vector.broadcast %le3A_305 : i32 to vector<16x1xi32>
    %le3A_307 = arith.cmpi sle, %broadcast_in_dim3A_283, %le3A_306 : vector<16x1xi32>
    %and3A_308 = arith.andi %and3A_253, %le3A_307 : vector<16x1xi1>
    %or3A_309 = arith.ori %or3A_249, %and3A_308 : vector<16x1xi1>
    %not3A_310 = arith.constant dense<true> : vector<16x1xi1>
    %not3A_311 = arith.xori %or3A_309, %not3A_310 : vector<16x1xi1>
    %eq3A_312 = arith.constant 0 : i32
    %eq3A_313 = vector.broadcast %eq3A_312 : i32 to vector<16x1xi32>
    %eq3A_314 = arith.cmpi eq, %select_n3A_304, %eq3A_313 : vector<16x1xi32>
    %and3A_315 = arith.andi %not3A_311, %eq3A_314 : vector<16x1xi1>
    %slice3A_316 = vector.extract_strided_slice %get3A_1 {offsets = [0, 0], sizes = [1, 1024], strides = [1, 1]} : vector<16x1024xf32> to vector<1x1024xf32>
    %jit3A_317 = arith.constant 0.000000e+00 : f32
    %broadcast_in_dim3A_318 = vector.shape_cast %and3A_315 : vector<16x1xi1> to vector<16x1xi1>
    %broadcast_in_dim3A_319 = vector.broadcast %broadcast_in_dim3A_318 : vector<16x1xi1> to vector<16x1024xi1>
    %broadcast_in_dim3A_320 = vector.shape_cast %slice3A_316 : vector<1x1024xf32> to vector<1x1024xf32>
    %broadcast_in_dim3A_321 = vector.broadcast %broadcast_in_dim3A_320 : vector<1x1024xf32> to vector<16x1024xf32>
    %broadcast_in_dim3A_322 = vector.broadcast %jit3A_317 : f32 to vector<16x1024xf32>
    %select_n3A_323 = arith.select %broadcast_in_dim3A_319, %broadcast_in_dim3A_321, %broadcast_in_dim3A_322 : vector<16x1024xi1>, vector<16x1024xf32>
    %add3A_324 = arith.addf %add3A_297, %select_n3A_323 : vector<16x1024xf32>
    %convert_element_type3A_325 = arith.extui %and3A_315 : vector<16x1xi1> to vector<16x1xi32>
    %add3A_326 = arith.addi %add3A_299, %convert_element_type3A_325 : vector<16x1xi32>
    %or3A_327 = arith.ori %or3A_309, %and3A_315 : vector<16x1xi1>
    %ne3A_328 = arith.constant 0 : i32
    %ne3A_329 = vector.broadcast %ne3A_328 : i32 to vector<16x1xi32>
    %ne3A_330 = arith.cmpi ne, %select_n3A_304, %ne3A_329 : vector<16x1xi32>
    %and3A_331 = arith.andi %not3A_311, %ne3A_330 : vector<16x1xi1>
    %ge3A_332 = vector.broadcast %select_n3A_304 : vector<16x1xi32> to vector<16x16xi32>
    %ge3A_333 = vector.broadcast %get3A_4 : vector<1x16xi32> to vector<16x16xi32>
    %ge3A_334 = arith.cmpi sge, %ge3A_332, %ge3A_333 : vector<16x16xi32>
    %convert_element_type3A_335 = arith.extui %ge3A_334 : vector<16x16xi1> to vector<16x16xi32>
    %reduce_sum3A_336 = arith.constant dense<0> : vector<16xi32>
    %reduce_sum3A_337 = vector.multi_reduction <add>, %convert_element_type3A_335, %reduce_sum3A_336 [1] : vector<16x16xi32> to vector<16xi32>
    %broadcast_in_dim3A_338 = vector.shape_cast %reduce_sum3A_337 : vector<16xi32> to vector<16x1xi32>
    %sub3A_339 = arith.constant 1 : i32
    %sub3A_340 = vector.broadcast %sub3A_339 : i32 to vector<16x1xi32>
    %sub3A_341 = arith.subi %broadcast_in_dim3A_338, %sub3A_340 : vector<16x1xi32>
    %jit3A_342 = arith.constant 0 : i32
    %jit3A_343 = arith.constant 15 : i32
    %max3A_344 = vector.broadcast %jit3A_342 : i32 to vector<16x1xi32>
    %max3A_345 = arith.maxsi %max3A_344, %sub3A_341 : vector<16x1xi32>
    %min3A_346 = vector.broadcast %jit3A_343 : i32 to vector<16x1xi32>
    %min3A_347 = arith.minsi %min3A_346, %max3A_345 : vector<16x1xi32>
    %eq3A_348 = vector.broadcast %min3A_347 : vector<16x1xi32> to vector<16x16xi32>
    %eq3A_349 = arith.cmpi eq, %eq3A_348, %iota3A : vector<16x16xi32>
    %convert_element_type3A_350 = arith.extui %eq3A_349 : vector<16x16xi1> to vector<16x16xi32>
    %convert_element_type3A_351 = arith.sitofp %convert_element_type3A_350 : vector<16x16xi32> to vector<16x16xf32>
    %dot_general3A_352 = arith.constant dense<0.000000e+00> : vector<16x1024xf32>
    %dot_general3A_353 = tpu.matmul %convert_element_type3A_351, %get3A_1, %dot_general3A_352 {dimension_numbers = #tpu.dot_dimension_numbers<[1], [0], [0], [1], [0, 0, 1, 1], [], []>, transpose_lhs_hint = false} : vector<16x16xf32>, vector<16x1024xf32>, vector<16x1024xf32> -> vector<16x1024xf32>
    %jit3A_354 = arith.constant 0 : i32
    %broadcast_in_dim3A_355 = vector.shape_cast %get3A_4 : vector<1x16xi32> to vector<1x16xi32>
    %broadcast_in_dim3A_356 = vector.broadcast %broadcast_in_dim3A_355 : vector<1x16xi32> to vector<16x16xi32>
    %broadcast_in_dim3A_357 = vector.broadcast %jit3A_354 : i32 to vector<16x16xi32>
    %select_n3A_358 = arith.select %eq3A_349, %broadcast_in_dim3A_356, %broadcast_in_dim3A_357 : vector<16x16xi1>, vector<16x16xi32>
    %reduce_sum3A_359 = arith.constant dense<0> : vector<16xi32>
    %reduce_sum3A_360 = vector.multi_reduction <add>, %select_n3A_358, %reduce_sum3A_359 [1] : vector<16x16xi32> to vector<16xi32>
    %broadcast_in_dim3A_361 = vector.shape_cast %reduce_sum3A_360 : vector<16xi32> to vector<16x1xi32>
    %jit3A_362 = arith.constant 0 : i32
    %broadcast_in_dim3A_363 = vector.shape_cast %get3A_7 : vector<1x16xi32> to vector<1x16xi32>
    %broadcast_in_dim3A_364 = vector.broadcast %broadcast_in_dim3A_363 : vector<1x16xi32> to vector<16x16xi32>
    %broadcast_in_dim3A_365 = vector.broadcast %jit3A_362 : i32 to vector<16x16xi32>
    %select_n3A_366 = arith.select %eq3A_349, %broadcast_in_dim3A_364, %broadcast_in_dim3A_365 : vector<16x16xi1>, vector<16x16xi32>
    %reduce_sum3A_367 = arith.constant dense<0> : vector<16xi32>
    %reduce_sum3A_368 = vector.multi_reduction <add>, %select_n3A_366, %reduce_sum3A_367 [1] : vector<16x16xi32> to vector<16xi32>
    %broadcast_in_dim3A_369 = vector.shape_cast %reduce_sum3A_368 : vector<16xi32> to vector<16x1xi32>
    %jit3A_370 = arith.constant 0.000000e+00 : f32
    %broadcast_in_dim3A_371 = vector.shape_cast %and3A_331 : vector<16x1xi1> to vector<16x1xi1>
    %broadcast_in_dim3A_372 = vector.broadcast %broadcast_in_dim3A_371 : vector<16x1xi1> to vector<16x1024xi1>
    %broadcast_in_dim3A_373 = vector.broadcast %jit3A_370 : f32 to vector<16x1024xf32>
    %select_n3A_374 = arith.select %broadcast_in_dim3A_372, %dot_general3A_353, %broadcast_in_dim3A_373 : vector<16x1024xi1>, vector<16x1024xf32>
    %add3A_375 = arith.addf %add3A_324, %select_n3A_374 : vector<16x1024xf32>
    %convert_element_type3A_376 = arith.extui %and3A_331 : vector<16x1xi1> to vector<16x1xi32>
    %add3A_377 = arith.addi %add3A_326, %convert_element_type3A_376 : vector<16x1xi32>
    %gt3A_378 = arith.constant 0 : i32
    %gt3A_379 = vector.broadcast %gt3A_378 : i32 to vector<16x1xi32>
    %gt3A_380 = arith.cmpi sgt, %broadcast_in_dim3A_361, %gt3A_379 : vector<16x1xi32>
    %and3A_381 = arith.andi %and3A_331, %gt3A_380 : vector<16x1xi1>
    %select_n3A_382 = arith.select %and3A_381, %broadcast_in_dim3A_369, %select_n3A_304 : vector<16x1xi1>, vector<16x1xi32>
    %le3A_383 = arith.constant 0 : i32
    %le3A_384 = vector.broadcast %le3A_383 : i32 to vector<16x1xi32>
    %le3A_385 = arith.cmpi sle, %broadcast_in_dim3A_361, %le3A_384 : vector<16x1xi32>
    %and3A_386 = arith.andi %and3A_331, %le3A_385 : vector<16x1xi1>
    %or3A_387 = arith.ori %or3A_327, %and3A_386 : vector<16x1xi1>
    %not3A_388 = arith.constant dense<true> : vector<16x1xi1>
    %not3A_389 = arith.xori %or3A_387, %not3A_388 : vector<16x1xi1>
    %eq3A_390 = arith.constant 0 : i32
    %eq3A_391 = vector.broadcast %eq3A_390 : i32 to vector<16x1xi32>
    %eq3A_392 = arith.cmpi eq, %select_n3A_382, %eq3A_391 : vector<16x1xi32>
    %and3A_393 = arith.andi %not3A_389, %eq3A_392 : vector<16x1xi1>
    %slice3A_394 = vector.extract_strided_slice %get3A_1 {offsets = [0, 0], sizes = [1, 1024], strides = [1, 1]} : vector<16x1024xf32> to vector<1x1024xf32>
    %jit3A_395 = arith.constant 0.000000e+00 : f32
    %broadcast_in_dim3A_396 = vector.shape_cast %and3A_393 : vector<16x1xi1> to vector<16x1xi1>
    %broadcast_in_dim3A_397 = vector.broadcast %broadcast_in_dim3A_396 : vector<16x1xi1> to vector<16x1024xi1>
    %broadcast_in_dim3A_398 = vector.shape_cast %slice3A_394 : vector<1x1024xf32> to vector<1x1024xf32>
    %broadcast_in_dim3A_399 = vector.broadcast %broadcast_in_dim3A_398 : vector<1x1024xf32> to vector<16x1024xf32>
    %broadcast_in_dim3A_400 = vector.broadcast %jit3A_395 : f32 to vector<16x1024xf32>
    %select_n3A_401 = arith.select %broadcast_in_dim3A_397, %broadcast_in_dim3A_399, %broadcast_in_dim3A_400 : vector<16x1024xi1>, vector<16x1024xf32>
    %add3A_402 = arith.addf %add3A_375, %select_n3A_401 : vector<16x1024xf32>
    %convert_element_type3A_403 = arith.extui %and3A_393 : vector<16x1xi1> to vector<16x1xi32>
    %add3A_404 = arith.addi %add3A_377, %convert_element_type3A_403 : vector<16x1xi32>
    %or3A_405 = arith.ori %or3A_387, %and3A_393 : vector<16x1xi1>
    %ne3A_406 = arith.constant 0 : i32
    %ne3A_407 = vector.broadcast %ne3A_406 : i32 to vector<16x1xi32>
    %ne3A_408 = arith.cmpi ne, %select_n3A_382, %ne3A_407 : vector<16x1xi32>
    %and3A_409 = arith.andi %not3A_389, %ne3A_408 : vector<16x1xi1>
    %ge3A_410 = vector.broadcast %select_n3A_382 : vector<16x1xi32> to vector<16x16xi32>
    %ge3A_411 = vector.broadcast %get3A_4 : vector<1x16xi32> to vector<16x16xi32>
    %ge3A_412 = arith.cmpi sge, %ge3A_410, %ge3A_411 : vector<16x16xi32>
    %convert_element_type3A_413 = arith.extui %ge3A_412 : vector<16x16xi1> to vector<16x16xi32>
    %reduce_sum3A_414 = arith.constant dense<0> : vector<16xi32>
    %reduce_sum3A_415 = vector.multi_reduction <add>, %convert_element_type3A_413, %reduce_sum3A_414 [1] : vector<16x16xi32> to vector<16xi32>
    %broadcast_in_dim3A_416 = vector.shape_cast %reduce_sum3A_415 : vector<16xi32> to vector<16x1xi32>
    %sub3A_417 = arith.constant 1 : i32
    %sub3A_418 = vector.broadcast %sub3A_417 : i32 to vector<16x1xi32>
    %sub3A_419 = arith.subi %broadcast_in_dim3A_416, %sub3A_418 : vector<16x1xi32>
    %jit3A_420 = arith.constant 0 : i32
    %jit3A_421 = arith.constant 15 : i32
    %max3A_422 = vector.broadcast %jit3A_420 : i32 to vector<16x1xi32>
    %max3A_423 = arith.maxsi %max3A_422, %sub3A_419 : vector<16x1xi32>
    %min3A_424 = vector.broadcast %jit3A_421 : i32 to vector<16x1xi32>
    %min3A_425 = arith.minsi %min3A_424, %max3A_423 : vector<16x1xi32>
    %eq3A_426 = vector.broadcast %min3A_425 : vector<16x1xi32> to vector<16x16xi32>
    %eq3A_427 = arith.cmpi eq, %eq3A_426, %iota3A : vector<16x16xi32>
    %convert_element_type3A_428 = arith.extui %eq3A_427 : vector<16x16xi1> to vector<16x16xi32>
    %convert_element_type3A_429 = arith.sitofp %convert_element_type3A_428 : vector<16x16xi32> to vector<16x16xf32>
    %dot_general3A_430 = arith.constant dense<0.000000e+00> : vector<16x1024xf32>
    %dot_general3A_431 = tpu.matmul %convert_element_type3A_429, %get3A_1, %dot_general3A_430 {dimension_numbers = #tpu.dot_dimension_numbers<[1], [0], [0], [1], [0, 0, 1, 1], [], []>, transpose_lhs_hint = false} : vector<16x16xf32>, vector<16x1024xf32>, vector<16x1024xf32> -> vector<16x1024xf32>
    %jit3A_432 = arith.constant 0 : i32
    %broadcast_in_dim3A_433 = vector.shape_cast %get3A_4 : vector<1x16xi32> to vector<1x16xi32>
    %broadcast_in_dim3A_434 = vector.broadcast %broadcast_in_dim3A_433 : vector<1x16xi32> to vector<16x16xi32>
    %broadcast_in_dim3A_435 = vector.broadcast %jit3A_432 : i32 to vector<16x16xi32>
    %select_n3A_436 = arith.select %eq3A_427, %broadcast_in_dim3A_434, %broadcast_in_dim3A_435 : vector<16x16xi1>, vector<16x16xi32>
    %reduce_sum3A_437 = arith.constant dense<0> : vector<16xi32>
    %reduce_sum3A_438 = vector.multi_reduction <add>, %select_n3A_436, %reduce_sum3A_437 [1] : vector<16x16xi32> to vector<16xi32>
    %broadcast_in_dim3A_439 = vector.shape_cast %reduce_sum3A_438 : vector<16xi32> to vector<16x1xi32>
    %jit3A_440 = arith.constant 0 : i32
    %broadcast_in_dim3A_441 = vector.shape_cast %get3A_7 : vector<1x16xi32> to vector<1x16xi32>
    %broadcast_in_dim3A_442 = vector.broadcast %broadcast_in_dim3A_441 : vector<1x16xi32> to vector<16x16xi32>
    %broadcast_in_dim3A_443 = vector.broadcast %jit3A_440 : i32 to vector<16x16xi32>
    %select_n3A_444 = arith.select %eq3A_427, %broadcast_in_dim3A_442, %broadcast_in_dim3A_443 : vector<16x16xi1>, vector<16x16xi32>
    %reduce_sum3A_445 = arith.constant dense<0> : vector<16xi32>
    %reduce_sum3A_446 = vector.multi_reduction <add>, %select_n3A_444, %reduce_sum3A_445 [1] : vector<16x16xi32> to vector<16xi32>
    %broadcast_in_dim3A_447 = vector.shape_cast %reduce_sum3A_446 : vector<16xi32> to vector<16x1xi32>
    %jit3A_448 = arith.constant 0.000000e+00 : f32
    %broadcast_in_dim3A_449 = vector.shape_cast %and3A_409 : vector<16x1xi1> to vector<16x1xi1>
    %broadcast_in_dim3A_450 = vector.broadcast %broadcast_in_dim3A_449 : vector<16x1xi1> to vector<16x1024xi1>
    %broadcast_in_dim3A_451 = vector.broadcast %jit3A_448 : f32 to vector<16x1024xf32>
    %select_n3A_452 = arith.select %broadcast_in_dim3A_450, %dot_general3A_431, %broadcast_in_dim3A_451 : vector<16x1024xi1>, vector<16x1024xf32>
    %add3A_453 = arith.addf %add3A_402, %select_n3A_452 : vector<16x1024xf32>
    %convert_element_type3A_454 = arith.extui %and3A_409 : vector<16x1xi1> to vector<16x1xi32>
    %add3A_455 = arith.addi %add3A_404, %convert_element_type3A_454 : vector<16x1xi32>
    %gt3A_456 = arith.constant 0 : i32
    %gt3A_457 = vector.broadcast %gt3A_456 : i32 to vector<16x1xi32>
    %gt3A_458 = arith.cmpi sgt, %broadcast_in_dim3A_439, %gt3A_457 : vector<16x1xi32>
    %and3A_459 = arith.andi %and3A_409, %gt3A_458 : vector<16x1xi1>
    %select_n3A_460 = arith.select %and3A_459, %broadcast_in_dim3A_447, %select_n3A_382 : vector<16x1xi1>, vector<16x1xi32>
    %le3A_461 = arith.constant 0 : i32
    %le3A_462 = vector.broadcast %le3A_461 : i32 to vector<16x1xi32>
    %le3A_463 = arith.cmpi sle, %broadcast_in_dim3A_439, %le3A_462 : vector<16x1xi32>
    %and3A_464 = arith.andi %and3A_409, %le3A_463 : vector<16x1xi1>
    %or3A_465 = arith.ori %or3A_405, %and3A_464 : vector<16x1xi1>
    %not3A_466 = arith.constant dense<true> : vector<16x1xi1>
    %not3A_467 = arith.xori %or3A_465, %not3A_466 : vector<16x1xi1>
    %eq3A_468 = arith.constant 0 : i32
    %eq3A_469 = vector.broadcast %eq3A_468 : i32 to vector<16x1xi32>
    %eq3A_470 = arith.cmpi eq, %select_n3A_460, %eq3A_469 : vector<16x1xi32>
    %and3A_471 = arith.andi %not3A_467, %eq3A_470 : vector<16x1xi1>
    %slice3A_472 = vector.extract_strided_slice %get3A_1 {offsets = [0, 0], sizes = [1, 1024], strides = [1, 1]} : vector<16x1024xf32> to vector<1x1024xf32>
    %jit3A_473 = arith.constant 0.000000e+00 : f32
    %broadcast_in_dim3A_474 = vector.shape_cast %and3A_471 : vector<16x1xi1> to vector<16x1xi1>
    %broadcast_in_dim3A_475 = vector.broadcast %broadcast_in_dim3A_474 : vector<16x1xi1> to vector<16x1024xi1>
    %broadcast_in_dim3A_476 = vector.shape_cast %slice3A_472 : vector<1x1024xf32> to vector<1x1024xf32>
    %broadcast_in_dim3A_477 = vector.broadcast %broadcast_in_dim3A_476 : vector<1x1024xf32> to vector<16x1024xf32>
    %broadcast_in_dim3A_478 = vector.broadcast %jit3A_473 : f32 to vector<16x1024xf32>
    %select_n3A_479 = arith.select %broadcast_in_dim3A_475, %broadcast_in_dim3A_477, %broadcast_in_dim3A_478 : vector<16x1024xi1>, vector<16x1024xf32>
    %add3A_480 = arith.addf %add3A_453, %select_n3A_479 : vector<16x1024xf32>
    %convert_element_type3A_481 = arith.extui %and3A_471 : vector<16x1xi1> to vector<16x1xi32>
    %add3A_482 = arith.addi %add3A_455, %convert_element_type3A_481 : vector<16x1xi32>
    %or3A_483 = arith.ori %or3A_465, %and3A_471 : vector<16x1xi1>
    %ne3A_484 = arith.constant 0 : i32
    %ne3A_485 = vector.broadcast %ne3A_484 : i32 to vector<16x1xi32>
    %ne3A_486 = arith.cmpi ne, %select_n3A_460, %ne3A_485 : vector<16x1xi32>
    %and3A_487 = arith.andi %not3A_467, %ne3A_486 : vector<16x1xi1>
    %ge3A_488 = vector.broadcast %select_n3A_460 : vector<16x1xi32> to vector<16x16xi32>
    %ge3A_489 = vector.broadcast %get3A_4 : vector<1x16xi32> to vector<16x16xi32>
    %ge3A_490 = arith.cmpi sge, %ge3A_488, %ge3A_489 : vector<16x16xi32>
    %convert_element_type3A_491 = arith.extui %ge3A_490 : vector<16x16xi1> to vector<16x16xi32>
    %reduce_sum3A_492 = arith.constant dense<0> : vector<16xi32>
    %reduce_sum3A_493 = vector.multi_reduction <add>, %convert_element_type3A_491, %reduce_sum3A_492 [1] : vector<16x16xi32> to vector<16xi32>
    %broadcast_in_dim3A_494 = vector.shape_cast %reduce_sum3A_493 : vector<16xi32> to vector<16x1xi32>
    %sub3A_495 = arith.constant 1 : i32
    %sub3A_496 = vector.broadcast %sub3A_495 : i32 to vector<16x1xi32>
    %sub3A_497 = arith.subi %broadcast_in_dim3A_494, %sub3A_496 : vector<16x1xi32>
    %jit3A_498 = arith.constant 0 : i32
    %jit3A_499 = arith.constant 15 : i32
    %max3A_500 = vector.broadcast %jit3A_498 : i32 to vector<16x1xi32>
    %max3A_501 = arith.maxsi %max3A_500, %sub3A_497 : vector<16x1xi32>
    %min3A_502 = vector.broadcast %jit3A_499 : i32 to vector<16x1xi32>
    %min3A_503 = arith.minsi %min3A_502, %max3A_501 : vector<16x1xi32>
    %eq3A_504 = vector.broadcast %min3A_503 : vector<16x1xi32> to vector<16x16xi32>
    %eq3A_505 = arith.cmpi eq, %eq3A_504, %iota3A : vector<16x16xi32>
    %convert_element_type3A_506 = arith.extui %eq3A_505 : vector<16x16xi1> to vector<16x16xi32>
    %convert_element_type3A_507 = arith.sitofp %convert_element_type3A_506 : vector<16x16xi32> to vector<16x16xf32>
    %dot_general3A_508 = arith.constant dense<0.000000e+00> : vector<16x1024xf32>
    %dot_general3A_509 = tpu.matmul %convert_element_type3A_507, %get3A_1, %dot_general3A_508 {dimension_numbers = #tpu.dot_dimension_numbers<[1], [0], [0], [1], [0, 0, 1, 1], [], []>, transpose_lhs_hint = false} : vector<16x16xf32>, vector<16x1024xf32>, vector<16x1024xf32> -> vector<16x1024xf32>
    %jit3A_510 = arith.constant 0 : i32
    %broadcast_in_dim3A_511 = vector.shape_cast %get3A_4 : vector<1x16xi32> to vector<1x16xi32>
    %broadcast_in_dim3A_512 = vector.broadcast %broadcast_in_dim3A_511 : vector<1x16xi32> to vector<16x16xi32>
    %broadcast_in_dim3A_513 = vector.broadcast %jit3A_510 : i32 to vector<16x16xi32>
    %select_n3A_514 = arith.select %eq3A_505, %broadcast_in_dim3A_512, %broadcast_in_dim3A_513 : vector<16x16xi1>, vector<16x16xi32>
    %reduce_sum3A_515 = arith.constant dense<0> : vector<16xi32>
    %reduce_sum3A_516 = vector.multi_reduction <add>, %select_n3A_514, %reduce_sum3A_515 [1] : vector<16x16xi32> to vector<16xi32>
    %broadcast_in_dim3A_517 = vector.shape_cast %reduce_sum3A_516 : vector<16xi32> to vector<16x1xi32>
    %jit3A_518 = arith.constant 0 : i32
    %broadcast_in_dim3A_519 = vector.shape_cast %get3A_7 : vector<1x16xi32> to vector<1x16xi32>
    %broadcast_in_dim3A_520 = vector.broadcast %broadcast_in_dim3A_519 : vector<1x16xi32> to vector<16x16xi32>
    %broadcast_in_dim3A_521 = vector.broadcast %jit3A_518 : i32 to vector<16x16xi32>
    %select_n3A_522 = arith.select %eq3A_505, %broadcast_in_dim3A_520, %broadcast_in_dim3A_521 : vector<16x16xi1>, vector<16x16xi32>
    %reduce_sum3A_523 = arith.constant dense<0> : vector<16xi32>
    %reduce_sum3A_524 = vector.multi_reduction <add>, %select_n3A_522, %reduce_sum3A_523 [1] : vector<16x16xi32> to vector<16xi32>
    %broadcast_in_dim3A_525 = vector.shape_cast %reduce_sum3A_524 : vector<16xi32> to vector<16x1xi32>
    %jit3A_526 = arith.constant 0.000000e+00 : f32
    %broadcast_in_dim3A_527 = vector.shape_cast %and3A_487 : vector<16x1xi1> to vector<16x1xi1>
    %broadcast_in_dim3A_528 = vector.broadcast %broadcast_in_dim3A_527 : vector<16x1xi1> to vector<16x1024xi1>
    %broadcast_in_dim3A_529 = vector.broadcast %jit3A_526 : f32 to vector<16x1024xf32>
    %select_n3A_530 = arith.select %broadcast_in_dim3A_528, %dot_general3A_509, %broadcast_in_dim3A_529 : vector<16x1024xi1>, vector<16x1024xf32>
    %add3A_531 = arith.addf %add3A_480, %select_n3A_530 : vector<16x1024xf32>
    %convert_element_type3A_532 = arith.extui %and3A_487 : vector<16x1xi1> to vector<16x1xi32>
    %add3A_533 = arith.addi %add3A_482, %convert_element_type3A_532 : vector<16x1xi32>
    %gt3A_534 = arith.constant 0 : i32
    %gt3A_535 = vector.broadcast %gt3A_534 : i32 to vector<16x1xi32>
    %gt3A_536 = arith.cmpi sgt, %broadcast_in_dim3A_517, %gt3A_535 : vector<16x1xi32>
    %and3A_537 = arith.andi %and3A_487, %gt3A_536 : vector<16x1xi1>
    %select_n3A_538 = arith.select %and3A_537, %broadcast_in_dim3A_525, %select_n3A_460 : vector<16x1xi1>, vector<16x1xi32>
    %le3A_539 = arith.constant 0 : i32
    %le3A_540 = vector.broadcast %le3A_539 : i32 to vector<16x1xi32>
    %le3A_541 = arith.cmpi sle, %broadcast_in_dim3A_517, %le3A_540 : vector<16x1xi32>
    %and3A_542 = arith.andi %and3A_487, %le3A_541 : vector<16x1xi1>
    %or3A_543 = arith.ori %or3A_483, %and3A_542 : vector<16x1xi1>
    %not3A_544 = arith.constant dense<true> : vector<16x1xi1>
    %not3A_545 = arith.xori %or3A_543, %not3A_544 : vector<16x1xi1>
    %eq3A_546 = arith.constant 0 : i32
    %eq3A_547 = vector.broadcast %eq3A_546 : i32 to vector<16x1xi32>
    %eq3A_548 = arith.cmpi eq, %select_n3A_538, %eq3A_547 : vector<16x1xi32>
    %and3A_549 = arith.andi %not3A_545, %eq3A_548 : vector<16x1xi1>
    %slice3A_550 = vector.extract_strided_slice %get3A_1 {offsets = [0, 0], sizes = [1, 1024], strides = [1, 1]} : vector<16x1024xf32> to vector<1x1024xf32>
    %jit3A_551 = arith.constant 0.000000e+00 : f32
    %broadcast_in_dim3A_552 = vector.shape_cast %and3A_549 : vector<16x1xi1> to vector<16x1xi1>
    %broadcast_in_dim3A_553 = vector.broadcast %broadcast_in_dim3A_552 : vector<16x1xi1> to vector<16x1024xi1>
    %broadcast_in_dim3A_554 = vector.shape_cast %slice3A_550 : vector<1x1024xf32> to vector<1x1024xf32>
    %broadcast_in_dim3A_555 = vector.broadcast %broadcast_in_dim3A_554 : vector<1x1024xf32> to vector<16x1024xf32>
    %broadcast_in_dim3A_556 = vector.broadcast %jit3A_551 : f32 to vector<16x1024xf32>
    %select_n3A_557 = arith.select %broadcast_in_dim3A_553, %broadcast_in_dim3A_555, %broadcast_in_dim3A_556 : vector<16x1024xi1>, vector<16x1024xf32>
    %add3A_558 = arith.addf %add3A_531, %select_n3A_557 : vector<16x1024xf32>
    %convert_element_type3A_559 = arith.extui %and3A_549 : vector<16x1xi1> to vector<16x1xi32>
    %add3A_560 = arith.addi %add3A_533, %convert_element_type3A_559 : vector<16x1xi32>
    %or3A_561 = arith.ori %or3A_543, %and3A_549 : vector<16x1xi1>
    %ne3A_562 = arith.constant 0 : i32
    %ne3A_563 = vector.broadcast %ne3A_562 : i32 to vector<16x1xi32>
    %ne3A_564 = arith.cmpi ne, %select_n3A_538, %ne3A_563 : vector<16x1xi32>
    %and3A_565 = arith.andi %not3A_545, %ne3A_564 : vector<16x1xi1>
    %ge3A_566 = vector.broadcast %select_n3A_538 : vector<16x1xi32> to vector<16x16xi32>
    %ge3A_567 = vector.broadcast %get3A_4 : vector<1x16xi32> to vector<16x16xi32>
    %ge3A_568 = arith.cmpi sge, %ge3A_566, %ge3A_567 : vector<16x16xi32>
    %convert_element_type3A_569 = arith.extui %ge3A_568 : vector<16x16xi1> to vector<16x16xi32>
    %reduce_sum3A_570 = arith.constant dense<0> : vector<16xi32>
    %reduce_sum3A_571 = vector.multi_reduction <add>, %convert_element_type3A_569, %reduce_sum3A_570 [1] : vector<16x16xi32> to vector<16xi32>
    %broadcast_in_dim3A_572 = vector.shape_cast %reduce_sum3A_571 : vector<16xi32> to vector<16x1xi32>
    %sub3A_573 = arith.constant 1 : i32
    %sub3A_574 = vector.broadcast %sub3A_573 : i32 to vector<16x1xi32>
    %sub3A_575 = arith.subi %broadcast_in_dim3A_572, %sub3A_574 : vector<16x1xi32>
    %jit3A_576 = arith.constant 0 : i32
    %jit3A_577 = arith.constant 15 : i32
    %max3A_578 = vector.broadcast %jit3A_576 : i32 to vector<16x1xi32>
    %max3A_579 = arith.maxsi %max3A_578, %sub3A_575 : vector<16x1xi32>
    %min3A_580 = vector.broadcast %jit3A_577 : i32 to vector<16x1xi32>
    %min3A_581 = arith.minsi %min3A_580, %max3A_579 : vector<16x1xi32>
    %eq3A_582 = vector.broadcast %min3A_581 : vector<16x1xi32> to vector<16x16xi32>
    %eq3A_583 = arith.cmpi eq, %eq3A_582, %iota3A : vector<16x16xi32>
    %convert_element_type3A_584 = arith.extui %eq3A_583 : vector<16x16xi1> to vector<16x16xi32>
    %convert_element_type3A_585 = arith.sitofp %convert_element_type3A_584 : vector<16x16xi32> to vector<16x16xf32>
    %dot_general3A_586 = arith.constant dense<0.000000e+00> : vector<16x1024xf32>
    %dot_general3A_587 = tpu.matmul %convert_element_type3A_585, %get3A_1, %dot_general3A_586 {dimension_numbers = #tpu.dot_dimension_numbers<[1], [0], [0], [1], [0, 0, 1, 1], [], []>, transpose_lhs_hint = false} : vector<16x16xf32>, vector<16x1024xf32>, vector<16x1024xf32> -> vector<16x1024xf32>
    %jit3A_588 = arith.constant 0 : i32
    %broadcast_in_dim3A_589 = vector.shape_cast %get3A_4 : vector<1x16xi32> to vector<1x16xi32>
    %broadcast_in_dim3A_590 = vector.broadcast %broadcast_in_dim3A_589 : vector<1x16xi32> to vector<16x16xi32>
    %broadcast_in_dim3A_591 = vector.broadcast %jit3A_588 : i32 to vector<16x16xi32>
    %select_n3A_592 = arith.select %eq3A_583, %broadcast_in_dim3A_590, %broadcast_in_dim3A_591 : vector<16x16xi1>, vector<16x16xi32>
    %reduce_sum3A_593 = arith.constant dense<0> : vector<16xi32>
    %reduce_sum3A_594 = vector.multi_reduction <add>, %select_n3A_592, %reduce_sum3A_593 [1] : vector<16x16xi32> to vector<16xi32>
    %broadcast_in_dim3A_595 = vector.shape_cast %reduce_sum3A_594 : vector<16xi32> to vector<16x1xi32>
    %jit3A_596 = arith.constant 0 : i32
    %broadcast_in_dim3A_597 = vector.shape_cast %get3A_7 : vector<1x16xi32> to vector<1x16xi32>
    %broadcast_in_dim3A_598 = vector.broadcast %broadcast_in_dim3A_597 : vector<1x16xi32> to vector<16x16xi32>
    %broadcast_in_dim3A_599 = vector.broadcast %jit3A_596 : i32 to vector<16x16xi32>
    %select_n3A_600 = arith.select %eq3A_583, %broadcast_in_dim3A_598, %broadcast_in_dim3A_599 : vector<16x16xi1>, vector<16x16xi32>
    %reduce_sum3A_601 = arith.constant dense<0> : vector<16xi32>
    %reduce_sum3A_602 = vector.multi_reduction <add>, %select_n3A_600, %reduce_sum3A_601 [1] : vector<16x16xi32> to vector<16xi32>
    %broadcast_in_dim3A_603 = vector.shape_cast %reduce_sum3A_602 : vector<16xi32> to vector<16x1xi32>
    %jit3A_604 = arith.constant 0.000000e+00 : f32
    %broadcast_in_dim3A_605 = vector.shape_cast %and3A_565 : vector<16x1xi1> to vector<16x1xi1>
    %broadcast_in_dim3A_606 = vector.broadcast %broadcast_in_dim3A_605 : vector<16x1xi1> to vector<16x1024xi1>
    %broadcast_in_dim3A_607 = vector.broadcast %jit3A_604 : f32 to vector<16x1024xf32>
    %select_n3A_608 = arith.select %broadcast_in_dim3A_606, %dot_general3A_587, %broadcast_in_dim3A_607 : vector<16x1024xi1>, vector<16x1024xf32>
    %add3A_609 = arith.addf %add3A_558, %select_n3A_608 : vector<16x1024xf32>
    %convert_element_type3A_610 = arith.extui %and3A_565 : vector<16x1xi1> to vector<16x1xi32>
    %add3A_611 = arith.addi %add3A_560, %convert_element_type3A_610 : vector<16x1xi32>
    %gt3A_612 = arith.constant 0 : i32
    %gt3A_613 = vector.broadcast %gt3A_612 : i32 to vector<16x1xi32>
    %gt3A_614 = arith.cmpi sgt, %broadcast_in_dim3A_595, %gt3A_613 : vector<16x1xi32>
    %and3A_615 = arith.andi %and3A_565, %gt3A_614 : vector<16x1xi1>
    %select_n3A_616 = arith.select %and3A_615, %broadcast_in_dim3A_603, %select_n3A_538 : vector<16x1xi1>, vector<16x1xi32>
    %le3A_617 = arith.constant 0 : i32
    %le3A_618 = vector.broadcast %le3A_617 : i32 to vector<16x1xi32>
    %le3A_619 = arith.cmpi sle, %broadcast_in_dim3A_595, %le3A_618 : vector<16x1xi32>
    %and3A_620 = arith.andi %and3A_565, %le3A_619 : vector<16x1xi1>
    %or3A_621 = arith.ori %or3A_561, %and3A_620 : vector<16x1xi1>
    %not3A_622 = arith.constant dense<true> : vector<16x1xi1>
    %not3A_623 = arith.xori %or3A_621, %not3A_622 : vector<16x1xi1>
    %eq3A_624 = arith.constant 0 : i32
    %eq3A_625 = vector.broadcast %eq3A_624 : i32 to vector<16x1xi32>
    %eq3A_626 = arith.cmpi eq, %select_n3A_616, %eq3A_625 : vector<16x1xi32>
    %and3A_627 = arith.andi %not3A_623, %eq3A_626 : vector<16x1xi1>
    %slice3A_628 = vector.extract_strided_slice %get3A_1 {offsets = [0, 0], sizes = [1, 1024], strides = [1, 1]} : vector<16x1024xf32> to vector<1x1024xf32>
    %jit3A_629 = arith.constant 0.000000e+00 : f32
    %broadcast_in_dim3A_630 = vector.shape_cast %and3A_627 : vector<16x1xi1> to vector<16x1xi1>
    %broadcast_in_dim3A_631 = vector.broadcast %broadcast_in_dim3A_630 : vector<16x1xi1> to vector<16x1024xi1>
    %broadcast_in_dim3A_632 = vector.shape_cast %slice3A_628 : vector<1x1024xf32> to vector<1x1024xf32>
    %broadcast_in_dim3A_633 = vector.broadcast %broadcast_in_dim3A_632 : vector<1x1024xf32> to vector<16x1024xf32>
    %broadcast_in_dim3A_634 = vector.broadcast %jit3A_629 : f32 to vector<16x1024xf32>
    %select_n3A_635 = arith.select %broadcast_in_dim3A_631, %broadcast_in_dim3A_633, %broadcast_in_dim3A_634 : vector<16x1024xi1>, vector<16x1024xf32>
    %add3A_636 = arith.addf %add3A_609, %select_n3A_635 : vector<16x1024xf32>
    %convert_element_type3A_637 = arith.extui %and3A_627 : vector<16x1xi1> to vector<16x1xi32>
    %add3A_638 = arith.addi %add3A_611, %convert_element_type3A_637 : vector<16x1xi32>
    %or3A_639 = arith.ori %or3A_621, %and3A_627 : vector<16x1xi1>
    %ne3A_640 = arith.constant 0 : i32
    %ne3A_641 = vector.broadcast %ne3A_640 : i32 to vector<16x1xi32>
    %ne3A_642 = arith.cmpi ne, %select_n3A_616, %ne3A_641 : vector<16x1xi32>
    %and3A_643 = arith.andi %not3A_623, %ne3A_642 : vector<16x1xi1>
    %ge3A_644 = vector.broadcast %select_n3A_616 : vector<16x1xi32> to vector<16x16xi32>
    %ge3A_645 = vector.broadcast %get3A_4 : vector<1x16xi32> to vector<16x16xi32>
    %ge3A_646 = arith.cmpi sge, %ge3A_644, %ge3A_645 : vector<16x16xi32>
    %convert_element_type3A_647 = arith.extui %ge3A_646 : vector<16x16xi1> to vector<16x16xi32>
    %reduce_sum3A_648 = arith.constant dense<0> : vector<16xi32>
    %reduce_sum3A_649 = vector.multi_reduction <add>, %convert_element_type3A_647, %reduce_sum3A_648 [1] : vector<16x16xi32> to vector<16xi32>
    %broadcast_in_dim3A_650 = vector.shape_cast %reduce_sum3A_649 : vector<16xi32> to vector<16x1xi32>
    %sub3A_651 = arith.constant 1 : i32
    %sub3A_652 = vector.broadcast %sub3A_651 : i32 to vector<16x1xi32>
    %sub3A_653 = arith.subi %broadcast_in_dim3A_650, %sub3A_652 : vector<16x1xi32>
    %jit3A_654 = arith.constant 0 : i32
    %jit3A_655 = arith.constant 15 : i32
    %max3A_656 = vector.broadcast %jit3A_654 : i32 to vector<16x1xi32>
    %max3A_657 = arith.maxsi %max3A_656, %sub3A_653 : vector<16x1xi32>
    %min3A_658 = vector.broadcast %jit3A_655 : i32 to vector<16x1xi32>
    %min3A_659 = arith.minsi %min3A_658, %max3A_657 : vector<16x1xi32>
    %eq3A_660 = vector.broadcast %min3A_659 : vector<16x1xi32> to vector<16x16xi32>
    %eq3A_661 = arith.cmpi eq, %eq3A_660, %iota3A : vector<16x16xi32>
    %convert_element_type3A_662 = arith.extui %eq3A_661 : vector<16x16xi1> to vector<16x16xi32>
    %convert_element_type3A_663 = arith.sitofp %convert_element_type3A_662 : vector<16x16xi32> to vector<16x16xf32>
    %dot_general3A_664 = arith.constant dense<0.000000e+00> : vector<16x1024xf32>
    %dot_general3A_665 = tpu.matmul %convert_element_type3A_663, %get3A_1, %dot_general3A_664 {dimension_numbers = #tpu.dot_dimension_numbers<[1], [0], [0], [1], [0, 0, 1, 1], [], []>, transpose_lhs_hint = false} : vector<16x16xf32>, vector<16x1024xf32>, vector<16x1024xf32> -> vector<16x1024xf32>
    %jit3A_666 = arith.constant 0 : i32
    %broadcast_in_dim3A_667 = vector.shape_cast %get3A_4 : vector<1x16xi32> to vector<1x16xi32>
    %broadcast_in_dim3A_668 = vector.broadcast %broadcast_in_dim3A_667 : vector<1x16xi32> to vector<16x16xi32>
    %broadcast_in_dim3A_669 = vector.broadcast %jit3A_666 : i32 to vector<16x16xi32>
    %select_n3A_670 = arith.select %eq3A_661, %broadcast_in_dim3A_668, %broadcast_in_dim3A_669 : vector<16x16xi1>, vector<16x16xi32>
    %reduce_sum3A_671 = arith.constant dense<0> : vector<16xi32>
    %reduce_sum3A_672 = vector.multi_reduction <add>, %select_n3A_670, %reduce_sum3A_671 [1] : vector<16x16xi32> to vector<16xi32>
    %broadcast_in_dim3A_673 = vector.shape_cast %reduce_sum3A_672 : vector<16xi32> to vector<16x1xi32>
    %jit3A_674 = arith.constant 0 : i32
    %broadcast_in_dim3A_675 = vector.shape_cast %get3A_7 : vector<1x16xi32> to vector<1x16xi32>
    %broadcast_in_dim3A_676 = vector.broadcast %broadcast_in_dim3A_675 : vector<1x16xi32> to vector<16x16xi32>
    %broadcast_in_dim3A_677 = vector.broadcast %jit3A_674 : i32 to vector<16x16xi32>
    %select_n3A_678 = arith.select %eq3A_661, %broadcast_in_dim3A_676, %broadcast_in_dim3A_677 : vector<16x16xi1>, vector<16x16xi32>
    %reduce_sum3A_679 = arith.constant dense<0> : vector<16xi32>
    %reduce_sum3A_680 = vector.multi_reduction <add>, %select_n3A_678, %reduce_sum3A_679 [1] : vector<16x16xi32> to vector<16xi32>
    %broadcast_in_dim3A_681 = vector.shape_cast %reduce_sum3A_680 : vector<16xi32> to vector<16x1xi32>
    %jit3A_682 = arith.constant 0.000000e+00 : f32
    %broadcast_in_dim3A_683 = vector.shape_cast %and3A_643 : vector<16x1xi1> to vector<16x1xi1>
    %broadcast_in_dim3A_684 = vector.broadcast %broadcast_in_dim3A_683 : vector<16x1xi1> to vector<16x1024xi1>
    %broadcast_in_dim3A_685 = vector.broadcast %jit3A_682 : f32 to vector<16x1024xf32>
    %select_n3A_686 = arith.select %broadcast_in_dim3A_684, %dot_general3A_665, %broadcast_in_dim3A_685 : vector<16x1024xi1>, vector<16x1024xf32>
    %add3A_687 = arith.addf %add3A_636, %select_n3A_686 : vector<16x1024xf32>
    %convert_element_type3A_688 = arith.extui %and3A_643 : vector<16x1xi1> to vector<16x1xi32>
    %add3A_689 = arith.addi %add3A_638, %convert_element_type3A_688 : vector<16x1xi32>
    %gt3A_690 = arith.constant 0 : i32
    %gt3A_691 = vector.broadcast %gt3A_690 : i32 to vector<16x1xi32>
    %gt3A_692 = arith.cmpi sgt, %broadcast_in_dim3A_673, %gt3A_691 : vector<16x1xi32>
    %and3A_693 = arith.andi %and3A_643, %gt3A_692 : vector<16x1xi1>
    %select_n3A_694 = arith.select %and3A_693, %broadcast_in_dim3A_681, %select_n3A_616 : vector<16x1xi1>, vector<16x1xi32>
    %le3A_695 = arith.constant 0 : i32
    %le3A_696 = vector.broadcast %le3A_695 : i32 to vector<16x1xi32>
    %le3A_697 = arith.cmpi sle, %broadcast_in_dim3A_673, %le3A_696 : vector<16x1xi32>
    %and3A_698 = arith.andi %and3A_643, %le3A_697 : vector<16x1xi1>
    %or3A_699 = arith.ori %or3A_639, %and3A_698 : vector<16x1xi1>
    %not3A_700 = arith.constant dense<true> : vector<16x1xi1>
    %not3A_701 = arith.xori %or3A_699, %not3A_700 : vector<16x1xi1>
    %eq3A_702 = arith.constant 0 : i32
    %eq3A_703 = vector.broadcast %eq3A_702 : i32 to vector<16x1xi32>
    %eq3A_704 = arith.cmpi eq, %select_n3A_694, %eq3A_703 : vector<16x1xi32>
    %and3A_705 = arith.andi %not3A_701, %eq3A_704 : vector<16x1xi1>
    %slice3A_706 = vector.extract_strided_slice %get3A_1 {offsets = [0, 0], sizes = [1, 1024], strides = [1, 1]} : vector<16x1024xf32> to vector<1x1024xf32>
    %jit3A_707 = arith.constant 0.000000e+00 : f32
    %broadcast_in_dim3A_708 = vector.shape_cast %and3A_705 : vector<16x1xi1> to vector<16x1xi1>
    %broadcast_in_dim3A_709 = vector.broadcast %broadcast_in_dim3A_708 : vector<16x1xi1> to vector<16x1024xi1>
    %broadcast_in_dim3A_710 = vector.shape_cast %slice3A_706 : vector<1x1024xf32> to vector<1x1024xf32>
    %broadcast_in_dim3A_711 = vector.broadcast %broadcast_in_dim3A_710 : vector<1x1024xf32> to vector<16x1024xf32>
    %broadcast_in_dim3A_712 = vector.broadcast %jit3A_707 : f32 to vector<16x1024xf32>
    %select_n3A_713 = arith.select %broadcast_in_dim3A_709, %broadcast_in_dim3A_711, %broadcast_in_dim3A_712 : vector<16x1024xi1>, vector<16x1024xf32>
    %add3A_714 = arith.addf %add3A_687, %select_n3A_713 : vector<16x1024xf32>
    %convert_element_type3A_715 = arith.extui %and3A_705 : vector<16x1xi1> to vector<16x1xi32>
    %add3A_716 = arith.addi %add3A_689, %convert_element_type3A_715 : vector<16x1xi32>
    %or3A_717 = arith.ori %or3A_699, %and3A_705 : vector<16x1xi1>
    %ne3A_718 = arith.constant 0 : i32
    %ne3A_719 = vector.broadcast %ne3A_718 : i32 to vector<16x1xi32>
    %ne3A_720 = arith.cmpi ne, %select_n3A_694, %ne3A_719 : vector<16x1xi32>
    %and3A_721 = arith.andi %not3A_701, %ne3A_720 : vector<16x1xi1>
    %ge3A_722 = vector.broadcast %select_n3A_694 : vector<16x1xi32> to vector<16x16xi32>
    %ge3A_723 = vector.broadcast %get3A_4 : vector<1x16xi32> to vector<16x16xi32>
    %ge3A_724 = arith.cmpi sge, %ge3A_722, %ge3A_723 : vector<16x16xi32>
    %convert_element_type3A_725 = arith.extui %ge3A_724 : vector<16x16xi1> to vector<16x16xi32>
    %reduce_sum3A_726 = arith.constant dense<0> : vector<16xi32>
    %reduce_sum3A_727 = vector.multi_reduction <add>, %convert_element_type3A_725, %reduce_sum3A_726 [1] : vector<16x16xi32> to vector<16xi32>
    %broadcast_in_dim3A_728 = vector.shape_cast %reduce_sum3A_727 : vector<16xi32> to vector<16x1xi32>
    %sub3A_729 = arith.constant 1 : i32
    %sub3A_730 = vector.broadcast %sub3A_729 : i32 to vector<16x1xi32>
    %sub3A_731 = arith.subi %broadcast_in_dim3A_728, %sub3A_730 : vector<16x1xi32>
    %jit3A_732 = arith.constant 0 : i32
    %jit3A_733 = arith.constant 15 : i32
    %max3A_734 = vector.broadcast %jit3A_732 : i32 to vector<16x1xi32>
    %max3A_735 = arith.maxsi %max3A_734, %sub3A_731 : vector<16x1xi32>
    %min3A_736 = vector.broadcast %jit3A_733 : i32 to vector<16x1xi32>
    %min3A_737 = arith.minsi %min3A_736, %max3A_735 : vector<16x1xi32>
    %eq3A_738 = vector.broadcast %min3A_737 : vector<16x1xi32> to vector<16x16xi32>
    %eq3A_739 = arith.cmpi eq, %eq3A_738, %iota3A : vector<16x16xi32>
    %convert_element_type3A_740 = arith.extui %eq3A_739 : vector<16x16xi1> to vector<16x16xi32>
    %convert_element_type3A_741 = arith.sitofp %convert_element_type3A_740 : vector<16x16xi32> to vector<16x16xf32>
    %dot_general3A_742 = arith.constant dense<0.000000e+00> : vector<16x1024xf32>
    %dot_general3A_743 = tpu.matmul %convert_element_type3A_741, %get3A_1, %dot_general3A_742 {dimension_numbers = #tpu.dot_dimension_numbers<[1], [0], [0], [1], [0, 0, 1, 1], [], []>, transpose_lhs_hint = false} : vector<16x16xf32>, vector<16x1024xf32>, vector<16x1024xf32> -> vector<16x1024xf32>
    %jit3A_744 = arith.constant 0 : i32
    %broadcast_in_dim3A_745 = vector.shape_cast %get3A_4 : vector<1x16xi32> to vector<1x16xi32>
    %broadcast_in_dim3A_746 = vector.broadcast %broadcast_in_dim3A_745 : vector<1x16xi32> to vector<16x16xi32>
    %broadcast_in_dim3A_747 = vector.broadcast %jit3A_744 : i32 to vector<16x16xi32>
    %select_n3A_748 = arith.select %eq3A_739, %broadcast_in_dim3A_746, %broadcast_in_dim3A_747 : vector<16x16xi1>, vector<16x16xi32>
    %reduce_sum3A_749 = arith.constant dense<0> : vector<16xi32>
    %reduce_sum3A_750 = vector.multi_reduction <add>, %select_n3A_748, %reduce_sum3A_749 [1] : vector<16x16xi32> to vector<16xi32>
    %broadcast_in_dim3A_751 = vector.shape_cast %reduce_sum3A_750 : vector<16xi32> to vector<16x1xi32>
    %jit3A_752 = arith.constant 0 : i32
    %broadcast_in_dim3A_753 = vector.shape_cast %get3A_7 : vector<1x16xi32> to vector<1x16xi32>
    %broadcast_in_dim3A_754 = vector.broadcast %broadcast_in_dim3A_753 : vector<1x16xi32> to vector<16x16xi32>
    %broadcast_in_dim3A_755 = vector.broadcast %jit3A_752 : i32 to vector<16x16xi32>
    %select_n3A_756 = arith.select %eq3A_739, %broadcast_in_dim3A_754, %broadcast_in_dim3A_755 : vector<16x16xi1>, vector<16x16xi32>
    %reduce_sum3A_757 = arith.constant dense<0> : vector<16xi32>
    %reduce_sum3A_758 = vector.multi_reduction <add>, %select_n3A_756, %reduce_sum3A_757 [1] : vector<16x16xi32> to vector<16xi32>
    %broadcast_in_dim3A_759 = vector.shape_cast %reduce_sum3A_758 : vector<16xi32> to vector<16x1xi32>
    %jit3A_760 = arith.constant 0.000000e+00 : f32
    %broadcast_in_dim3A_761 = vector.shape_cast %and3A_721 : vector<16x1xi1> to vector<16x1xi1>
    %broadcast_in_dim3A_762 = vector.broadcast %broadcast_in_dim3A_761 : vector<16x1xi1> to vector<16x1024xi1>
    %broadcast_in_dim3A_763 = vector.broadcast %jit3A_760 : f32 to vector<16x1024xf32>
    %select_n3A_764 = arith.select %broadcast_in_dim3A_762, %dot_general3A_743, %broadcast_in_dim3A_763 : vector<16x1024xi1>, vector<16x1024xf32>
    %add3A_765 = arith.addf %add3A_714, %select_n3A_764 : vector<16x1024xf32>
    %convert_element_type3A_766 = arith.extui %and3A_721 : vector<16x1xi1> to vector<16x1xi32>
    %add3A_767 = arith.addi %add3A_716, %convert_element_type3A_766 : vector<16x1xi32>
    %gt3A_768 = arith.constant 0 : i32
    %gt3A_769 = vector.broadcast %gt3A_768 : i32 to vector<16x1xi32>
    %gt3A_770 = arith.cmpi sgt, %broadcast_in_dim3A_751, %gt3A_769 : vector<16x1xi32>
    %and3A_771 = arith.andi %and3A_721, %gt3A_770 : vector<16x1xi1>
    %select_n3A_772 = arith.select %and3A_771, %broadcast_in_dim3A_759, %select_n3A_694 : vector<16x1xi1>, vector<16x1xi32>
    %le3A_773 = arith.constant 0 : i32
    %le3A_774 = vector.broadcast %le3A_773 : i32 to vector<16x1xi32>
    %le3A_775 = arith.cmpi sle, %broadcast_in_dim3A_751, %le3A_774 : vector<16x1xi32>
    %and3A_776 = arith.andi %and3A_721, %le3A_775 : vector<16x1xi1>
    %or3A_777 = arith.ori %or3A_717, %and3A_776 : vector<16x1xi1>
    %not3A_778 = arith.constant dense<true> : vector<16x1xi1>
    %not3A_779 = arith.xori %or3A_777, %not3A_778 : vector<16x1xi1>
    %eq3A_780 = arith.constant 0 : i32
    %eq3A_781 = vector.broadcast %eq3A_780 : i32 to vector<16x1xi32>
    %eq3A_782 = arith.cmpi eq, %select_n3A_772, %eq3A_781 : vector<16x1xi32>
    %and3A_783 = arith.andi %not3A_779, %eq3A_782 : vector<16x1xi1>
    %slice3A_784 = vector.extract_strided_slice %get3A_1 {offsets = [0, 0], sizes = [1, 1024], strides = [1, 1]} : vector<16x1024xf32> to vector<1x1024xf32>
    %jit3A_785 = arith.constant 0.000000e+00 : f32
    %broadcast_in_dim3A_786 = vector.shape_cast %and3A_783 : vector<16x1xi1> to vector<16x1xi1>
    %broadcast_in_dim3A_787 = vector.broadcast %broadcast_in_dim3A_786 : vector<16x1xi1> to vector<16x1024xi1>
    %broadcast_in_dim3A_788 = vector.shape_cast %slice3A_784 : vector<1x1024xf32> to vector<1x1024xf32>
    %broadcast_in_dim3A_789 = vector.broadcast %broadcast_in_dim3A_788 : vector<1x1024xf32> to vector<16x1024xf32>
    %broadcast_in_dim3A_790 = vector.broadcast %jit3A_785 : f32 to vector<16x1024xf32>
    %select_n3A_791 = arith.select %broadcast_in_dim3A_787, %broadcast_in_dim3A_789, %broadcast_in_dim3A_790 : vector<16x1024xi1>, vector<16x1024xf32>
    %add3A_792 = arith.addf %add3A_765, %select_n3A_791 : vector<16x1024xf32>
    %convert_element_type3A_793 = arith.extui %and3A_783 : vector<16x1xi1> to vector<16x1xi32>
    %add3A_794 = arith.addi %add3A_767, %convert_element_type3A_793 : vector<16x1xi32>
    %or3A_795 = arith.ori %or3A_777, %and3A_783 : vector<16x1xi1>
    %ne3A_796 = arith.constant 0 : i32
    %ne3A_797 = vector.broadcast %ne3A_796 : i32 to vector<16x1xi32>
    %ne3A_798 = arith.cmpi ne, %select_n3A_772, %ne3A_797 : vector<16x1xi32>
    %and3A_799 = arith.andi %not3A_779, %ne3A_798 : vector<16x1xi1>
    %ge3A_800 = vector.broadcast %select_n3A_772 : vector<16x1xi32> to vector<16x16xi32>
    %ge3A_801 = vector.broadcast %get3A_4 : vector<1x16xi32> to vector<16x16xi32>
    %ge3A_802 = arith.cmpi sge, %ge3A_800, %ge3A_801 : vector<16x16xi32>
    %convert_element_type3A_803 = arith.extui %ge3A_802 : vector<16x16xi1> to vector<16x16xi32>
    %reduce_sum3A_804 = arith.constant dense<0> : vector<16xi32>
    %reduce_sum3A_805 = vector.multi_reduction <add>, %convert_element_type3A_803, %reduce_sum3A_804 [1] : vector<16x16xi32> to vector<16xi32>
    %broadcast_in_dim3A_806 = vector.shape_cast %reduce_sum3A_805 : vector<16xi32> to vector<16x1xi32>
    %sub3A_807 = arith.constant 1 : i32
    %sub3A_808 = vector.broadcast %sub3A_807 : i32 to vector<16x1xi32>
    %sub3A_809 = arith.subi %broadcast_in_dim3A_806, %sub3A_808 : vector<16x1xi32>
    %jit3A_810 = arith.constant 0 : i32
    %jit3A_811 = arith.constant 15 : i32
    %max3A_812 = vector.broadcast %jit3A_810 : i32 to vector<16x1xi32>
    %max3A_813 = arith.maxsi %max3A_812, %sub3A_809 : vector<16x1xi32>
    %min3A_814 = vector.broadcast %jit3A_811 : i32 to vector<16x1xi32>
    %min3A_815 = arith.minsi %min3A_814, %max3A_813 : vector<16x1xi32>
    %eq3A_816 = vector.broadcast %min3A_815 : vector<16x1xi32> to vector<16x16xi32>
    %eq3A_817 = arith.cmpi eq, %eq3A_816, %iota3A : vector<16x16xi32>
    %convert_element_type3A_818 = arith.extui %eq3A_817 : vector<16x16xi1> to vector<16x16xi32>
    %convert_element_type3A_819 = arith.sitofp %convert_element_type3A_818 : vector<16x16xi32> to vector<16x16xf32>
    %dot_general3A_820 = arith.constant dense<0.000000e+00> : vector<16x1024xf32>
    %dot_general3A_821 = tpu.matmul %convert_element_type3A_819, %get3A_1, %dot_general3A_820 {dimension_numbers = #tpu.dot_dimension_numbers<[1], [0], [0], [1], [0, 0, 1, 1], [], []>, transpose_lhs_hint = false} : vector<16x16xf32>, vector<16x1024xf32>, vector<16x1024xf32> -> vector<16x1024xf32>
    %jit3A_822 = arith.constant 0 : i32
    %broadcast_in_dim3A_823 = vector.shape_cast %get3A_4 : vector<1x16xi32> to vector<1x16xi32>
    %broadcast_in_dim3A_824 = vector.broadcast %broadcast_in_dim3A_823 : vector<1x16xi32> to vector<16x16xi32>
    %broadcast_in_dim3A_825 = vector.broadcast %jit3A_822 : i32 to vector<16x16xi32>
    %select_n3A_826 = arith.select %eq3A_817, %broadcast_in_dim3A_824, %broadcast_in_dim3A_825 : vector<16x16xi1>, vector<16x16xi32>
    %reduce_sum3A_827 = arith.constant dense<0> : vector<16xi32>
    %reduce_sum3A_828 = vector.multi_reduction <add>, %select_n3A_826, %reduce_sum3A_827 [1] : vector<16x16xi32> to vector<16xi32>
    %broadcast_in_dim3A_829 = vector.shape_cast %reduce_sum3A_828 : vector<16xi32> to vector<16x1xi32>
    %jit3A_830 = arith.constant 0 : i32
    %broadcast_in_dim3A_831 = vector.shape_cast %get3A_7 : vector<1x16xi32> to vector<1x16xi32>
    %broadcast_in_dim3A_832 = vector.broadcast %broadcast_in_dim3A_831 : vector<1x16xi32> to vector<16x16xi32>
    %broadcast_in_dim3A_833 = vector.broadcast %jit3A_830 : i32 to vector<16x16xi32>
    %select_n3A_834 = arith.select %eq3A_817, %broadcast_in_dim3A_832, %broadcast_in_dim3A_833 : vector<16x16xi1>, vector<16x16xi32>
    %reduce_sum3A_835 = arith.constant dense<0> : vector<16xi32>
    %reduce_sum3A_836 = vector.multi_reduction <add>, %select_n3A_834, %reduce_sum3A_835 [1] : vector<16x16xi32> to vector<16xi32>
    %broadcast_in_dim3A_837 = vector.shape_cast %reduce_sum3A_836 : vector<16xi32> to vector<16x1xi32>
    %jit3A_838 = arith.constant 0.000000e+00 : f32
    %broadcast_in_dim3A_839 = vector.shape_cast %and3A_799 : vector<16x1xi1> to vector<16x1xi1>
    %broadcast_in_dim3A_840 = vector.broadcast %broadcast_in_dim3A_839 : vector<16x1xi1> to vector<16x1024xi1>
    %broadcast_in_dim3A_841 = vector.broadcast %jit3A_838 : f32 to vector<16x1024xf32>
    %select_n3A_842 = arith.select %broadcast_in_dim3A_840, %dot_general3A_821, %broadcast_in_dim3A_841 : vector<16x1024xi1>, vector<16x1024xf32>
    %add3A_843 = arith.addf %add3A_792, %select_n3A_842 : vector<16x1024xf32>
    %convert_element_type3A_844 = arith.extui %and3A_799 : vector<16x1xi1> to vector<16x1xi32>
    %add3A_845 = arith.addi %add3A_794, %convert_element_type3A_844 : vector<16x1xi32>
    %gt3A_846 = arith.constant 0 : i32
    %gt3A_847 = vector.broadcast %gt3A_846 : i32 to vector<16x1xi32>
    %gt3A_848 = arith.cmpi sgt, %broadcast_in_dim3A_829, %gt3A_847 : vector<16x1xi32>
    %and3A_849 = arith.andi %and3A_799, %gt3A_848 : vector<16x1xi1>
    %select_n3A_850 = arith.select %and3A_849, %broadcast_in_dim3A_837, %select_n3A_772 : vector<16x1xi1>, vector<16x1xi32>
    %le3A_851 = arith.constant 0 : i32
    %le3A_852 = vector.broadcast %le3A_851 : i32 to vector<16x1xi32>
    %le3A_853 = arith.cmpi sle, %broadcast_in_dim3A_829, %le3A_852 : vector<16x1xi32>
    %and3A_854 = arith.andi %and3A_799, %le3A_853 : vector<16x1xi1>
    %or3A_855 = arith.ori %or3A_795, %and3A_854 : vector<16x1xi1>
    %not3A_856 = arith.constant dense<true> : vector<16x1xi1>
    %not3A_857 = arith.xori %or3A_855, %not3A_856 : vector<16x1xi1>
    %eq3A_858 = arith.constant 0 : i32
    %eq3A_859 = vector.broadcast %eq3A_858 : i32 to vector<16x1xi32>
    %eq3A_860 = arith.cmpi eq, %select_n3A_850, %eq3A_859 : vector<16x1xi32>
    %and3A_861 = arith.andi %not3A_857, %eq3A_860 : vector<16x1xi1>
    %slice3A_862 = vector.extract_strided_slice %get3A_1 {offsets = [0, 0], sizes = [1, 1024], strides = [1, 1]} : vector<16x1024xf32> to vector<1x1024xf32>
    %jit3A_863 = arith.constant 0.000000e+00 : f32
    %broadcast_in_dim3A_864 = vector.shape_cast %and3A_861 : vector<16x1xi1> to vector<16x1xi1>
    %broadcast_in_dim3A_865 = vector.broadcast %broadcast_in_dim3A_864 : vector<16x1xi1> to vector<16x1024xi1>
    %broadcast_in_dim3A_866 = vector.shape_cast %slice3A_862 : vector<1x1024xf32> to vector<1x1024xf32>
    %broadcast_in_dim3A_867 = vector.broadcast %broadcast_in_dim3A_866 : vector<1x1024xf32> to vector<16x1024xf32>
    %broadcast_in_dim3A_868 = vector.broadcast %jit3A_863 : f32 to vector<16x1024xf32>
    %select_n3A_869 = arith.select %broadcast_in_dim3A_865, %broadcast_in_dim3A_867, %broadcast_in_dim3A_868 : vector<16x1024xi1>, vector<16x1024xf32>
    %add3A_870 = arith.addf %add3A_843, %select_n3A_869 : vector<16x1024xf32>
    %convert_element_type3A_871 = arith.extui %and3A_861 : vector<16x1xi1> to vector<16x1xi32>
    %add3A_872 = arith.addi %add3A_845, %convert_element_type3A_871 : vector<16x1xi32>
    %or3A_873 = arith.ori %or3A_855, %and3A_861 : vector<16x1xi1>
    %ne3A_874 = arith.constant 0 : i32
    %ne3A_875 = vector.broadcast %ne3A_874 : i32 to vector<16x1xi32>
    %ne3A_876 = arith.cmpi ne, %select_n3A_850, %ne3A_875 : vector<16x1xi32>
    %and3A_877 = arith.andi %not3A_857, %ne3A_876 : vector<16x1xi1>
    %ge3A_878 = vector.broadcast %select_n3A_850 : vector<16x1xi32> to vector<16x16xi32>
    %ge3A_879 = vector.broadcast %get3A_4 : vector<1x16xi32> to vector<16x16xi32>
    %ge3A_880 = arith.cmpi sge, %ge3A_878, %ge3A_879 : vector<16x16xi32>
    %convert_element_type3A_881 = arith.extui %ge3A_880 : vector<16x16xi1> to vector<16x16xi32>
    %reduce_sum3A_882 = arith.constant dense<0> : vector<16xi32>
    %reduce_sum3A_883 = vector.multi_reduction <add>, %convert_element_type3A_881, %reduce_sum3A_882 [1] : vector<16x16xi32> to vector<16xi32>
    %broadcast_in_dim3A_884 = vector.shape_cast %reduce_sum3A_883 : vector<16xi32> to vector<16x1xi32>
    %sub3A_885 = arith.constant 1 : i32
    %sub3A_886 = vector.broadcast %sub3A_885 : i32 to vector<16x1xi32>
    %sub3A_887 = arith.subi %broadcast_in_dim3A_884, %sub3A_886 : vector<16x1xi32>
    %jit3A_888 = arith.constant 0 : i32
    %jit3A_889 = arith.constant 15 : i32
    %max3A_890 = vector.broadcast %jit3A_888 : i32 to vector<16x1xi32>
    %max3A_891 = arith.maxsi %max3A_890, %sub3A_887 : vector<16x1xi32>
    %min3A_892 = vector.broadcast %jit3A_889 : i32 to vector<16x1xi32>
    %min3A_893 = arith.minsi %min3A_892, %max3A_891 : vector<16x1xi32>
    %eq3A_894 = vector.broadcast %min3A_893 : vector<16x1xi32> to vector<16x16xi32>
    %eq3A_895 = arith.cmpi eq, %eq3A_894, %iota3A : vector<16x16xi32>
    %convert_element_type3A_896 = arith.extui %eq3A_895 : vector<16x16xi1> to vector<16x16xi32>
    %convert_element_type3A_897 = arith.sitofp %convert_element_type3A_896 : vector<16x16xi32> to vector<16x16xf32>
    %dot_general3A_898 = arith.constant dense<0.000000e+00> : vector<16x1024xf32>
    %dot_general3A_899 = tpu.matmul %convert_element_type3A_897, %get3A_1, %dot_general3A_898 {dimension_numbers = #tpu.dot_dimension_numbers<[1], [0], [0], [1], [0, 0, 1, 1], [], []>, transpose_lhs_hint = false} : vector<16x16xf32>, vector<16x1024xf32>, vector<16x1024xf32> -> vector<16x1024xf32>
    %jit3A_900 = arith.constant 0 : i32
    %broadcast_in_dim3A_901 = vector.shape_cast %get3A_4 : vector<1x16xi32> to vector<1x16xi32>
    %broadcast_in_dim3A_902 = vector.broadcast %broadcast_in_dim3A_901 : vector<1x16xi32> to vector<16x16xi32>
    %broadcast_in_dim3A_903 = vector.broadcast %jit3A_900 : i32 to vector<16x16xi32>
    %select_n3A_904 = arith.select %eq3A_895, %broadcast_in_dim3A_902, %broadcast_in_dim3A_903 : vector<16x16xi1>, vector<16x16xi32>
    %reduce_sum3A_905 = arith.constant dense<0> : vector<16xi32>
    %reduce_sum3A_906 = vector.multi_reduction <add>, %select_n3A_904, %reduce_sum3A_905 [1] : vector<16x16xi32> to vector<16xi32>
    %broadcast_in_dim3A_907 = vector.shape_cast %reduce_sum3A_906 : vector<16xi32> to vector<16x1xi32>
    %jit3A_908 = arith.constant 0 : i32
    %broadcast_in_dim3A_909 = vector.shape_cast %get3A_7 : vector<1x16xi32> to vector<1x16xi32>
    %broadcast_in_dim3A_910 = vector.broadcast %broadcast_in_dim3A_909 : vector<1x16xi32> to vector<16x16xi32>
    %broadcast_in_dim3A_911 = vector.broadcast %jit3A_908 : i32 to vector<16x16xi32>
    %select_n3A_912 = arith.select %eq3A_895, %broadcast_in_dim3A_910, %broadcast_in_dim3A_911 : vector<16x16xi1>, vector<16x16xi32>
    %reduce_sum3A_913 = arith.constant dense<0> : vector<16xi32>
    %reduce_sum3A_914 = vector.multi_reduction <add>, %select_n3A_912, %reduce_sum3A_913 [1] : vector<16x16xi32> to vector<16xi32>
    %broadcast_in_dim3A_915 = vector.shape_cast %reduce_sum3A_914 : vector<16xi32> to vector<16x1xi32>
    %jit3A_916 = arith.constant 0.000000e+00 : f32
    %broadcast_in_dim3A_917 = vector.shape_cast %and3A_877 : vector<16x1xi1> to vector<16x1xi1>
    %broadcast_in_dim3A_918 = vector.broadcast %broadcast_in_dim3A_917 : vector<16x1xi1> to vector<16x1024xi1>
    %broadcast_in_dim3A_919 = vector.broadcast %jit3A_916 : f32 to vector<16x1024xf32>
    %select_n3A_920 = arith.select %broadcast_in_dim3A_918, %dot_general3A_899, %broadcast_in_dim3A_919 : vector<16x1024xi1>, vector<16x1024xf32>
    %add3A_921 = arith.addf %add3A_870, %select_n3A_920 : vector<16x1024xf32>
    %convert_element_type3A_922 = arith.extui %and3A_877 : vector<16x1xi1> to vector<16x1xi32>
    %add3A_923 = arith.addi %add3A_872, %convert_element_type3A_922 : vector<16x1xi32>
    %gt3A_924 = arith.constant 0 : i32
    %gt3A_925 = vector.broadcast %gt3A_924 : i32 to vector<16x1xi32>
    %gt3A_926 = arith.cmpi sgt, %broadcast_in_dim3A_907, %gt3A_925 : vector<16x1xi32>
    %and3A_927 = arith.andi %and3A_877, %gt3A_926 : vector<16x1xi1>
    %select_n3A_928 = arith.select %and3A_927, %broadcast_in_dim3A_915, %select_n3A_850 : vector<16x1xi1>, vector<16x1xi32>
    %le3A_929 = arith.constant 0 : i32
    %le3A_930 = vector.broadcast %le3A_929 : i32 to vector<16x1xi32>
    %le3A_931 = arith.cmpi sle, %broadcast_in_dim3A_907, %le3A_930 : vector<16x1xi32>
    %and3A_932 = arith.andi %and3A_877, %le3A_931 : vector<16x1xi1>
    %or3A_933 = arith.ori %or3A_873, %and3A_932 : vector<16x1xi1>
    %not3A_934 = arith.constant dense<true> : vector<16x1xi1>
    %not3A_935 = arith.xori %or3A_933, %not3A_934 : vector<16x1xi1>
    %eq3A_936 = arith.constant 0 : i32
    %eq3A_937 = vector.broadcast %eq3A_936 : i32 to vector<16x1xi32>
    %eq3A_938 = arith.cmpi eq, %select_n3A_928, %eq3A_937 : vector<16x1xi32>
    %and3A_939 = arith.andi %not3A_935, %eq3A_938 : vector<16x1xi1>
    %slice3A_940 = vector.extract_strided_slice %get3A_1 {offsets = [0, 0], sizes = [1, 1024], strides = [1, 1]} : vector<16x1024xf32> to vector<1x1024xf32>
    %jit3A_941 = arith.constant 0.000000e+00 : f32
    %broadcast_in_dim3A_942 = vector.shape_cast %and3A_939 : vector<16x1xi1> to vector<16x1xi1>
    %broadcast_in_dim3A_943 = vector.broadcast %broadcast_in_dim3A_942 : vector<16x1xi1> to vector<16x1024xi1>
    %broadcast_in_dim3A_944 = vector.shape_cast %slice3A_940 : vector<1x1024xf32> to vector<1x1024xf32>
    %broadcast_in_dim3A_945 = vector.broadcast %broadcast_in_dim3A_944 : vector<1x1024xf32> to vector<16x1024xf32>
    %broadcast_in_dim3A_946 = vector.broadcast %jit3A_941 : f32 to vector<16x1024xf32>
    %select_n3A_947 = arith.select %broadcast_in_dim3A_943, %broadcast_in_dim3A_945, %broadcast_in_dim3A_946 : vector<16x1024xi1>, vector<16x1024xf32>
    %add3A_948 = arith.addf %add3A_921, %select_n3A_947 : vector<16x1024xf32>
    %convert_element_type3A_949 = arith.extui %and3A_939 : vector<16x1xi1> to vector<16x1xi32>
    %add3A_950 = arith.addi %add3A_923, %convert_element_type3A_949 : vector<16x1xi32>
    %or3A_951 = arith.ori %or3A_933, %and3A_939 : vector<16x1xi1>
    %ne3A_952 = arith.constant 0 : i32
    %ne3A_953 = vector.broadcast %ne3A_952 : i32 to vector<16x1xi32>
    %ne3A_954 = arith.cmpi ne, %select_n3A_928, %ne3A_953 : vector<16x1xi32>
    %and3A_955 = arith.andi %not3A_935, %ne3A_954 : vector<16x1xi1>
    %ge3A_956 = vector.broadcast %select_n3A_928 : vector<16x1xi32> to vector<16x16xi32>
    %ge3A_957 = vector.broadcast %get3A_4 : vector<1x16xi32> to vector<16x16xi32>
    %ge3A_958 = arith.cmpi sge, %ge3A_956, %ge3A_957 : vector<16x16xi32>
    %convert_element_type3A_959 = arith.extui %ge3A_958 : vector<16x16xi1> to vector<16x16xi32>
    %reduce_sum3A_960 = arith.constant dense<0> : vector<16xi32>
    %reduce_sum3A_961 = vector.multi_reduction <add>, %convert_element_type3A_959, %reduce_sum3A_960 [1] : vector<16x16xi32> to vector<16xi32>
    %broadcast_in_dim3A_962 = vector.shape_cast %reduce_sum3A_961 : vector<16xi32> to vector<16x1xi32>
    %sub3A_963 = arith.constant 1 : i32
    %sub3A_964 = vector.broadcast %sub3A_963 : i32 to vector<16x1xi32>
    %sub3A_965 = arith.subi %broadcast_in_dim3A_962, %sub3A_964 : vector<16x1xi32>
    %jit3A_966 = arith.constant 0 : i32
    %jit3A_967 = arith.constant 15 : i32
    %max3A_968 = vector.broadcast %jit3A_966 : i32 to vector<16x1xi32>
    %max3A_969 = arith.maxsi %max3A_968, %sub3A_965 : vector<16x1xi32>
    %min3A_970 = vector.broadcast %jit3A_967 : i32 to vector<16x1xi32>
    %min3A_971 = arith.minsi %min3A_970, %max3A_969 : vector<16x1xi32>
    %eq3A_972 = vector.broadcast %min3A_971 : vector<16x1xi32> to vector<16x16xi32>
    %eq3A_973 = arith.cmpi eq, %eq3A_972, %iota3A : vector<16x16xi32>
    %convert_element_type3A_974 = arith.extui %eq3A_973 : vector<16x16xi1> to vector<16x16xi32>
    %convert_element_type3A_975 = arith.sitofp %convert_element_type3A_974 : vector<16x16xi32> to vector<16x16xf32>
    %dot_general3A_976 = arith.constant dense<0.000000e+00> : vector<16x1024xf32>
    %dot_general3A_977 = tpu.matmul %convert_element_type3A_975, %get3A_1, %dot_general3A_976 {dimension_numbers = #tpu.dot_dimension_numbers<[1], [0], [0], [1], [0, 0, 1, 1], [], []>, transpose_lhs_hint = false} : vector<16x16xf32>, vector<16x1024xf32>, vector<16x1024xf32> -> vector<16x1024xf32>
    %jit3A_978 = arith.constant 0 : i32
    %broadcast_in_dim3A_979 = vector.shape_cast %get3A_4 : vector<1x16xi32> to vector<1x16xi32>
    %broadcast_in_dim3A_980 = vector.broadcast %broadcast_in_dim3A_979 : vector<1x16xi32> to vector<16x16xi32>
    %broadcast_in_dim3A_981 = vector.broadcast %jit3A_978 : i32 to vector<16x16xi32>
    %select_n3A_982 = arith.select %eq3A_973, %broadcast_in_dim3A_980, %broadcast_in_dim3A_981 : vector<16x16xi1>, vector<16x16xi32>
    %reduce_sum3A_983 = arith.constant dense<0> : vector<16xi32>
    %reduce_sum3A_984 = vector.multi_reduction <add>, %select_n3A_982, %reduce_sum3A_983 [1] : vector<16x16xi32> to vector<16xi32>
    %broadcast_in_dim3A_985 = vector.shape_cast %reduce_sum3A_984 : vector<16xi32> to vector<16x1xi32>
    %jit3A_986 = arith.constant 0 : i32
    %broadcast_in_dim3A_987 = vector.shape_cast %get3A_7 : vector<1x16xi32> to vector<1x16xi32>
    %broadcast_in_dim3A_988 = vector.broadcast %broadcast_in_dim3A_987 : vector<1x16xi32> to vector<16x16xi32>
    %broadcast_in_dim3A_989 = vector.broadcast %jit3A_986 : i32 to vector<16x16xi32>
    %select_n3A_990 = arith.select %eq3A_973, %broadcast_in_dim3A_988, %broadcast_in_dim3A_989 : vector<16x16xi1>, vector<16x16xi32>
    %reduce_sum3A_991 = arith.constant dense<0> : vector<16xi32>
    %reduce_sum3A_992 = vector.multi_reduction <add>, %select_n3A_990, %reduce_sum3A_991 [1] : vector<16x16xi32> to vector<16xi32>
    %broadcast_in_dim3A_993 = vector.shape_cast %reduce_sum3A_992 : vector<16xi32> to vector<16x1xi32>
    %jit3A_994 = arith.constant 0.000000e+00 : f32
    %broadcast_in_dim3A_995 = vector.shape_cast %and3A_955 : vector<16x1xi1> to vector<16x1xi1>
    %broadcast_in_dim3A_996 = vector.broadcast %broadcast_in_dim3A_995 : vector<16x1xi1> to vector<16x1024xi1>
    %broadcast_in_dim3A_997 = vector.broadcast %jit3A_994 : f32 to vector<16x1024xf32>
    %select_n3A_998 = arith.select %broadcast_in_dim3A_996, %dot_general3A_977, %broadcast_in_dim3A_997 : vector<16x1024xi1>, vector<16x1024xf32>
    %add3A_999 = arith.addf %add3A_948, %select_n3A_998 : vector<16x1024xf32>
    %convert_element_type3A_1000 = arith.extui %and3A_955 : vector<16x1xi1> to vector<16x1xi32>
    %add3A_1001 = arith.addi %add3A_950, %convert_element_type3A_1000 : vector<16x1xi32>
    %gt3A_1002 = arith.constant 0 : i32
    %gt3A_1003 = vector.broadcast %gt3A_1002 : i32 to vector<16x1xi32>
    %gt3A_1004 = arith.cmpi sgt, %broadcast_in_dim3A_985, %gt3A_1003 : vector<16x1xi32>
    %and3A_1005 = arith.andi %and3A_955, %gt3A_1004 : vector<16x1xi1>
    %select_n3A_1006 = arith.select %and3A_1005, %broadcast_in_dim3A_993, %select_n3A_928 : vector<16x1xi1>, vector<16x1xi32>
    %le3A_1007 = arith.constant 0 : i32
    %le3A_1008 = vector.broadcast %le3A_1007 : i32 to vector<16x1xi32>
    %le3A_1009 = arith.cmpi sle, %broadcast_in_dim3A_985, %le3A_1008 : vector<16x1xi32>
    %and3A_1010 = arith.andi %and3A_955, %le3A_1009 : vector<16x1xi1>
    %or3A_1011 = arith.ori %or3A_951, %and3A_1010 : vector<16x1xi1>
    %not3A_1012 = arith.constant dense<true> : vector<16x1xi1>
    %not3A_1013 = arith.xori %or3A_1011, %not3A_1012 : vector<16x1xi1>
    %eq3A_1014 = arith.constant 0 : i32
    %eq3A_1015 = vector.broadcast %eq3A_1014 : i32 to vector<16x1xi32>
    %eq3A_1016 = arith.cmpi eq, %select_n3A_1006, %eq3A_1015 : vector<16x1xi32>
    %and3A_1017 = arith.andi %not3A_1013, %eq3A_1016 : vector<16x1xi1>
    %slice3A_1018 = vector.extract_strided_slice %get3A_1 {offsets = [0, 0], sizes = [1, 1024], strides = [1, 1]} : vector<16x1024xf32> to vector<1x1024xf32>
    %jit3A_1019 = arith.constant 0.000000e+00 : f32
    %broadcast_in_dim3A_1020 = vector.shape_cast %and3A_1017 : vector<16x1xi1> to vector<16x1xi1>
    %broadcast_in_dim3A_1021 = vector.broadcast %broadcast_in_dim3A_1020 : vector<16x1xi1> to vector<16x1024xi1>
    %broadcast_in_dim3A_1022 = vector.shape_cast %slice3A_1018 : vector<1x1024xf32> to vector<1x1024xf32>
    %broadcast_in_dim3A_1023 = vector.broadcast %broadcast_in_dim3A_1022 : vector<1x1024xf32> to vector<16x1024xf32>
    %broadcast_in_dim3A_1024 = vector.broadcast %jit3A_1019 : f32 to vector<16x1024xf32>
    %select_n3A_1025 = arith.select %broadcast_in_dim3A_1021, %broadcast_in_dim3A_1023, %broadcast_in_dim3A_1024 : vector<16x1024xi1>, vector<16x1024xf32>
    %add3A_1026 = arith.addf %add3A_999, %select_n3A_1025 : vector<16x1024xf32>
    %convert_element_type3A_1027 = arith.extui %and3A_1017 : vector<16x1xi1> to vector<16x1xi32>
    %add3A_1028 = arith.addi %add3A_1001, %convert_element_type3A_1027 : vector<16x1xi32>
    %or3A_1029 = arith.ori %or3A_1011, %and3A_1017 : vector<16x1xi1>
    %ne3A_1030 = arith.constant 0 : i32
    %ne3A_1031 = vector.broadcast %ne3A_1030 : i32 to vector<16x1xi32>
    %ne3A_1032 = arith.cmpi ne, %select_n3A_1006, %ne3A_1031 : vector<16x1xi32>
    %and3A_1033 = arith.andi %not3A_1013, %ne3A_1032 : vector<16x1xi1>
    %ge3A_1034 = vector.broadcast %select_n3A_1006 : vector<16x1xi32> to vector<16x16xi32>
    %ge3A_1035 = vector.broadcast %get3A_4 : vector<1x16xi32> to vector<16x16xi32>
    %ge3A_1036 = arith.cmpi sge, %ge3A_1034, %ge3A_1035 : vector<16x16xi32>
    %convert_element_type3A_1037 = arith.extui %ge3A_1036 : vector<16x16xi1> to vector<16x16xi32>
    %reduce_sum3A_1038 = arith.constant dense<0> : vector<16xi32>
    %reduce_sum3A_1039 = vector.multi_reduction <add>, %convert_element_type3A_1037, %reduce_sum3A_1038 [1] : vector<16x16xi32> to vector<16xi32>
    %broadcast_in_dim3A_1040 = vector.shape_cast %reduce_sum3A_1039 : vector<16xi32> to vector<16x1xi32>
    %sub3A_1041 = arith.constant 1 : i32
    %sub3A_1042 = vector.broadcast %sub3A_1041 : i32 to vector<16x1xi32>
    %sub3A_1043 = arith.subi %broadcast_in_dim3A_1040, %sub3A_1042 : vector<16x1xi32>
    %jit3A_1044 = arith.constant 0 : i32
    %jit3A_1045 = arith.constant 15 : i32
    %max3A_1046 = vector.broadcast %jit3A_1044 : i32 to vector<16x1xi32>
    %max3A_1047 = arith.maxsi %max3A_1046, %sub3A_1043 : vector<16x1xi32>
    %min3A_1048 = vector.broadcast %jit3A_1045 : i32 to vector<16x1xi32>
    %min3A_1049 = arith.minsi %min3A_1048, %max3A_1047 : vector<16x1xi32>
    %eq3A_1050 = vector.broadcast %min3A_1049 : vector<16x1xi32> to vector<16x16xi32>
    %eq3A_1051 = arith.cmpi eq, %eq3A_1050, %iota3A : vector<16x16xi32>
    %convert_element_type3A_1052 = arith.extui %eq3A_1051 : vector<16x16xi1> to vector<16x16xi32>
    %convert_element_type3A_1053 = arith.sitofp %convert_element_type3A_1052 : vector<16x16xi32> to vector<16x16xf32>
    %dot_general3A_1054 = arith.constant dense<0.000000e+00> : vector<16x1024xf32>
    %dot_general3A_1055 = tpu.matmul %convert_element_type3A_1053, %get3A_1, %dot_general3A_1054 {dimension_numbers = #tpu.dot_dimension_numbers<[1], [0], [0], [1], [0, 0, 1, 1], [], []>, transpose_lhs_hint = false} : vector<16x16xf32>, vector<16x1024xf32>, vector<16x1024xf32> -> vector<16x1024xf32>
    %jit3A_1056 = arith.constant 0 : i32
    %broadcast_in_dim3A_1057 = vector.shape_cast %get3A_4 : vector<1x16xi32> to vector<1x16xi32>
    %broadcast_in_dim3A_1058 = vector.broadcast %broadcast_in_dim3A_1057 : vector<1x16xi32> to vector<16x16xi32>
    %broadcast_in_dim3A_1059 = vector.broadcast %jit3A_1056 : i32 to vector<16x16xi32>
    %select_n3A_1060 = arith.select %eq3A_1051, %broadcast_in_dim3A_1058, %broadcast_in_dim3A_1059 : vector<16x16xi1>, vector<16x16xi32>
    %reduce_sum3A_1061 = arith.constant dense<0> : vector<16xi32>
    %reduce_sum3A_1062 = vector.multi_reduction <add>, %select_n3A_1060, %reduce_sum3A_1061 [1] : vector<16x16xi32> to vector<16xi32>
    %broadcast_in_dim3A_1063 = vector.shape_cast %reduce_sum3A_1062 : vector<16xi32> to vector<16x1xi32>
    %jit3A_1064 = arith.constant 0 : i32
    %broadcast_in_dim3A_1065 = vector.shape_cast %get3A_7 : vector<1x16xi32> to vector<1x16xi32>
    %broadcast_in_dim3A_1066 = vector.broadcast %broadcast_in_dim3A_1065 : vector<1x16xi32> to vector<16x16xi32>
    %broadcast_in_dim3A_1067 = vector.broadcast %jit3A_1064 : i32 to vector<16x16xi32>
    %select_n3A_1068 = arith.select %eq3A_1051, %broadcast_in_dim3A_1066, %broadcast_in_dim3A_1067 : vector<16x16xi1>, vector<16x16xi32>
    %reduce_sum3A_1069 = arith.constant dense<0> : vector<16xi32>
    %reduce_sum3A_1070 = vector.multi_reduction <add>, %select_n3A_1068, %reduce_sum3A_1069 [1] : vector<16x16xi32> to vector<16xi32>
    %broadcast_in_dim3A_1071 = vector.shape_cast %reduce_sum3A_1070 : vector<16xi32> to vector<16x1xi32>
    %jit3A_1072 = arith.constant 0.000000e+00 : f32
    %broadcast_in_dim3A_1073 = vector.shape_cast %and3A_1033 : vector<16x1xi1> to vector<16x1xi1>
    %broadcast_in_dim3A_1074 = vector.broadcast %broadcast_in_dim3A_1073 : vector<16x1xi1> to vector<16x1024xi1>
    %broadcast_in_dim3A_1075 = vector.broadcast %jit3A_1072 : f32 to vector<16x1024xf32>
    %select_n3A_1076 = arith.select %broadcast_in_dim3A_1074, %dot_general3A_1055, %broadcast_in_dim3A_1075 : vector<16x1024xi1>, vector<16x1024xf32>
    %add3A_1077 = arith.addf %add3A_1026, %select_n3A_1076 : vector<16x1024xf32>
    %convert_element_type3A_1078 = arith.extui %and3A_1033 : vector<16x1xi1> to vector<16x1xi32>
    %add3A_1079 = arith.addi %add3A_1028, %convert_element_type3A_1078 : vector<16x1xi32>
    %gt3A_1080 = arith.constant 0 : i32
    %gt3A_1081 = vector.broadcast %gt3A_1080 : i32 to vector<16x1xi32>
    %gt3A_1082 = arith.cmpi sgt, %broadcast_in_dim3A_1063, %gt3A_1081 : vector<16x1xi32>
    %and3A_1083 = arith.andi %and3A_1033, %gt3A_1082 : vector<16x1xi1>
    %select_n3A_1084 = arith.select %and3A_1083, %broadcast_in_dim3A_1071, %select_n3A_1006 : vector<16x1xi1>, vector<16x1xi32>
    %le3A_1085 = arith.constant 0 : i32
    %le3A_1086 = vector.broadcast %le3A_1085 : i32 to vector<16x1xi32>
    %le3A_1087 = arith.cmpi sle, %broadcast_in_dim3A_1063, %le3A_1086 : vector<16x1xi32>
    %and3A_1088 = arith.andi %and3A_1033, %le3A_1087 : vector<16x1xi1>
    %or3A_1089 = arith.ori %or3A_1029, %and3A_1088 : vector<16x1xi1>
    %not3A_1090 = arith.constant dense<true> : vector<16x1xi1>
    %not3A_1091 = arith.xori %or3A_1089, %not3A_1090 : vector<16x1xi1>
    %eq3A_1092 = arith.constant 0 : i32
    %eq3A_1093 = vector.broadcast %eq3A_1092 : i32 to vector<16x1xi32>
    %eq3A_1094 = arith.cmpi eq, %select_n3A_1084, %eq3A_1093 : vector<16x1xi32>
    %and3A_1095 = arith.andi %not3A_1091, %eq3A_1094 : vector<16x1xi1>
    %slice3A_1096 = vector.extract_strided_slice %get3A_1 {offsets = [0, 0], sizes = [1, 1024], strides = [1, 1]} : vector<16x1024xf32> to vector<1x1024xf32>
    %jit3A_1097 = arith.constant 0.000000e+00 : f32
    %broadcast_in_dim3A_1098 = vector.shape_cast %and3A_1095 : vector<16x1xi1> to vector<16x1xi1>
    %broadcast_in_dim3A_1099 = vector.broadcast %broadcast_in_dim3A_1098 : vector<16x1xi1> to vector<16x1024xi1>
    %broadcast_in_dim3A_1100 = vector.shape_cast %slice3A_1096 : vector<1x1024xf32> to vector<1x1024xf32>
    %broadcast_in_dim3A_1101 = vector.broadcast %broadcast_in_dim3A_1100 : vector<1x1024xf32> to vector<16x1024xf32>
    %broadcast_in_dim3A_1102 = vector.broadcast %jit3A_1097 : f32 to vector<16x1024xf32>
    %select_n3A_1103 = arith.select %broadcast_in_dim3A_1099, %broadcast_in_dim3A_1101, %broadcast_in_dim3A_1102 : vector<16x1024xi1>, vector<16x1024xf32>
    %add3A_1104 = arith.addf %add3A_1077, %select_n3A_1103 : vector<16x1024xf32>
    %convert_element_type3A_1105 = arith.extui %and3A_1095 : vector<16x1xi1> to vector<16x1xi32>
    %add3A_1106 = arith.addi %add3A_1079, %convert_element_type3A_1105 : vector<16x1xi32>
    %or3A_1107 = arith.ori %or3A_1089, %and3A_1095 : vector<16x1xi1>
    %ne3A_1108 = arith.constant 0 : i32
    %ne3A_1109 = vector.broadcast %ne3A_1108 : i32 to vector<16x1xi32>
    %ne3A_1110 = arith.cmpi ne, %select_n3A_1084, %ne3A_1109 : vector<16x1xi32>
    %and3A_1111 = arith.andi %not3A_1091, %ne3A_1110 : vector<16x1xi1>
    %ge3A_1112 = vector.broadcast %select_n3A_1084 : vector<16x1xi32> to vector<16x16xi32>
    %ge3A_1113 = vector.broadcast %get3A_4 : vector<1x16xi32> to vector<16x16xi32>
    %ge3A_1114 = arith.cmpi sge, %ge3A_1112, %ge3A_1113 : vector<16x16xi32>
    %convert_element_type3A_1115 = arith.extui %ge3A_1114 : vector<16x16xi1> to vector<16x16xi32>
    %reduce_sum3A_1116 = arith.constant dense<0> : vector<16xi32>
    %reduce_sum3A_1117 = vector.multi_reduction <add>, %convert_element_type3A_1115, %reduce_sum3A_1116 [1] : vector<16x16xi32> to vector<16xi32>
    %broadcast_in_dim3A_1118 = vector.shape_cast %reduce_sum3A_1117 : vector<16xi32> to vector<16x1xi32>
    %sub3A_1119 = arith.constant 1 : i32
    %sub3A_1120 = vector.broadcast %sub3A_1119 : i32 to vector<16x1xi32>
    %sub3A_1121 = arith.subi %broadcast_in_dim3A_1118, %sub3A_1120 : vector<16x1xi32>
    %jit3A_1122 = arith.constant 0 : i32
    %jit3A_1123 = arith.constant 15 : i32
    %max3A_1124 = vector.broadcast %jit3A_1122 : i32 to vector<16x1xi32>
    %max3A_1125 = arith.maxsi %max3A_1124, %sub3A_1121 : vector<16x1xi32>
    %min3A_1126 = vector.broadcast %jit3A_1123 : i32 to vector<16x1xi32>
    %min3A_1127 = arith.minsi %min3A_1126, %max3A_1125 : vector<16x1xi32>
    %eq3A_1128 = vector.broadcast %min3A_1127 : vector<16x1xi32> to vector<16x16xi32>
    %eq3A_1129 = arith.cmpi eq, %eq3A_1128, %iota3A : vector<16x16xi32>
    %convert_element_type3A_1130 = arith.extui %eq3A_1129 : vector<16x16xi1> to vector<16x16xi32>
    %convert_element_type3A_1131 = arith.sitofp %convert_element_type3A_1130 : vector<16x16xi32> to vector<16x16xf32>
    %dot_general3A_1132 = arith.constant dense<0.000000e+00> : vector<16x1024xf32>
    %dot_general3A_1133 = tpu.matmul %convert_element_type3A_1131, %get3A_1, %dot_general3A_1132 {dimension_numbers = #tpu.dot_dimension_numbers<[1], [0], [0], [1], [0, 0, 1, 1], [], []>, transpose_lhs_hint = false} : vector<16x16xf32>, vector<16x1024xf32>, vector<16x1024xf32> -> vector<16x1024xf32>
    %jit3A_1134 = arith.constant 0 : i32
    %broadcast_in_dim3A_1135 = vector.shape_cast %get3A_4 : vector<1x16xi32> to vector<1x16xi32>
    %broadcast_in_dim3A_1136 = vector.broadcast %broadcast_in_dim3A_1135 : vector<1x16xi32> to vector<16x16xi32>
    %broadcast_in_dim3A_1137 = vector.broadcast %jit3A_1134 : i32 to vector<16x16xi32>
    %select_n3A_1138 = arith.select %eq3A_1129, %broadcast_in_dim3A_1136, %broadcast_in_dim3A_1137 : vector<16x16xi1>, vector<16x16xi32>
    %reduce_sum3A_1139 = arith.constant dense<0> : vector<16xi32>
    %reduce_sum3A_1140 = vector.multi_reduction <add>, %select_n3A_1138, %reduce_sum3A_1139 [1] : vector<16x16xi32> to vector<16xi32>
    %broadcast_in_dim3A_1141 = vector.shape_cast %reduce_sum3A_1140 : vector<16xi32> to vector<16x1xi32>
    %jit3A_1142 = arith.constant 0 : i32
    %broadcast_in_dim3A_1143 = vector.shape_cast %get3A_7 : vector<1x16xi32> to vector<1x16xi32>
    %broadcast_in_dim3A_1144 = vector.broadcast %broadcast_in_dim3A_1143 : vector<1x16xi32> to vector<16x16xi32>
    %broadcast_in_dim3A_1145 = vector.broadcast %jit3A_1142 : i32 to vector<16x16xi32>
    %select_n3A_1146 = arith.select %eq3A_1129, %broadcast_in_dim3A_1144, %broadcast_in_dim3A_1145 : vector<16x16xi1>, vector<16x16xi32>
    %reduce_sum3A_1147 = arith.constant dense<0> : vector<16xi32>
    %reduce_sum3A_1148 = vector.multi_reduction <add>, %select_n3A_1146, %reduce_sum3A_1147 [1] : vector<16x16xi32> to vector<16xi32>
    %broadcast_in_dim3A_1149 = vector.shape_cast %reduce_sum3A_1148 : vector<16xi32> to vector<16x1xi32>
    %jit3A_1150 = arith.constant 0.000000e+00 : f32
    %broadcast_in_dim3A_1151 = vector.shape_cast %and3A_1111 : vector<16x1xi1> to vector<16x1xi1>
    %broadcast_in_dim3A_1152 = vector.broadcast %broadcast_in_dim3A_1151 : vector<16x1xi1> to vector<16x1024xi1>
    %broadcast_in_dim3A_1153 = vector.broadcast %jit3A_1150 : f32 to vector<16x1024xf32>
    %select_n3A_1154 = arith.select %broadcast_in_dim3A_1152, %dot_general3A_1133, %broadcast_in_dim3A_1153 : vector<16x1024xi1>, vector<16x1024xf32>
    %add3A_1155 = arith.addf %add3A_1104, %select_n3A_1154 : vector<16x1024xf32>
    %convert_element_type3A_1156 = arith.extui %and3A_1111 : vector<16x1xi1> to vector<16x1xi32>
    %add3A_1157 = arith.addi %add3A_1106, %convert_element_type3A_1156 : vector<16x1xi32>
    %gt3A_1158 = arith.constant 0 : i32
    %gt3A_1159 = vector.broadcast %gt3A_1158 : i32 to vector<16x1xi32>
    %gt3A_1160 = arith.cmpi sgt, %broadcast_in_dim3A_1141, %gt3A_1159 : vector<16x1xi32>
    %and3A_1161 = arith.andi %and3A_1111, %gt3A_1160 : vector<16x1xi1>
    %select_n3A_1162 = arith.select %and3A_1161, %broadcast_in_dim3A_1149, %select_n3A_1084 : vector<16x1xi1>, vector<16x1xi32>
    %le3A_1163 = arith.constant 0 : i32
    %le3A_1164 = vector.broadcast %le3A_1163 : i32 to vector<16x1xi32>
    %le3A_1165 = arith.cmpi sle, %broadcast_in_dim3A_1141, %le3A_1164 : vector<16x1xi32>
    %and3A_1166 = arith.andi %and3A_1111, %le3A_1165 : vector<16x1xi1>
    %or3A_1167 = arith.ori %or3A_1107, %and3A_1166 : vector<16x1xi1>
    %not3A_1168 = arith.constant dense<true> : vector<16x1xi1>
    %not3A_1169 = arith.xori %or3A_1167, %not3A_1168 : vector<16x1xi1>
    %eq3A_1170 = arith.constant 0 : i32
    %eq3A_1171 = vector.broadcast %eq3A_1170 : i32 to vector<16x1xi32>
    %eq3A_1172 = arith.cmpi eq, %select_n3A_1162, %eq3A_1171 : vector<16x1xi32>
    %and3A_1173 = arith.andi %not3A_1169, %eq3A_1172 : vector<16x1xi1>
    %slice3A_1174 = vector.extract_strided_slice %get3A_1 {offsets = [0, 0], sizes = [1, 1024], strides = [1, 1]} : vector<16x1024xf32> to vector<1x1024xf32>
    %jit3A_1175 = arith.constant 0.000000e+00 : f32
    %broadcast_in_dim3A_1176 = vector.shape_cast %and3A_1173 : vector<16x1xi1> to vector<16x1xi1>
    %broadcast_in_dim3A_1177 = vector.broadcast %broadcast_in_dim3A_1176 : vector<16x1xi1> to vector<16x1024xi1>
    %broadcast_in_dim3A_1178 = vector.shape_cast %slice3A_1174 : vector<1x1024xf32> to vector<1x1024xf32>
    %broadcast_in_dim3A_1179 = vector.broadcast %broadcast_in_dim3A_1178 : vector<1x1024xf32> to vector<16x1024xf32>
    %broadcast_in_dim3A_1180 = vector.broadcast %jit3A_1175 : f32 to vector<16x1024xf32>
    %select_n3A_1181 = arith.select %broadcast_in_dim3A_1177, %broadcast_in_dim3A_1179, %broadcast_in_dim3A_1180 : vector<16x1024xi1>, vector<16x1024xf32>
    %add3A_1182 = arith.addf %add3A_1155, %select_n3A_1181 : vector<16x1024xf32>
    %convert_element_type3A_1183 = arith.extui %and3A_1173 : vector<16x1xi1> to vector<16x1xi32>
    %add3A_1184 = arith.addi %add3A_1157, %convert_element_type3A_1183 : vector<16x1xi32>
    %or3A_1185 = arith.ori %or3A_1167, %and3A_1173 : vector<16x1xi1>
    %ne3A_1186 = arith.constant 0 : i32
    %ne3A_1187 = vector.broadcast %ne3A_1186 : i32 to vector<16x1xi32>
    %ne3A_1188 = arith.cmpi ne, %select_n3A_1162, %ne3A_1187 : vector<16x1xi32>
    %and3A_1189 = arith.andi %not3A_1169, %ne3A_1188 : vector<16x1xi1>
    %ge3A_1190 = vector.broadcast %select_n3A_1162 : vector<16x1xi32> to vector<16x16xi32>
    %ge3A_1191 = vector.broadcast %get3A_4 : vector<1x16xi32> to vector<16x16xi32>
    %ge3A_1192 = arith.cmpi sge, %ge3A_1190, %ge3A_1191 : vector<16x16xi32>
    %convert_element_type3A_1193 = arith.extui %ge3A_1192 : vector<16x16xi1> to vector<16x16xi32>
    %reduce_sum3A_1194 = arith.constant dense<0> : vector<16xi32>
    %reduce_sum3A_1195 = vector.multi_reduction <add>, %convert_element_type3A_1193, %reduce_sum3A_1194 [1] : vector<16x16xi32> to vector<16xi32>
    %broadcast_in_dim3A_1196 = vector.shape_cast %reduce_sum3A_1195 : vector<16xi32> to vector<16x1xi32>
    %sub3A_1197 = arith.constant 1 : i32
    %sub3A_1198 = vector.broadcast %sub3A_1197 : i32 to vector<16x1xi32>
    %sub3A_1199 = arith.subi %broadcast_in_dim3A_1196, %sub3A_1198 : vector<16x1xi32>
    %jit3A_1200 = arith.constant 0 : i32
    %jit3A_1201 = arith.constant 15 : i32
    %max3A_1202 = vector.broadcast %jit3A_1200 : i32 to vector<16x1xi32>
    %max3A_1203 = arith.maxsi %max3A_1202, %sub3A_1199 : vector<16x1xi32>
    %min3A_1204 = vector.broadcast %jit3A_1201 : i32 to vector<16x1xi32>
    %min3A_1205 = arith.minsi %min3A_1204, %max3A_1203 : vector<16x1xi32>
    %eq3A_1206 = vector.broadcast %min3A_1205 : vector<16x1xi32> to vector<16x16xi32>
    %eq3A_1207 = arith.cmpi eq, %eq3A_1206, %iota3A : vector<16x16xi32>
    %convert_element_type3A_1208 = arith.extui %eq3A_1207 : vector<16x16xi1> to vector<16x16xi32>
    %convert_element_type3A_1209 = arith.sitofp %convert_element_type3A_1208 : vector<16x16xi32> to vector<16x16xf32>
    %dot_general3A_1210 = arith.constant dense<0.000000e+00> : vector<16x1024xf32>
    %dot_general3A_1211 = tpu.matmul %convert_element_type3A_1209, %get3A_1, %dot_general3A_1210 {dimension_numbers = #tpu.dot_dimension_numbers<[1], [0], [0], [1], [0, 0, 1, 1], [], []>, transpose_lhs_hint = false} : vector<16x16xf32>, vector<16x1024xf32>, vector<16x1024xf32> -> vector<16x1024xf32>
    %jit3A_1212 = arith.constant 0 : i32
    %broadcast_in_dim3A_1213 = vector.shape_cast %get3A_4 : vector<1x16xi32> to vector<1x16xi32>
    %broadcast_in_dim3A_1214 = vector.broadcast %broadcast_in_dim3A_1213 : vector<1x16xi32> to vector<16x16xi32>
    %broadcast_in_dim3A_1215 = vector.broadcast %jit3A_1212 : i32 to vector<16x16xi32>
    %select_n3A_1216 = arith.select %eq3A_1207, %broadcast_in_dim3A_1214, %broadcast_in_dim3A_1215 : vector<16x16xi1>, vector<16x16xi32>
    %reduce_sum3A_1217 = arith.constant dense<0> : vector<16xi32>
    %reduce_sum3A_1218 = vector.multi_reduction <add>, %select_n3A_1216, %reduce_sum3A_1217 [1] : vector<16x16xi32> to vector<16xi32>
    %broadcast_in_dim3A_1219 = vector.shape_cast %reduce_sum3A_1218 : vector<16xi32> to vector<16x1xi32>
    %jit3A_1220 = arith.constant 0 : i32
    %broadcast_in_dim3A_1221 = vector.shape_cast %get3A_7 : vector<1x16xi32> to vector<1x16xi32>
    %broadcast_in_dim3A_1222 = vector.broadcast %broadcast_in_dim3A_1221 : vector<1x16xi32> to vector<16x16xi32>
    %broadcast_in_dim3A_1223 = vector.broadcast %jit3A_1220 : i32 to vector<16x16xi32>
    %select_n3A_1224 = arith.select %eq3A_1207, %broadcast_in_dim3A_1222, %broadcast_in_dim3A_1223 : vector<16x16xi1>, vector<16x16xi32>
    %reduce_sum3A_1225 = arith.constant dense<0> : vector<16xi32>
    %reduce_sum3A_1226 = vector.multi_reduction <add>, %select_n3A_1224, %reduce_sum3A_1225 [1] : vector<16x16xi32> to vector<16xi32>
    %broadcast_in_dim3A_1227 = vector.shape_cast %reduce_sum3A_1226 : vector<16xi32> to vector<16x1xi32>
    %jit3A_1228 = arith.constant 0.000000e+00 : f32
    %broadcast_in_dim3A_1229 = vector.shape_cast %and3A_1189 : vector<16x1xi1> to vector<16x1xi1>
    %broadcast_in_dim3A_1230 = vector.broadcast %broadcast_in_dim3A_1229 : vector<16x1xi1> to vector<16x1024xi1>
    %broadcast_in_dim3A_1231 = vector.broadcast %jit3A_1228 : f32 to vector<16x1024xf32>
    %select_n3A_1232 = arith.select %broadcast_in_dim3A_1230, %dot_general3A_1211, %broadcast_in_dim3A_1231 : vector<16x1024xi1>, vector<16x1024xf32>
    %add3A_1233 = arith.addf %add3A_1182, %select_n3A_1232 : vector<16x1024xf32>
    %convert_element_type3A_1234 = arith.extui %and3A_1189 : vector<16x1xi1> to vector<16x1xi32>
    %add3A_1235 = arith.addi %add3A_1184, %convert_element_type3A_1234 : vector<16x1xi32>
    %gt3A_1236 = arith.constant 0 : i32
    %gt3A_1237 = vector.broadcast %gt3A_1236 : i32 to vector<16x1xi32>
    %gt3A_1238 = arith.cmpi sgt, %broadcast_in_dim3A_1219, %gt3A_1237 : vector<16x1xi32>
    %and3A_1239 = arith.andi %and3A_1189, %gt3A_1238 : vector<16x1xi1>
    %select_n3A_1240 = arith.select %and3A_1239, %broadcast_in_dim3A_1227, %select_n3A_1162 : vector<16x1xi1>, vector<16x1xi32>
    %le3A_1241 = arith.constant 0 : i32
    %le3A_1242 = vector.broadcast %le3A_1241 : i32 to vector<16x1xi32>
    %le3A_1243 = arith.cmpi sle, %broadcast_in_dim3A_1219, %le3A_1242 : vector<16x1xi32>
    %and3A_1244 = arith.andi %and3A_1189, %le3A_1243 : vector<16x1xi1>
    %or3A_1245 = arith.ori %or3A_1185, %and3A_1244 : vector<16x1xi1>
    %not3A_1246 = arith.constant dense<true> : vector<16x1xi1>
    %not3A_1247 = arith.xori %or3A_1245, %not3A_1246 : vector<16x1xi1>
    %eq3A_1248 = arith.constant 0 : i32
    %eq3A_1249 = vector.broadcast %eq3A_1248 : i32 to vector<16x1xi32>
    %eq3A_1250 = arith.cmpi eq, %select_n3A_1240, %eq3A_1249 : vector<16x1xi32>
    %and3A_1251 = arith.andi %not3A_1247, %eq3A_1250 : vector<16x1xi1>
    %slice3A_1252 = vector.extract_strided_slice %get3A_1 {offsets = [0, 0], sizes = [1, 1024], strides = [1, 1]} : vector<16x1024xf32> to vector<1x1024xf32>
    %jit3A_1253 = arith.constant 0.000000e+00 : f32
    %broadcast_in_dim3A_1254 = vector.shape_cast %and3A_1251 : vector<16x1xi1> to vector<16x1xi1>
    %broadcast_in_dim3A_1255 = vector.broadcast %broadcast_in_dim3A_1254 : vector<16x1xi1> to vector<16x1024xi1>
    %broadcast_in_dim3A_1256 = vector.shape_cast %slice3A_1252 : vector<1x1024xf32> to vector<1x1024xf32>
    %broadcast_in_dim3A_1257 = vector.broadcast %broadcast_in_dim3A_1256 : vector<1x1024xf32> to vector<16x1024xf32>
    %broadcast_in_dim3A_1258 = vector.broadcast %jit3A_1253 : f32 to vector<16x1024xf32>
    %select_n3A_1259 = arith.select %broadcast_in_dim3A_1255, %broadcast_in_dim3A_1257, %broadcast_in_dim3A_1258 : vector<16x1024xi1>, vector<16x1024xf32>
    %add3A_1260 = arith.addf %add3A_1233, %select_n3A_1259 : vector<16x1024xf32>
    %convert_element_type3A_1261 = arith.extui %and3A_1251 : vector<16x1xi1> to vector<16x1xi32>
    %add3A_1262 = arith.addi %add3A_1235, %convert_element_type3A_1261 : vector<16x1xi32>
    %or3A_1263 = arith.ori %or3A_1245, %and3A_1251 : vector<16x1xi1>
    %ne3A_1264 = arith.constant 0 : i32
    %ne3A_1265 = vector.broadcast %ne3A_1264 : i32 to vector<16x1xi32>
    %ne3A_1266 = arith.cmpi ne, %select_n3A_1240, %ne3A_1265 : vector<16x1xi32>
    %and3A_1267 = arith.andi %not3A_1247, %ne3A_1266 : vector<16x1xi1>
    %ge3A_1268 = vector.broadcast %select_n3A_1240 : vector<16x1xi32> to vector<16x16xi32>
    %ge3A_1269 = vector.broadcast %get3A_4 : vector<1x16xi32> to vector<16x16xi32>
    %ge3A_1270 = arith.cmpi sge, %ge3A_1268, %ge3A_1269 : vector<16x16xi32>
    %convert_element_type3A_1271 = arith.extui %ge3A_1270 : vector<16x16xi1> to vector<16x16xi32>
    %reduce_sum3A_1272 = arith.constant dense<0> : vector<16xi32>
    %reduce_sum3A_1273 = vector.multi_reduction <add>, %convert_element_type3A_1271, %reduce_sum3A_1272 [1] : vector<16x16xi32> to vector<16xi32>
    %broadcast_in_dim3A_1274 = vector.shape_cast %reduce_sum3A_1273 : vector<16xi32> to vector<16x1xi32>
    %sub3A_1275 = arith.constant 1 : i32
    %sub3A_1276 = vector.broadcast %sub3A_1275 : i32 to vector<16x1xi32>
    %sub3A_1277 = arith.subi %broadcast_in_dim3A_1274, %sub3A_1276 : vector<16x1xi32>
    %jit3A_1278 = arith.constant 0 : i32
    %jit3A_1279 = arith.constant 15 : i32
    %max3A_1280 = vector.broadcast %jit3A_1278 : i32 to vector<16x1xi32>
    %max3A_1281 = arith.maxsi %max3A_1280, %sub3A_1277 : vector<16x1xi32>
    %min3A_1282 = vector.broadcast %jit3A_1279 : i32 to vector<16x1xi32>
    %min3A_1283 = arith.minsi %min3A_1282, %max3A_1281 : vector<16x1xi32>
    %eq3A_1284 = vector.broadcast %min3A_1283 : vector<16x1xi32> to vector<16x16xi32>
    %eq3A_1285 = arith.cmpi eq, %eq3A_1284, %iota3A : vector<16x16xi32>
    %convert_element_type3A_1286 = arith.extui %eq3A_1285 : vector<16x16xi1> to vector<16x16xi32>
    %convert_element_type3A_1287 = arith.sitofp %convert_element_type3A_1286 : vector<16x16xi32> to vector<16x16xf32>
    %dot_general3A_1288 = arith.constant dense<0.000000e+00> : vector<16x1024xf32>
    %dot_general3A_1289 = tpu.matmul %convert_element_type3A_1287, %get3A_1, %dot_general3A_1288 {dimension_numbers = #tpu.dot_dimension_numbers<[1], [0], [0], [1], [0, 0, 1, 1], [], []>, transpose_lhs_hint = false} : vector<16x16xf32>, vector<16x1024xf32>, vector<16x1024xf32> -> vector<16x1024xf32>
    %jit3A_1290 = arith.constant 0 : i32
    %broadcast_in_dim3A_1291 = vector.shape_cast %get3A_4 : vector<1x16xi32> to vector<1x16xi32>
    %broadcast_in_dim3A_1292 = vector.broadcast %broadcast_in_dim3A_1291 : vector<1x16xi32> to vector<16x16xi32>
    %broadcast_in_dim3A_1293 = vector.broadcast %jit3A_1290 : i32 to vector<16x16xi32>
    %select_n3A_1294 = arith.select %eq3A_1285, %broadcast_in_dim3A_1292, %broadcast_in_dim3A_1293 : vector<16x16xi1>, vector<16x16xi32>
    %reduce_sum3A_1295 = arith.constant dense<0> : vector<16xi32>
    %reduce_sum3A_1296 = vector.multi_reduction <add>, %select_n3A_1294, %reduce_sum3A_1295 [1] : vector<16x16xi32> to vector<16xi32>
    %broadcast_in_dim3A_1297 = vector.shape_cast %reduce_sum3A_1296 : vector<16xi32> to vector<16x1xi32>
    %jit3A_1298 = arith.constant 0 : i32
    %broadcast_in_dim3A_1299 = vector.shape_cast %get3A_7 : vector<1x16xi32> to vector<1x16xi32>
    %broadcast_in_dim3A_1300 = vector.broadcast %broadcast_in_dim3A_1299 : vector<1x16xi32> to vector<16x16xi32>
    %broadcast_in_dim3A_1301 = vector.broadcast %jit3A_1298 : i32 to vector<16x16xi32>
    %select_n3A_1302 = arith.select %eq3A_1285, %broadcast_in_dim3A_1300, %broadcast_in_dim3A_1301 : vector<16x16xi1>, vector<16x16xi32>
    %reduce_sum3A_1303 = arith.constant dense<0> : vector<16xi32>
    %reduce_sum3A_1304 = vector.multi_reduction <add>, %select_n3A_1302, %reduce_sum3A_1303 [1] : vector<16x16xi32> to vector<16xi32>
    %broadcast_in_dim3A_1305 = vector.shape_cast %reduce_sum3A_1304 : vector<16xi32> to vector<16x1xi32>
    %jit3A_1306 = arith.constant 0.000000e+00 : f32
    %broadcast_in_dim3A_1307 = vector.shape_cast %and3A_1267 : vector<16x1xi1> to vector<16x1xi1>
    %broadcast_in_dim3A_1308 = vector.broadcast %broadcast_in_dim3A_1307 : vector<16x1xi1> to vector<16x1024xi1>
    %broadcast_in_dim3A_1309 = vector.broadcast %jit3A_1306 : f32 to vector<16x1024xf32>
    %select_n3A_1310 = arith.select %broadcast_in_dim3A_1308, %dot_general3A_1289, %broadcast_in_dim3A_1309 : vector<16x1024xi1>, vector<16x1024xf32>
    %add3A_1311 = arith.addf %add3A_1260, %select_n3A_1310 : vector<16x1024xf32>
    %convert_element_type3A_1312 = arith.extui %and3A_1267 : vector<16x1xi1> to vector<16x1xi32>
    %add3A_1313 = arith.addi %add3A_1262, %convert_element_type3A_1312 : vector<16x1xi32>
    %gt3A_1314 = arith.constant 0 : i32
    %gt3A_1315 = vector.broadcast %gt3A_1314 : i32 to vector<16x1xi32>
    %gt3A_1316 = arith.cmpi sgt, %broadcast_in_dim3A_1297, %gt3A_1315 : vector<16x1xi32>
    %and3A_1317 = arith.andi %and3A_1267, %gt3A_1316 : vector<16x1xi1>
    %select_n3A_1318 = arith.select %and3A_1317, %broadcast_in_dim3A_1305, %select_n3A_1240 : vector<16x1xi1>, vector<16x1xi32>
    %le3A_1319 = arith.constant 0 : i32
    %le3A_1320 = vector.broadcast %le3A_1319 : i32 to vector<16x1xi32>
    %le3A_1321 = arith.cmpi sle, %broadcast_in_dim3A_1297, %le3A_1320 : vector<16x1xi32>
    %and3A_1322 = arith.andi %and3A_1267, %le3A_1321 : vector<16x1xi1>
    %or3A_1323 = arith.ori %or3A_1263, %and3A_1322 : vector<16x1xi1>
    %not3A_1324 = arith.constant dense<true> : vector<16x1xi1>
    %not3A_1325 = arith.xori %or3A_1323, %not3A_1324 : vector<16x1xi1>
    %eq3A_1326 = arith.constant 0 : i32
    %eq3A_1327 = vector.broadcast %eq3A_1326 : i32 to vector<16x1xi32>
    %eq3A_1328 = arith.cmpi eq, %select_n3A_1318, %eq3A_1327 : vector<16x1xi32>
    %and3A_1329 = arith.andi %not3A_1325, %eq3A_1328 : vector<16x1xi1>
    %slice3A_1330 = vector.extract_strided_slice %get3A_1 {offsets = [0, 0], sizes = [1, 1024], strides = [1, 1]} : vector<16x1024xf32> to vector<1x1024xf32>
    %jit3A_1331 = arith.constant 0.000000e+00 : f32
    %broadcast_in_dim3A_1332 = vector.shape_cast %and3A_1329 : vector<16x1xi1> to vector<16x1xi1>
    %broadcast_in_dim3A_1333 = vector.broadcast %broadcast_in_dim3A_1332 : vector<16x1xi1> to vector<16x1024xi1>
    %broadcast_in_dim3A_1334 = vector.shape_cast %slice3A_1330 : vector<1x1024xf32> to vector<1x1024xf32>
    %broadcast_in_dim3A_1335 = vector.broadcast %broadcast_in_dim3A_1334 : vector<1x1024xf32> to vector<16x1024xf32>
    %broadcast_in_dim3A_1336 = vector.broadcast %jit3A_1331 : f32 to vector<16x1024xf32>
    %select_n3A_1337 = arith.select %broadcast_in_dim3A_1333, %broadcast_in_dim3A_1335, %broadcast_in_dim3A_1336 : vector<16x1024xi1>, vector<16x1024xf32>
    %add3A_1338 = arith.addf %add3A_1311, %select_n3A_1337 : vector<16x1024xf32>
    %convert_element_type3A_1339 = arith.extui %and3A_1329 : vector<16x1xi1> to vector<16x1xi32>
    %add3A_1340 = arith.addi %add3A_1313, %convert_element_type3A_1339 : vector<16x1xi32>
    %or3A_1341 = arith.ori %or3A_1323, %and3A_1329 : vector<16x1xi1>
    %ne3A_1342 = arith.constant 0 : i32
    %ne3A_1343 = vector.broadcast %ne3A_1342 : i32 to vector<16x1xi32>
    %ne3A_1344 = arith.cmpi ne, %select_n3A_1318, %ne3A_1343 : vector<16x1xi32>
    %and3A_1345 = arith.andi %not3A_1325, %ne3A_1344 : vector<16x1xi1>
    %ge3A_1346 = vector.broadcast %select_n3A_1318 : vector<16x1xi32> to vector<16x16xi32>
    %ge3A_1347 = vector.broadcast %get3A_4 : vector<1x16xi32> to vector<16x16xi32>
    %ge3A_1348 = arith.cmpi sge, %ge3A_1346, %ge3A_1347 : vector<16x16xi32>
    %convert_element_type3A_1349 = arith.extui %ge3A_1348 : vector<16x16xi1> to vector<16x16xi32>
    %reduce_sum3A_1350 = arith.constant dense<0> : vector<16xi32>
    %reduce_sum3A_1351 = vector.multi_reduction <add>, %convert_element_type3A_1349, %reduce_sum3A_1350 [1] : vector<16x16xi32> to vector<16xi32>
    %broadcast_in_dim3A_1352 = vector.shape_cast %reduce_sum3A_1351 : vector<16xi32> to vector<16x1xi32>
    %sub3A_1353 = arith.constant 1 : i32
    %sub3A_1354 = vector.broadcast %sub3A_1353 : i32 to vector<16x1xi32>
    %sub3A_1355 = arith.subi %broadcast_in_dim3A_1352, %sub3A_1354 : vector<16x1xi32>
    %jit3A_1356 = arith.constant 0 : i32
    %jit3A_1357 = arith.constant 15 : i32
    %max3A_1358 = vector.broadcast %jit3A_1356 : i32 to vector<16x1xi32>
    %max3A_1359 = arith.maxsi %max3A_1358, %sub3A_1355 : vector<16x1xi32>
    %min3A_1360 = vector.broadcast %jit3A_1357 : i32 to vector<16x1xi32>
    %min3A_1361 = arith.minsi %min3A_1360, %max3A_1359 : vector<16x1xi32>
    %eq3A_1362 = vector.broadcast %min3A_1361 : vector<16x1xi32> to vector<16x16xi32>
    %eq3A_1363 = arith.cmpi eq, %eq3A_1362, %iota3A : vector<16x16xi32>
    %convert_element_type3A_1364 = arith.extui %eq3A_1363 : vector<16x16xi1> to vector<16x16xi32>
    %convert_element_type3A_1365 = arith.sitofp %convert_element_type3A_1364 : vector<16x16xi32> to vector<16x16xf32>
    %dot_general3A_1366 = arith.constant dense<0.000000e+00> : vector<16x1024xf32>
    %dot_general3A_1367 = tpu.matmul %convert_element_type3A_1365, %get3A_1, %dot_general3A_1366 {dimension_numbers = #tpu.dot_dimension_numbers<[1], [0], [0], [1], [0, 0, 1, 1], [], []>, transpose_lhs_hint = false} : vector<16x16xf32>, vector<16x1024xf32>, vector<16x1024xf32> -> vector<16x1024xf32>
    %jit3A_1368 = arith.constant 0 : i32
    %broadcast_in_dim3A_1369 = vector.shape_cast %get3A_4 : vector<1x16xi32> to vector<1x16xi32>
    %broadcast_in_dim3A_1370 = vector.broadcast %broadcast_in_dim3A_1369 : vector<1x16xi32> to vector<16x16xi32>
    %broadcast_in_dim3A_1371 = vector.broadcast %jit3A_1368 : i32 to vector<16x16xi32>
    %select_n3A_1372 = arith.select %eq3A_1363, %broadcast_in_dim3A_1370, %broadcast_in_dim3A_1371 : vector<16x16xi1>, vector<16x16xi32>
    %reduce_sum3A_1373 = arith.constant dense<0> : vector<16xi32>
    %reduce_sum3A_1374 = vector.multi_reduction <add>, %select_n3A_1372, %reduce_sum3A_1373 [1] : vector<16x16xi32> to vector<16xi32>
    %broadcast_in_dim3A_1375 = vector.shape_cast %reduce_sum3A_1374 : vector<16xi32> to vector<16x1xi32>
    %jit3A_1376 = arith.constant 0 : i32
    %broadcast_in_dim3A_1377 = vector.shape_cast %get3A_7 : vector<1x16xi32> to vector<1x16xi32>
    %broadcast_in_dim3A_1378 = vector.broadcast %broadcast_in_dim3A_1377 : vector<1x16xi32> to vector<16x16xi32>
    %broadcast_in_dim3A_1379 = vector.broadcast %jit3A_1376 : i32 to vector<16x16xi32>
    %select_n3A_1380 = arith.select %eq3A_1363, %broadcast_in_dim3A_1378, %broadcast_in_dim3A_1379 : vector<16x16xi1>, vector<16x16xi32>
    %reduce_sum3A_1381 = arith.constant dense<0> : vector<16xi32>
    %reduce_sum3A_1382 = vector.multi_reduction <add>, %select_n3A_1380, %reduce_sum3A_1381 [1] : vector<16x16xi32> to vector<16xi32>
    %broadcast_in_dim3A_1383 = vector.shape_cast %reduce_sum3A_1382 : vector<16xi32> to vector<16x1xi32>
    %jit3A_1384 = arith.constant 0.000000e+00 : f32
    %broadcast_in_dim3A_1385 = vector.shape_cast %and3A_1345 : vector<16x1xi1> to vector<16x1xi1>
    %broadcast_in_dim3A_1386 = vector.broadcast %broadcast_in_dim3A_1385 : vector<16x1xi1> to vector<16x1024xi1>
    %broadcast_in_dim3A_1387 = vector.broadcast %jit3A_1384 : f32 to vector<16x1024xf32>
    %select_n3A_1388 = arith.select %broadcast_in_dim3A_1386, %dot_general3A_1367, %broadcast_in_dim3A_1387 : vector<16x1024xi1>, vector<16x1024xf32>
    %add3A_1389 = arith.addf %add3A_1338, %select_n3A_1388 : vector<16x1024xf32>
    %convert_element_type3A_1390 = arith.extui %and3A_1345 : vector<16x1xi1> to vector<16x1xi32>
    %add3A_1391 = arith.addi %add3A_1340, %convert_element_type3A_1390 : vector<16x1xi32>
    %gt3A_1392 = arith.constant 0 : i32
    %gt3A_1393 = vector.broadcast %gt3A_1392 : i32 to vector<16x1xi32>
    %gt3A_1394 = arith.cmpi sgt, %broadcast_in_dim3A_1375, %gt3A_1393 : vector<16x1xi32>
    %and3A_1395 = arith.andi %and3A_1345, %gt3A_1394 : vector<16x1xi1>
    %select_n3A_1396 = arith.select %and3A_1395, %broadcast_in_dim3A_1383, %select_n3A_1318 : vector<16x1xi1>, vector<16x1xi32>
    %le3A_1397 = arith.constant 0 : i32
    %le3A_1398 = vector.broadcast %le3A_1397 : i32 to vector<16x1xi32>
    %le3A_1399 = arith.cmpi sle, %broadcast_in_dim3A_1375, %le3A_1398 : vector<16x1xi32>
    %and3A_1400 = arith.andi %and3A_1345, %le3A_1399 : vector<16x1xi1>
    %or3A_1401 = arith.ori %or3A_1341, %and3A_1400 : vector<16x1xi1>
    %not3A_1402 = arith.constant dense<true> : vector<16x1xi1>
    %not3A_1403 = arith.xori %or3A_1401, %not3A_1402 : vector<16x1xi1>
    %eq3A_1404 = arith.constant 0 : i32
    %eq3A_1405 = vector.broadcast %eq3A_1404 : i32 to vector<16x1xi32>
    %eq3A_1406 = arith.cmpi eq, %select_n3A_1396, %eq3A_1405 : vector<16x1xi32>
    %and3A_1407 = arith.andi %not3A_1403, %eq3A_1406 : vector<16x1xi1>
    %slice3A_1408 = vector.extract_strided_slice %get3A_1 {offsets = [0, 0], sizes = [1, 1024], strides = [1, 1]} : vector<16x1024xf32> to vector<1x1024xf32>
    %jit3A_1409 = arith.constant 0.000000e+00 : f32
    %broadcast_in_dim3A_1410 = vector.shape_cast %and3A_1407 : vector<16x1xi1> to vector<16x1xi1>
    %broadcast_in_dim3A_1411 = vector.broadcast %broadcast_in_dim3A_1410 : vector<16x1xi1> to vector<16x1024xi1>
    %broadcast_in_dim3A_1412 = vector.shape_cast %slice3A_1408 : vector<1x1024xf32> to vector<1x1024xf32>
    %broadcast_in_dim3A_1413 = vector.broadcast %broadcast_in_dim3A_1412 : vector<1x1024xf32> to vector<16x1024xf32>
    %broadcast_in_dim3A_1414 = vector.broadcast %jit3A_1409 : f32 to vector<16x1024xf32>
    %select_n3A_1415 = arith.select %broadcast_in_dim3A_1411, %broadcast_in_dim3A_1413, %broadcast_in_dim3A_1414 : vector<16x1024xi1>, vector<16x1024xf32>
    %add3A_1416 = arith.addf %add3A_1389, %select_n3A_1415 : vector<16x1024xf32>
    %convert_element_type3A_1417 = arith.extui %and3A_1407 : vector<16x1xi1> to vector<16x1xi32>
    %add3A_1418 = arith.addi %add3A_1391, %convert_element_type3A_1417 : vector<16x1xi32>
    %or3A_1419 = arith.ori %or3A_1401, %and3A_1407 : vector<16x1xi1>
    %ne3A_1420 = arith.constant 0 : i32
    %ne3A_1421 = vector.broadcast %ne3A_1420 : i32 to vector<16x1xi32>
    %ne3A_1422 = arith.cmpi ne, %select_n3A_1396, %ne3A_1421 : vector<16x1xi32>
    %and3A_1423 = arith.andi %not3A_1403, %ne3A_1422 : vector<16x1xi1>
    %ge3A_1424 = vector.broadcast %select_n3A_1396 : vector<16x1xi32> to vector<16x16xi32>
    %ge3A_1425 = vector.broadcast %get3A_4 : vector<1x16xi32> to vector<16x16xi32>
    %ge3A_1426 = arith.cmpi sge, %ge3A_1424, %ge3A_1425 : vector<16x16xi32>
    %convert_element_type3A_1427 = arith.extui %ge3A_1426 : vector<16x16xi1> to vector<16x16xi32>
    %reduce_sum3A_1428 = arith.constant dense<0> : vector<16xi32>
    %reduce_sum3A_1429 = vector.multi_reduction <add>, %convert_element_type3A_1427, %reduce_sum3A_1428 [1] : vector<16x16xi32> to vector<16xi32>
    %broadcast_in_dim3A_1430 = vector.shape_cast %reduce_sum3A_1429 : vector<16xi32> to vector<16x1xi32>
    %sub3A_1431 = arith.constant 1 : i32
    %sub3A_1432 = vector.broadcast %sub3A_1431 : i32 to vector<16x1xi32>
    %sub3A_1433 = arith.subi %broadcast_in_dim3A_1430, %sub3A_1432 : vector<16x1xi32>
    %jit3A_1434 = arith.constant 0 : i32
    %jit3A_1435 = arith.constant 15 : i32
    %max3A_1436 = vector.broadcast %jit3A_1434 : i32 to vector<16x1xi32>
    %max3A_1437 = arith.maxsi %max3A_1436, %sub3A_1433 : vector<16x1xi32>
    %min3A_1438 = vector.broadcast %jit3A_1435 : i32 to vector<16x1xi32>
    %min3A_1439 = arith.minsi %min3A_1438, %max3A_1437 : vector<16x1xi32>
    %eq3A_1440 = vector.broadcast %min3A_1439 : vector<16x1xi32> to vector<16x16xi32>
    %eq3A_1441 = arith.cmpi eq, %eq3A_1440, %iota3A : vector<16x16xi32>
    %convert_element_type3A_1442 = arith.extui %eq3A_1441 : vector<16x16xi1> to vector<16x16xi32>
    %convert_element_type3A_1443 = arith.sitofp %convert_element_type3A_1442 : vector<16x16xi32> to vector<16x16xf32>
    %dot_general3A_1444 = arith.constant dense<0.000000e+00> : vector<16x1024xf32>
    %dot_general3A_1445 = tpu.matmul %convert_element_type3A_1443, %get3A_1, %dot_general3A_1444 {dimension_numbers = #tpu.dot_dimension_numbers<[1], [0], [0], [1], [0, 0, 1, 1], [], []>, transpose_lhs_hint = false} : vector<16x16xf32>, vector<16x1024xf32>, vector<16x1024xf32> -> vector<16x1024xf32>
    %jit3A_1446 = arith.constant 0 : i32
    %broadcast_in_dim3A_1447 = vector.shape_cast %get3A_4 : vector<1x16xi32> to vector<1x16xi32>
    %broadcast_in_dim3A_1448 = vector.broadcast %broadcast_in_dim3A_1447 : vector<1x16xi32> to vector<16x16xi32>
    %broadcast_in_dim3A_1449 = vector.broadcast %jit3A_1446 : i32 to vector<16x16xi32>
    %select_n3A_1450 = arith.select %eq3A_1441, %broadcast_in_dim3A_1448, %broadcast_in_dim3A_1449 : vector<16x16xi1>, vector<16x16xi32>
    %reduce_sum3A_1451 = arith.constant dense<0> : vector<16xi32>
    %reduce_sum3A_1452 = vector.multi_reduction <add>, %select_n3A_1450, %reduce_sum3A_1451 [1] : vector<16x16xi32> to vector<16xi32>
    %broadcast_in_dim3A_1453 = vector.shape_cast %reduce_sum3A_1452 : vector<16xi32> to vector<16x1xi32>
    %jit3A_1454 = arith.constant 0 : i32
    %broadcast_in_dim3A_1455 = vector.shape_cast %get3A_7 : vector<1x16xi32> to vector<1x16xi32>
    %broadcast_in_dim3A_1456 = vector.broadcast %broadcast_in_dim3A_1455 : vector<1x16xi32> to vector<16x16xi32>
    %broadcast_in_dim3A_1457 = vector.broadcast %jit3A_1454 : i32 to vector<16x16xi32>
    %select_n3A_1458 = arith.select %eq3A_1441, %broadcast_in_dim3A_1456, %broadcast_in_dim3A_1457 : vector<16x16xi1>, vector<16x16xi32>
    %reduce_sum3A_1459 = arith.constant dense<0> : vector<16xi32>
    %reduce_sum3A_1460 = vector.multi_reduction <add>, %select_n3A_1458, %reduce_sum3A_1459 [1] : vector<16x16xi32> to vector<16xi32>
    %broadcast_in_dim3A_1461 = vector.shape_cast %reduce_sum3A_1460 : vector<16xi32> to vector<16x1xi32>
    %jit3A_1462 = arith.constant 0.000000e+00 : f32
    %broadcast_in_dim3A_1463 = vector.shape_cast %and3A_1423 : vector<16x1xi1> to vector<16x1xi1>
    %broadcast_in_dim3A_1464 = vector.broadcast %broadcast_in_dim3A_1463 : vector<16x1xi1> to vector<16x1024xi1>
    %broadcast_in_dim3A_1465 = vector.broadcast %jit3A_1462 : f32 to vector<16x1024xf32>
    %select_n3A_1466 = arith.select %broadcast_in_dim3A_1464, %dot_general3A_1445, %broadcast_in_dim3A_1465 : vector<16x1024xi1>, vector<16x1024xf32>
    %add3A_1467 = arith.addf %add3A_1416, %select_n3A_1466 : vector<16x1024xf32>
    %convert_element_type3A_1468 = arith.extui %and3A_1423 : vector<16x1xi1> to vector<16x1xi32>
    %add3A_1469 = arith.addi %add3A_1418, %convert_element_type3A_1468 : vector<16x1xi32>
    %gt3A_1470 = arith.constant 0 : i32
    %gt3A_1471 = vector.broadcast %gt3A_1470 : i32 to vector<16x1xi32>
    %gt3A_1472 = arith.cmpi sgt, %broadcast_in_dim3A_1453, %gt3A_1471 : vector<16x1xi32>
    %and3A_1473 = arith.andi %and3A_1423, %gt3A_1472 : vector<16x1xi1>
    %select_n3A_1474 = arith.select %and3A_1473, %broadcast_in_dim3A_1461, %select_n3A_1396 : vector<16x1xi1>, vector<16x1xi32>
    %le3A_1475 = arith.constant 0 : i32
    %le3A_1476 = vector.broadcast %le3A_1475 : i32 to vector<16x1xi32>
    %le3A_1477 = arith.cmpi sle, %broadcast_in_dim3A_1453, %le3A_1476 : vector<16x1xi32>
    %and3A_1478 = arith.andi %and3A_1423, %le3A_1477 : vector<16x1xi1>
    %or3A_1479 = arith.ori %or3A_1419, %and3A_1478 : vector<16x1xi1>
    %not3A_1480 = arith.constant dense<true> : vector<16x1xi1>
    %not3A_1481 = arith.xori %or3A_1479, %not3A_1480 : vector<16x1xi1>
    %eq3A_1482 = arith.constant 0 : i32
    %eq3A_1483 = vector.broadcast %eq3A_1482 : i32 to vector<16x1xi32>
    %eq3A_1484 = arith.cmpi eq, %select_n3A_1474, %eq3A_1483 : vector<16x1xi32>
    %and3A_1485 = arith.andi %not3A_1481, %eq3A_1484 : vector<16x1xi1>
    %slice3A_1486 = vector.extract_strided_slice %get3A_1 {offsets = [0, 0], sizes = [1, 1024], strides = [1, 1]} : vector<16x1024xf32> to vector<1x1024xf32>
    %jit3A_1487 = arith.constant 0.000000e+00 : f32
    %broadcast_in_dim3A_1488 = vector.shape_cast %and3A_1485 : vector<16x1xi1> to vector<16x1xi1>
    %broadcast_in_dim3A_1489 = vector.broadcast %broadcast_in_dim3A_1488 : vector<16x1xi1> to vector<16x1024xi1>
    %broadcast_in_dim3A_1490 = vector.shape_cast %slice3A_1486 : vector<1x1024xf32> to vector<1x1024xf32>
    %broadcast_in_dim3A_1491 = vector.broadcast %broadcast_in_dim3A_1490 : vector<1x1024xf32> to vector<16x1024xf32>
    %broadcast_in_dim3A_1492 = vector.broadcast %jit3A_1487 : f32 to vector<16x1024xf32>
    %select_n3A_1493 = arith.select %broadcast_in_dim3A_1489, %broadcast_in_dim3A_1491, %broadcast_in_dim3A_1492 : vector<16x1024xi1>, vector<16x1024xf32>
    %add3A_1494 = arith.addf %add3A_1467, %select_n3A_1493 : vector<16x1024xf32>
    %convert_element_type3A_1495 = arith.extui %and3A_1485 : vector<16x1xi1> to vector<16x1xi32>
    %add3A_1496 = arith.addi %add3A_1469, %convert_element_type3A_1495 : vector<16x1xi32>
    %ne3A_1497 = arith.constant 0 : i32
    %ne3A_1498 = vector.broadcast %ne3A_1497 : i32 to vector<16x1xi32>
    %ne3A_1499 = arith.cmpi ne, %select_n3A_1474, %ne3A_1498 : vector<16x1xi32>
    %and3A_1500 = arith.andi %not3A_1481, %ne3A_1499 : vector<16x1xi1>
    %ge3A_1501 = vector.broadcast %select_n3A_1474 : vector<16x1xi32> to vector<16x16xi32>
    %ge3A_1502 = vector.broadcast %get3A_4 : vector<1x16xi32> to vector<16x16xi32>
    %ge3A_1503 = arith.cmpi sge, %ge3A_1501, %ge3A_1502 : vector<16x16xi32>
    %convert_element_type3A_1504 = arith.extui %ge3A_1503 : vector<16x16xi1> to vector<16x16xi32>
    %reduce_sum3A_1505 = arith.constant dense<0> : vector<16xi32>
    %reduce_sum3A_1506 = vector.multi_reduction <add>, %convert_element_type3A_1504, %reduce_sum3A_1505 [1] : vector<16x16xi32> to vector<16xi32>
    %broadcast_in_dim3A_1507 = vector.shape_cast %reduce_sum3A_1506 : vector<16xi32> to vector<16x1xi32>
    %sub3A_1508 = arith.constant 1 : i32
    %sub3A_1509 = vector.broadcast %sub3A_1508 : i32 to vector<16x1xi32>
    %sub3A_1510 = arith.subi %broadcast_in_dim3A_1507, %sub3A_1509 : vector<16x1xi32>
    %jit3A_1511 = arith.constant 0 : i32
    %jit3A_1512 = arith.constant 15 : i32
    %max3A_1513 = vector.broadcast %jit3A_1511 : i32 to vector<16x1xi32>
    %max3A_1514 = arith.maxsi %max3A_1513, %sub3A_1510 : vector<16x1xi32>
    %min3A_1515 = vector.broadcast %jit3A_1512 : i32 to vector<16x1xi32>
    %min3A_1516 = arith.minsi %min3A_1515, %max3A_1514 : vector<16x1xi32>
    %eq3A_1517 = vector.broadcast %min3A_1516 : vector<16x1xi32> to vector<16x16xi32>
    %eq3A_1518 = arith.cmpi eq, %eq3A_1517, %iota3A : vector<16x16xi32>
    %convert_element_type3A_1519 = arith.extui %eq3A_1518 : vector<16x16xi1> to vector<16x16xi32>
    %convert_element_type3A_1520 = arith.sitofp %convert_element_type3A_1519 : vector<16x16xi32> to vector<16x16xf32>
    %dot_general3A_1521 = arith.constant dense<0.000000e+00> : vector<16x1024xf32>
    %dot_general3A_1522 = tpu.matmul %convert_element_type3A_1520, %get3A_1, %dot_general3A_1521 {dimension_numbers = #tpu.dot_dimension_numbers<[1], [0], [0], [1], [0, 0, 1, 1], [], []>, transpose_lhs_hint = false} : vector<16x16xf32>, vector<16x1024xf32>, vector<16x1024xf32> -> vector<16x1024xf32>
    %jit3A_1523 = arith.constant 0.000000e+00 : f32
    %broadcast_in_dim3A_1524 = vector.shape_cast %and3A_1500 : vector<16x1xi1> to vector<16x1xi1>
    %broadcast_in_dim3A_1525 = vector.broadcast %broadcast_in_dim3A_1524 : vector<16x1xi1> to vector<16x1024xi1>
    %broadcast_in_dim3A_1526 = vector.broadcast %jit3A_1523 : f32 to vector<16x1024xf32>
    %select_n3A_1527 = arith.select %broadcast_in_dim3A_1525, %dot_general3A_1522, %broadcast_in_dim3A_1526 : vector<16x1024xi1>, vector<16x1024xf32>
    %add3A_1528 = arith.addf %add3A_1494, %select_n3A_1527 : vector<16x1024xf32>
    %convert_element_type3A_1529 = arith.extui %and3A_1500 : vector<16x1xi1> to vector<16x1xi32>
    %add3A_1530 = arith.addi %add3A_1496, %convert_element_type3A_1529 : vector<16x1xi32>
    %max3A_1531 = arith.constant 1 : i32
    %max3A_1532 = vector.broadcast %max3A_1531 : i32 to vector<16x1xi32>
    %max3A_1533 = arith.maxsi %add3A_1530, %max3A_1532 : vector<16x1xi32>
    %convert_element_type3A_1534 = arith.sitofp %max3A_1533 : vector<16x1xi32> to vector<16x1xf32>
    %rsqrt3A = math.rsqrt %convert_element_type3A_1534 : vector<16x1xf32>
    %mul3A = vector.broadcast %rsqrt3A : vector<16x1xf32> to vector<16x1024xf32>
    %mul3A_1535 = arith.mulf %add3A_1528, %mul3A : vector<16x1024xf32>
    %swap3A = arith.constant 0 : index
    %swap3A_1536 = arith.constant 0 : index
    %swap3A_1537 = vector.load %arg6[%swap3A, %swap3A_1536] : memref<16x1024xf32, #tpu.memory_space<vmem>>, vector<16x1024xf32>
    tpu.vector_store %arg6[%swap3A, %swap3A_1536], %mul3A_1535 {strides = array<i32>} : memref<16x1024xf32, #tpu.memory_space<vmem>>, vector<16x1024xf32>,
    %get3A_1538 = arith.constant 0 : index
    %get3A_1539 = arith.constant 0 : index
    %get3A_1540 = vector.load %arg5[%get3A_1538, %get3A_1539] : memref<16x2048xi32, #tpu.memory_space<vmem>>, vector<16x2048xi32>
    %broadcast_in_dim3A_1541 = arith.constant 0 : i32
    %broadcast_in_dim3A_1542 = vector.broadcast %broadcast_in_dim3A_1541 : i32 to vector<16x2048xi32>
    %get3A_1543 = arith.constant 0 : index
    %get3A_1544 = arith.constant 0 : index
    %get3A_1545 = memref.load %arg0[%get3A_1543, %get3A_1544] : memref<1x16xi32, #tpu.memory_space<smem>>
    %ge3A_1546 = vector.broadcast %get3A_1545 : i32 to vector<16x2048xi32>
    %ge3A_1547 = arith.cmpi sge, %get3A_1540, %ge3A_1546 : vector<16x2048xi32>
    %convert_element_type3A_1548 = arith.extui %ge3A_1547 : vector<16x2048xi1> to vector<16x2048xi32>
    %add3A_1549 = arith.addi %broadcast_in_dim3A_1542, %convert_element_type3A_1548 : vector<16x2048xi32>
    %get3A_1550 = arith.constant 0 : index
    %get3A_1551 = arith.constant 1 : index
    %get3A_1552 = memref.load %arg0[%get3A_1550, %get3A_1551] : memref<1x16xi32, #tpu.memory_space<smem>>
    %ge3A_1553 = vector.broadcast %get3A_1552 : i32 to vector<16x2048xi32>
    %ge3A_1554 = arith.cmpi sge, %get3A_1540, %ge3A_1553 : vector<16x2048xi32>
    %convert_element_type3A_1555 = arith.extui %ge3A_1554 : vector<16x2048xi1> to vector<16x2048xi32>
    %add3A_1556 = arith.addi %add3A_1549, %convert_element_type3A_1555 : vector<16x2048xi32>
    %get3A_1557 = arith.constant 0 : index
    %get3A_1558 = arith.constant 2 : index
    %get3A_1559 = memref.load %arg0[%get3A_1557, %get3A_1558] : memref<1x16xi32, #tpu.memory_space<smem>>
    %ge3A_1560 = vector.broadcast %get3A_1559 : i32 to vector<16x2048xi32>
    %ge3A_1561 = arith.cmpi sge, %get3A_1540, %ge3A_1560 : vector<16x2048xi32>
    %convert_element_type3A_1562 = arith.extui %ge3A_1561 : vector<16x2048xi1> to vector<16x2048xi32>
    %add3A_1563 = arith.addi %add3A_1556, %convert_element_type3A_1562 : vector<16x2048xi32>
    %get3A_1564 = arith.constant 0 : index
    %get3A_1565 = arith.constant 3 : index
    %get3A_1566 = memref.load %arg0[%get3A_1564, %get3A_1565] : memref<1x16xi32, #tpu.memory_space<smem>>
    %ge3A_1567 = vector.broadcast %get3A_1566 : i32 to vector<16x2048xi32>
    %ge3A_1568 = arith.cmpi sge, %get3A_1540, %ge3A_1567 : vector<16x2048xi32>
    %convert_element_type3A_1569 = arith.extui %ge3A_1568 : vector<16x2048xi1> to vector<16x2048xi32>
    %add3A_1570 = arith.addi %add3A_1563, %convert_element_type3A_1569 : vector<16x2048xi32>
    %get3A_1571 = arith.constant 0 : index
    %get3A_1572 = arith.constant 4 : index
    %get3A_1573 = memref.load %arg0[%get3A_1571, %get3A_1572] : memref<1x16xi32, #tpu.memory_space<smem>>
    %ge3A_1574 = vector.broadcast %get3A_1573 : i32 to vector<16x2048xi32>
    %ge3A_1575 = arith.cmpi sge, %get3A_1540, %ge3A_1574 : vector<16x2048xi32>
    %convert_element_type3A_1576 = arith.extui %ge3A_1575 : vector<16x2048xi1> to vector<16x2048xi32>
    %add3A_1577 = arith.addi %add3A_1570, %convert_element_type3A_1576 : vector<16x2048xi32>
    %get3A_1578 = arith.constant 0 : index
    %get3A_1579 = arith.constant 5 : index
    %get3A_1580 = memref.load %arg0[%get3A_1578, %get3A_1579] : memref<1x16xi32, #tpu.memory_space<smem>>
    %ge3A_1581 = vector.broadcast %get3A_1580 : i32 to vector<16x2048xi32>
    %ge3A_1582 = arith.cmpi sge, %get3A_1540, %ge3A_1581 : vector<16x2048xi32>
    %convert_element_type3A_1583 = arith.extui %ge3A_1582 : vector<16x2048xi1> to vector<16x2048xi32>
    %add3A_1584 = arith.addi %add3A_1577, %convert_element_type3A_1583 : vector<16x2048xi32>
    %get3A_1585 = arith.constant 0 : index
    %get3A_1586 = arith.constant 6 : index
    %get3A_1587 = memref.load %arg0[%get3A_1585, %get3A_1586] : memref<1x16xi32, #tpu.memory_space<smem>>
    %ge3A_1588 = vector.broadcast %get3A_1587 : i32 to vector<16x2048xi32>
    %ge3A_1589 = arith.cmpi sge, %get3A_1540, %ge3A_1588 : vector<16x2048xi32>
    %convert_element_type3A_1590 = arith.extui %ge3A_1589 : vector<16x2048xi1> to vector<16x2048xi32>
    %add3A_1591 = arith.addi %add3A_1584, %convert_element_type3A_1590 : vector<16x2048xi32>
    %get3A_1592 = arith.constant 0 : index
    %get3A_1593 = arith.constant 7 : index
    %get3A_1594 = memref.load %arg0[%get3A_1592, %get3A_1593] : memref<1x16xi32, #tpu.memory_space<smem>>
    %ge3A_1595 = vector.broadcast %get3A_1594 : i32 to vector<16x2048xi32>
    %ge3A_1596 = arith.cmpi sge, %get3A_1540, %ge3A_1595 : vector<16x2048xi32>
    %convert_element_type3A_1597 = arith.extui %ge3A_1596 : vector<16x2048xi1> to vector<16x2048xi32>
    %add3A_1598 = arith.addi %add3A_1591, %convert_element_type3A_1597 : vector<16x2048xi32>
    %get3A_1599 = arith.constant 0 : index
    %get3A_1600 = arith.constant 8 : index
    %get3A_1601 = memref.load %arg0[%get3A_1599, %get3A_1600] : memref<1x16xi32, #tpu.memory_space<smem>>
    %ge3A_1602 = vector.broadcast %get3A_1601 : i32 to vector<16x2048xi32>
    %ge3A_1603 = arith.cmpi sge, %get3A_1540, %ge3A_1602 : vector<16x2048xi32>
    %convert_element_type3A_1604 = arith.extui %ge3A_1603 : vector<16x2048xi1> to vector<16x2048xi32>
    %add3A_1605 = arith.addi %add3A_1598, %convert_element_type3A_1604 : vector<16x2048xi32>
    %get3A_1606 = arith.constant 0 : index
    %get3A_1607 = arith.constant 9 : index
    %get3A_1608 = memref.load %arg0[%get3A_1606, %get3A_1607] : memref<1x16xi32, #tpu.memory_space<smem>>
    %ge3A_1609 = vector.broadcast %get3A_1608 : i32 to vector<16x2048xi32>
    %ge3A_1610 = arith.cmpi sge, %get3A_1540, %ge3A_1609 : vector<16x2048xi32>
    %convert_element_type3A_1611 = arith.extui %ge3A_1610 : vector<16x2048xi1> to vector<16x2048xi32>
    %add3A_1612 = arith.addi %add3A_1605, %convert_element_type3A_1611 : vector<16x2048xi32>
    %get3A_1613 = arith.constant 0 : index
    %get3A_1614 = arith.constant 10 : index
    %get3A_1615 = memref.load %arg0[%get3A_1613, %get3A_1614] : memref<1x16xi32, #tpu.memory_space<smem>>
    %ge3A_1616 = vector.broadcast %get3A_1615 : i32 to vector<16x2048xi32>
    %ge3A_1617 = arith.cmpi sge, %get3A_1540, %ge3A_1616 : vector<16x2048xi32>
    %convert_element_type3A_1618 = arith.extui %ge3A_1617 : vector<16x2048xi1> to vector<16x2048xi32>
    %add3A_1619 = arith.addi %add3A_1612, %convert_element_type3A_1618 : vector<16x2048xi32>
    %get3A_1620 = arith.constant 0 : index
    %get3A_1621 = arith.constant 11 : index
    %get3A_1622 = memref.load %arg0[%get3A_1620, %get3A_1621] : memref<1x16xi32, #tpu.memory_space<smem>>
    %ge3A_1623 = vector.broadcast %get3A_1622 : i32 to vector<16x2048xi32>
    %ge3A_1624 = arith.cmpi sge, %get3A_1540, %ge3A_1623 : vector<16x2048xi32>
    %convert_element_type3A_1625 = arith.extui %ge3A_1624 : vector<16x2048xi1> to vector<16x2048xi32>
    %add3A_1626 = arith.addi %add3A_1619, %convert_element_type3A_1625 : vector<16x2048xi32>
    %get3A_1627 = arith.constant 0 : index
    %get3A_1628 = arith.constant 12 : index
    %get3A_1629 = memref.load %arg0[%get3A_1627, %get3A_1628] : memref<1x16xi32, #tpu.memory_space<smem>>
    %ge3A_1630 = vector.broadcast %get3A_1629 : i32 to vector<16x2048xi32>
    %ge3A_1631 = arith.cmpi sge, %get3A_1540, %ge3A_1630 : vector<16x2048xi32>
    %convert_element_type3A_1632 = arith.extui %ge3A_1631 : vector<16x2048xi1> to vector<16x2048xi32>
    %add3A_1633 = arith.addi %add3A_1626, %convert_element_type3A_1632 : vector<16x2048xi32>
    %get3A_1634 = arith.constant 0 : index
    %get3A_1635 = arith.constant 13 : index
    %get3A_1636 = memref.load %arg0[%get3A_1634, %get3A_1635] : memref<1x16xi32, #tpu.memory_space<smem>>
    %ge3A_1637 = vector.broadcast %get3A_1636 : i32 to vector<16x2048xi32>
    %ge3A_1638 = arith.cmpi sge, %get3A_1540, %ge3A_1637 : vector<16x2048xi32>
    %convert_element_type3A_1639 = arith.extui %ge3A_1638 : vector<16x2048xi1> to vector<16x2048xi32>
    %add3A_1640 = arith.addi %add3A_1633, %convert_element_type3A_1639 : vector<16x2048xi32>
    %get3A_1641 = arith.constant 0 : index
    %get3A_1642 = arith.constant 14 : index
    %get3A_1643 = memref.load %arg0[%get3A_1641, %get3A_1642] : memref<1x16xi32, #tpu.memory_space<smem>>
    %ge3A_1644 = vector.broadcast %get3A_1643 : i32 to vector<16x2048xi32>
    %ge3A_1645 = arith.cmpi sge, %get3A_1540, %ge3A_1644 : vector<16x2048xi32>
    %convert_element_type3A_1646 = arith.extui %ge3A_1645 : vector<16x2048xi1> to vector<16x2048xi32>
    %add3A_1647 = arith.addi %add3A_1640, %convert_element_type3A_1646 : vector<16x2048xi32>
    %get3A_1648 = arith.constant 0 : index
    %get3A_1649 = arith.constant 15 : index
    %get3A_1650 = memref.load %arg0[%get3A_1648, %get3A_1649] : memref<1x16xi32, #tpu.memory_space<smem>>
    %ge3A_1651 = vector.broadcast %get3A_1650 : i32 to vector<16x2048xi32>
    %ge3A_1652 = arith.cmpi sge, %get3A_1540, %ge3A_1651 : vector<16x2048xi32>
    %convert_element_type3A_1653 = arith.extui %ge3A_1652 : vector<16x2048xi1> to vector<16x2048xi32>
    %add3A_1654 = arith.addi %add3A_1647, %convert_element_type3A_1653 : vector<16x2048xi32>
    %sub3A_1655 = arith.constant 1 : i32
    %sub3A_1656 = vector.broadcast %sub3A_1655 : i32 to vector<16x2048xi32>
    %sub3A_1657 = arith.subi %add3A_1654, %sub3A_1656 : vector<16x2048xi32>
    %jit3A_1658 = arith.constant 0 : i32
    %jit3A_1659 = arith.constant 15 : i32
    %max3A_1660 = vector.broadcast %jit3A_1658 : i32 to vector<16x2048xi32>
    %max3A_1661 = arith.maxsi %max3A_1660, %sub3A_1657 : vector<16x2048xi32>
    %min3A_1662 = vector.broadcast %jit3A_1659 : i32 to vector<16x2048xi32>
    %min3A_1663 = arith.minsi %min3A_1662, %max3A_1661 : vector<16x2048xi32>
    %swap3A_1664 = arith.constant 0 : index
    %swap3A_1665 = arith.constant 0 : index
    %swap3A_1666 = vector.load %arg7[%swap3A_1664, %swap3A_1665] : memref<16x2048xi32, #tpu.memory_space<vmem>>, vector<16x2048xi32>
    tpu.vector_store %arg7[%swap3A_1664, %swap3A_1665], %min3A_1663 {strides = array<i32>} : memref<16x2048xi32, #tpu.memory_space<vmem>>, vector<16x2048xi32>,
    return
  }
}

</mosaic_0001>

<sc_bundles>
// kernel: kernel.4.cloned.1.call-start
scs
__scs_entry_jumppad:
0x0: {  	(pc) =	sbr.rel $0x88, $3  }
0x1: {  	(tag) =	ssettag $0x0;
	lr =	simm.s32 $0x1  }
0x2: {  	[smem:$0x3F9D] =	sst lr;
	_ =	strace $0xD0000000  }
0x3: {  	_ = 	snop  }
0x4: {  	_ = 	snop  }
0x5: {  	_ = 	snop  }
0x6: {  	_ = 	snop  }
0x7: {  	_ = 	snop  }
__scs_overlays_trampoline_lowered:
0x8: {  	[smem:$0x3FAC] =	sst s0  }
0x9: {  	[smem:$0x3FAD] =	sst s1  }
0xa: {  	[smem:$0x3FAE] =	sst s2  }
0xb: {  	[smem:$0x3FAF] =	sst s3  }
0xc: {  	[smem:$0x3FB0] =	sst s4  }
0xd: {  	[smem:$0x3FB1] =	sst s5  }
0xe: {  	[smem:$0x3FB2] =	sst s6  }
0xf: {  	[smem:$0x3FB3] =	sst s7  }
0x10: {  	[smem:$0x3FB4] =	sst s8  }
0x11: {  	[smem:$0x3FB5] =	sst s9;
	s0 =	simm.s32 @!p0 $0x0  }
0x12: {  	s1 =	sld [smem:$0x3F9B];
	s0 =	simm.s32 @p0 $0x1  }
0x13: {  	[smem:$0x3FB6] =	sst s0;
	s0 =	simm.s32 @!p1 $0x0  }
0x14: {  	s2 =	sld [smem:$0x3F9A];
	s0 =	simm.s32 @p1 $0x1  }
0x15: {  	[smem:$0x3FB7] =	sst s0;
	s0 =	simm.s32 @!p2 $0x0  }
0x16: {  	s3 =	sld [smem:$0x3FDB];
	s0 =	simm.s32 @p2 $0x1  }
0x17: {  	s4 =	simm.s32 $0x1BF5;
	[smem:$0x3FB9] =	sst s0  }
0x18: {  	s0 =	sld [smem:$0x3F9C];
	_ =	swait.ge [sflag:s4], $0x0  }
0x19: {  	s7 =	sld [smem:$0x3F9D]  }
0x1a: {  	s8 =	sadd.s32 $0xFFFFE003, lr  }
0x1b: {  	s9 =	sadd.s32 $0xFFFFFEF7, lr;
	s5 =	simm.s32 $0xFFFFFFFF;
	p2 =	slt.u32 s8, $0xFFFFF086  }
0x1c: {  	p1 =	slt.u32 s9, $0xF7A;
	s5 =	simm.s32 @!p2 $0x0  }
0x1d: {  	s5 =	simm.s32 @p1 $0x1;
	p0 =	seq.s32 s7, s2  }
0x1e: {  	s7 =	smul.u32 @!p0 $0xF7A, s2;
	p2 =	seq.s32 @!p0 s5, $0x0  }
0x1f: {  	s9 =	smul.u32 $0xF7A, s1;
	s8 =	simm.s32 @!p0 $0x1BF5;
	p2 =	por !p2, p0  }
0x20: {  	[sflag:s8] =	ssyncset.s32 @!p0 $0xFFFFF086;
	s6 =	sadd.s32 @!p0 s3, s7;
	s7 =	simm.s32 @!p0 $0x108  }
0x21: {  	s3 =	sadd.s32 s3, s9;
	s6 =	sadd.s32 @!p0 $0x88, s6;
	s7 =	simm.s32 @p2 $0x1082  }
0x22: {  	[simem:s7], [sflag:s8] =	dma.local @!p0 [hbm:s6], $0xF7A  }
0x23: {  	s9 =	sor.u32 $0xD0000000, s2;
	s6 =	simm.s32 $0x108;
	_ =	swait.ge @!p0 [sflag:s8], $0x0  }
0x24: {  	s3 =	sadd.s32 $0x88, s3;
	s6 =	simm.s32 @!p1 $0x1082;
	[sflag:s4] =	ssyncset.s32 $0xFFFFF086  }
0x25: {  	[simem:s6], [sflag:s4] =	dma.local [hbm:s3], $0xF7A  }
0x26: {  	[smem:$0x3F9D] =	sst s1;
	(tag) =	ssettag s2;
	_ =	strace s9  }
0x27: {  	s1 =	sld [smem:$0x3FAD]  }
0x28: {  	s2 =	sld [smem:$0x3FAE]  }
0x29: {  	s4 =	sld [smem:$0x3FB0]  }
0x2a: {  	p0 =	seq.s32 s5, $0x0;
	s5 =	sld [smem:$0x3FB1]  }
0x2b: {  	s6 =	sld [smem:$0x3FB2]  }
0x2c: {  	s7 =	sld [smem:$0x3FB3]  }
0x2d: {  	s3 =	simm.s32 $0x108;
	s8 =	sld [smem:$0x3FB4]  }
0x2e: {  	s3 =	simm.s32 @!p0 $0x1082;
	s9 =	sld [smem:$0x3FB5]  }
0x2f: {  	lr =	sadd.s32 s0, s3;
	s0 =	sld [smem:$0x3FAC]  }
0x30: {  	s3 =	sld [smem:$0x3FAF]  }
0x31: {  	[smem:$0x3FB8] =	sst s10  }
0x32: {  	s10 =	sld [smem:$0x3FB6];
	_ =	sdelay $0x3  }
0x33: {  	p0 =	seq.s32 s10, $0x1;
	s10 =	sld [smem:$0x3FB8];
	_ =	sdelay $0x3  }
0x34: {  	[smem:$0x3FB8] =	sst s10  }
0x35: {  	s10 =	sld [smem:$0x3FB7];
	_ =	sdelay $0x3  }
0x36: {  	p1 =	seq.s32 s10, $0x1;
	s10 =	sld [smem:$0x3FB8];
	_ =	sdelay $0x3  }
0x37: {  	[smem:$0x3FB8] =	sst s10  }
0x38: {  	s10 =	sld [smem:$0x3FB9]  }
0x39: {  	_ = 	snop;
	(pc) =	sbr.ind lr, $3  }
0x3a: {  	_ = 	snop  }
0x3b: {  	_ = 	snop  }
0x3c: {  	p2 =	seq.s32 s10, $0x1;
	s10 =	sld [smem:$0x3FB8]  }
0x3d: {  	_ =	shalt  }
0x3e: {  	_ =	shalt  }
0x3f: {  	_ =	shalt  }
0x40: {  	_ =	shalt  }
0x41: {  	_ =	shalt  }
0x42: {  	_ =	shalt  }
0x43: {  	_ =	shalt  }
0x44: {  	_ =	shalt  }
0x45: {  	_ =	shalt  }
0x46: {  	_ =	shalt  }
0x47: {  	_ =	shalt  }
0x48: {  	_ =	shalt  }
0x49: {  	_ =	shalt  }
0x4a: {  	_ =	shalt  }
0x4b: {  	_ =	shalt  }
0x4c: {  	_ =	shalt  }
0x4d: {  	_ =	shalt  }
0x4e: {  	_ =	shalt  }
0x4f: {  	_ =	shalt  }
0x50: {  	_ =	shalt  }
0x51: {  	_ =	shalt  }
0x52: {  	_ =	shalt  }
0x53: {  	_ =	shalt  }
0x54: {  	_ =	shalt  }
0x55: {  	_ =	shalt  }
0x56: {  	_ =	shalt  }
0x57: {  	_ =	shalt  }
0x58: {  	_ =	shalt  }
0x59: {  	_ =	shalt  }
0x5a: {  	_ =	shalt  }
0x5b: {  	_ =	shalt  }
0x5c: {  	_ =	shalt  }
0x5d: {  	_ =	shalt  }
0x5e: {  	_ =	shalt  }
0x5f: {  	_ =	shalt  }
0x60: {  	_ =	shalt  }
0x61: {  	_ =	shalt  }
0x62: {  	_ =	shalt  }
0x63: {  	_ =	shalt  }
0x64: {  	_ =	shalt  }
0x65: {  	_ =	shalt  }
0x66: {  	_ =	shalt  }
0x67: {  	_ =	shalt  }
0x68: {  	_ =	shalt  }
0x69: {  	_ =	shalt  }
0x6a: {  	_ =	shalt  }
0x6b: {  	_ =	shalt  }
0x6c: {  	_ =	shalt  }
0x6d: {  	_ =	shalt  }
0x6e: {  	_ =	shalt  }
0x6f: {  	_ =	shalt  }
0x70: {  	_ =	shalt  }
0x71: {  	_ =	shalt  }
0x72: {  	_ =	shalt  }
0x73: {  	_ =	shalt  }
0x74: {  	_ =	shalt  }
0x75: {  	_ =	shalt  }
0x76: {  	_ =	shalt  }
0x77: {  	_ =	shalt  }
0x78: {  	_ =	shalt  }
0x79: {  	_ =	shalt  }
0x7a: {  	_ =	shalt  }
0x7b: {  	_ =	shalt  }
0x7c: {  	_ =	shalt  }
0x7d: {  	_ =	shalt  }
0x7e: {  	_ =	shalt  }
0x7f: {  	_ =	shalt  }
0x80: {  	_ =	shalt  }
0x81: {  	_ =	shalt  }
0x82: {  	_ =	shalt  }
0x83: {  	_ =	shalt  }
0x84: {  	_ =	shalt  }
0x85: {  	_ =	shalt  }
0x86: {  	_ =	shalt  }
0x87: {  	_ =	shalt  }
.Lfunc_end0:
.L_simem_size_0:
called_computation_lowered:
.L_overlay_start_0:
0x88: {  	s2 =	sld [smem:$0x3FD9]  }
0x89: {  	s3 =	sld [smem:$0x3FFE];
	_ =	sdelay $0x1  }
0x8a: {  	s1 =	srdreg.scid  }
0x8b: {  	s0 =	sand.u32 $0x1, s1  }
0x8c: {  	s17 =	sshll.u32 s0, $0xA;
	s2 =	sadd.s32 s3, s2  }
0x8d: {  	s2 =	sadd.s32 s2, s17  }
0x8e: {  	[smem:$0x3FC4] =	sst s2  }
0x8f: {  	_ = 	snop  }
0x90: {  	s2 =	sld [smem:$0x3FD0];
	(tm) =	ssettm $0x1  }
0x91: {  	s18 =	sld [smem:$0x3FFB];
	_ =	sdelay $0x3  }
0x92: {  	_ =	strace s18  }
0x93: {  	s3 =	sld [smem:$0x3FFC];
	_ =	sdelay $0x3  }
0x94: {  	_ =	strace s3  }
0x95: {  	s3 =	sld [smem:$0x3FFD];
	_ =	sdelay $0x3  }
0x96: {  	_ =	strace s3  }
0x97: {  	_ =	strace $0x8FFFFFFF  }
0x98: {  	s19 =	sld [smem:$0x3FDB];
	_ =	sdelay $0x1  }
0x99: {  	s4 =	simm.s32 $_scs_section_size  }
0x9a: {  	s5 =	simm.s32 $_size__tile_overlayer_lowered;
	s6 =	simm.s32 $_tile_overlayer_lowered  }
0x9b: {  	s22 =	simm.s32 $0x1BFF;
	s21 =	sshll.u32 s6, $0x1;
	s3 =	sadd.s32 s4, s19  }
0x9c: {  	s7 =	simm.s32 $0x0;
	s20 =	sshll.u32 s5, $0x1;
	s5 =	sadd.s32 s21, s3  }
0x9d: {  	[timem:s7], [sflag:s22] =	dma.local [hbm:s5], s20  }
0x9e: {  	_ =	swait.ge [sflag:s22], s20  }
0x9f: {  	s4 =	ssub.s32 $0x0, s20;
	[sflag:s22] =	ssyncset.done $0x0  }
0xa0: {  	[sflag:s22] =	ssyncadd.s32 s4;
	_ =	sdelay $0x1  }
0xa1: {  	s23 =	simm.s32 $0x1B8B  }
0xa2: {  	_ =	swait.ge [sflag:s23], $0x1  }
0xa3: {  	[sflag:s23] =	ssyncset.done $0x0  }
0xa4: {  	s25 =	simm.s32 $0x1B8E;
	s24 =	sld [smem:$0x3FFE];
	[sflag:s23] =	ssyncadd.s32 $0xFFFFFFFF  }
0xa5: {  	s26 =	simm.s32 $execute0_lowered;
	[smem:$0x3FD2] =	sst s25  }
0xa6: {  	s5 =	sshll.u32 s26, $0x1;
	_ =	strace $0x80000046;
	[dreg:$0x1] =	wrdreg $0xFFFFFFFF  }
0xa7: {  	s28 =	simm.s32 $_size_execute0_lowered;
	s3 =	sadd.s32 s3, s5;
	[dreg:$0x0] =	wrdreg $0x0  }
0xa8: {  	s5 =	sshll.u32 s28, $0x1;
	[dreg:$0x2] =	wrdreg s3  }
0xa9: {  	[dreg:$0x3] =	wrdreg s5  }
0xaa: {  	[dreg:$0x4] =	wrdreg $0xC0  }
0xab: {  	_ =	task [dreg:s7], $0x5FFFF  }
0xac: {  	[dreg:$0x1] =	wrdreg $0xFFFFFFFF  }
0xad: {  	[dreg:$0x0] =	wrdreg $0x60  }
0xae: {  	[dreg:$0x2] =	wrdreg s24  }
0xaf: {  	[dreg:$0x3] =	wrdreg s2  }
0xb0: {  	[dreg:$0x4] =	wrdreg $0x9  }
0xb1: {  	_ =	task.clear_ibuf [dreg:s7], $0x5FFFF;
	_ =	strace $0x90000046  }
0xb2: {  	s29 =	simm.s32 $0x9;
	_ =	strace $0x80000048  }
0xb3: {  	_ =	swait.ge [sflag:s29], $0x1  }
0xb4: {  	[sflag:s29] =	ssyncadd.s32 $0xFFFFFFFF  }
0xb5: {  	_ =	strace $0x90000048  }
0xb6: {  	_ =	sfence  }
0xb7: {  	s30 =	sld [smem:$0x0];
	_ =	sdelay $0x2  }
0xb8: {  	s31 =	sshll.u32 s1, $0xD;
	s1 =	sshrl.u32 s1, $0x2  }
0xb9: {  	s3 =	sand.u32 $0x4000, s31;
	s1 =	sadd.s32 s1, s30  }
0xba: {  	s0 =	sor.u32 s3, s0;
	s1 =	sshll.u32 s1, $0x11  }
0xbb: {  	s0 =	sor.u32 s1, s0  }
0xbc: {  	s0 =	sadd.s32 $0x8F2B, s0  }
0xbd: {  	[sflag:s0] =	ssyncadd.remote.s32 $0x1  }
0xbe: {  	_ =	sfence.sel $0xFFFF  }
0xbf: {  	[dreg:$0x0] =	wrdreg $0xFFFFFFFF;
	(pc) =	sbr.abs _section_cstart, $3  }
0xc0: {  	[dreg:$0x1] =	wrdreg $0xFFFFFFFF  }
0xc1: {  	_ =	task.clear_ibuf [dreg:s7], $0x2FFFF;
	_ =	strace $0x9FFFFFFF  }
0xc2: {  	(tm) =	ssettm $0x7FFFFFFF  }
0xc3: {  	_ =	shalt  }
tec
execute0_lowered:
.L_overlay_start_1:
0x0: {  	(tag) =	ssettag $0x1  }
0x1: {  	s4 =	rddreg [dreg:$0x0]  }
0x2: {  	s6 =	rddreg [dreg:$0x1];
	s2 =	simm.s32 $0x0;
	s1 =	stileid.u32  }
0x3: {  	s7 =	srdreg.scid;
	[smem:$0x7FF] =	sst s2;
	s5 =	sshll.u32 s1, $0x8  }
0x4: {  	s3 =	sadd.s32 $0xE00, s4;
	s26 =	sand.u32 $0x1, s7;
	s28 =	sshll.u32 s1, $0x5  }
0x5: {  	s9 =	sshll.u32 s1, $0x15;
	_ =	strace $0x80000047;
	s5 =	sand.u32 $0xC00, s5  }
0x6: {  	s8 =	sshll.u32 s26, $0x4;
	s10 =	sshll.u32 s26, $0x14;
	s4 =	sadd.s32 s5, s4  }
0x7: {  	s5 =	ssub.s32 $0x2, s26;
	s7 =	sor.u32 s8, s28;
	s29 =	sor.u32 s10, s9  }
0x8: {  	s9 =	simm.s32 $0x1;
	s30 =	sshrl.u32 s5, $0x1;
	s7 =	sand.u32 $0x70, s7  }
0x9: {  	s10 =	sor.u32 $0x2000, s29;
	s8 =	sshrl.u32 s29, $0x3;
	s5 =	ssub.s32 s5, s30  }
0xa: {  	s4 =	sadd.s32 s7, s4;
	s31 =	sshrl.u32 s10, $0x3;
	s10 =	simm.s32 $0x0  }
0xb: {  	s4 =	sadd.s32 $0x1600, s4;
	s7 =	sadd.s32 s31, s6;
	s5 =	smax.u32 s5, $0x1  }
0xc: {  	s6 =	sadd.s32 s8, s6;
	s8 =	simm.s32 $0x400;
	[dreg:$0x4] =	wrdreg s7  }
0xd: {  	[dreg:$0x3] =	wrdreg s6;
	s6 =	simm.s32 $0x2;
	s7 =	simm.s32 $0x80  }
.LBB2_1:
0xe: {  	[tilespmem:s2], [sflag:$0x2] =	stream.linear.gather [hbm4b:s3+s2], $0x4000, $0x38;
	[tilespmem:$0x4400] =	vst v63  }
0xf: {  	_ =	swait.ge [sflag:s6], $0x4000  }
0x10: {  	[sflag:s6] =	ssyncset.done $0x0  }
0x11: {  	s11 =	simm.s32 $0x4000;
	[sflag:s6] =	ssyncadd.s32 $0xFFFFC000  }
0x12: {  	[tilespmem:s11], [sflag:$0x2] =	stream.strided.gather [hbm4b:s4+s7], $0x400, s8, s7, $0x38;
	[tilespmem:$0x4400] =	vst v63  }
0x13: {  	_ =	swait.ge [sflag:s6], $0x400  }
0x14: {  	[sflag:s6] =	ssyncset.done $0x0  }
0x15: {  	[sflag:s6] =	ssyncadd.s32 $0xFFFFFC00  }
0x16: {  	v0 =	vld [tilespmem:s11+$0x0];
	_ =	sdelay $0x4  }
0x17: {  	(v2sf) =	vpush v0, $0x0;
	_ =	sdelay $0x8  }
0x18: {  	(v2sf) =	vpush v0, $0x1;
	_ =	sdelay $0x5  }
0x19: {  	s12 =	spop (v2sf)  }
0x1a: {  	s13 =	sshll.u32 s12, $0xA;
	s12 =	sshll.u32 s12, $0x7  }
0x1b: {  	s20 =	rddreg [dreg:$0x3];
	s13 =	sand.u32 $0xFFFFE000, s13;
	s12 =	sand.u32 $0x380, s12  }
0x1c: {  	s11 =	sadd.s32 $0x0, s20;
	s12 =	sor.u32 s12, s13  }
0x1d: {  	[hbm4b:s11+s2] =	stream.linear.scatter [tilespmem:s12], [sflag:$0x1], $0x80, $0x38;
	[tilespmem:$0x4400] =	vst v63  }
0x1e: {  	s21 =	sadd.s32 $0x80, s11;
	s14 =	sor.u32 $0x400, s12  }
0x1f: {  	[hbm4b:s21+s2] =	stream.linear.scatter [tilespmem:s14], [sflag:$0x1], $0x80, $0x38;
	[tilespmem:$0x4400] =	vst v63  }
0x20: {  	s23 =	sadd.s32 $0x100, s11;
	s22 =	sor.u32 $0x800, s12  }
0x21: {  	[hbm4b:s23+s2] =	stream.linear.scatter [tilespmem:s22], [sflag:$0x1], $0x80, $0x38;
	[tilespmem:$0x4400] =	vst v63  }
0x22: {  	s15 =	sadd.s32 $0x180, s11;
	s24 =	spop (v2sf);
	s25 =	sor.u32 $0xC00, s12  }
0x23: {  	(v2sf) =	vpush v0, $0x2;
	[hbm4b:s15+s2] =	stream.linear.scatter [tilespmem:s25], [sflag:$0x1], $0x80, $0x38;
	[tilespmem:$0x4400] =	vst v63  }
0x24: {  	s16 =	sadd.s32 $0x200, s11;
	s30 =	sadd.s32 $0x280, s11;
	s28 =	sor.u32 $0x1000, s12  }
0x25: {  	[hbm4b:s16+s2] =	stream.linear.scatter [tilespmem:s28], [sflag:$0x1], $0x80, $0x38;
	[tilespmem:$0x4400] =	vst v63  }
0x26: {  	s0 =	sadd.s32 $0x300, s11;
	s13 =	sshll.u32 s24, $0x7;
	s29 =	sor.u32 $0x1400, s12  }
0x27: {  	[hbm4b:s30+s2] =	stream.linear.scatter [tilespmem:s29], [sflag:$0x1], $0x80, $0x38;
	[tilespmem:$0x4400] =	vst v63  }
0x28: {  	s26 =	sshll.u32 s24, $0xA;
	s31 =	sor.u32 $0x1800, s12;
	s13 =	sand.u32 $0x380, s13  }
0x29: {  	[hbm4b:s0+s2] =	stream.linear.scatter [tilespmem:s31], [sflag:$0x1], $0x80, $0x38;
	[tilespmem:$0x4400] =	vst v63  }
0x2a: {  	s12 =	sor.u32 $0x1C00, s12;
	s14 =	sand.u32 $0xFFFFE000, s26;
	s16 =	sadd.s32 $0x380, s11  }
0x2b: {  	[hbm4b:s16+s2] =	stream.linear.scatter [tilespmem:s12], [sflag:$0x1], $0x80, $0x38;
	[tilespmem:$0x4400] =	vst v63  }
0x2c: {  	s17 =	sadd.s32 $0x10, s11;
	s13 =	sor.u32 s13, s14  }
0x2d: {  	[hbm4b:s17+s2] =	stream.linear.scatter [tilespmem:s13], [sflag:$0x1], $0x80, $0x38;
	[tilespmem:$0x4400] =	vst v63  }
0x2e: {  	s19 =	sadd.s32 $0x90, s11;
	s18 =	sor.u32 $0x400, s13  }
0x2f: {  	[hbm4b:s19+s2] =	stream.linear.scatter [tilespmem:s18], [sflag:$0x1], $0x80, $0x38;
	[tilespmem:$0x4400] =	vst v63  }
0x30: {  	s21 =	sadd.s32 $0x110, s11;
	s20 =	sor.u32 $0x800, s13  }
0x31: {  	[hbm4b:s21+s2] =	stream.linear.scatter [tilespmem:s20], [sflag:$0x1], $0x80, $0x38;
	[tilespmem:$0x4400] =	vst v63  }
0x32: {  	s24 =	sadd.s32 $0x190, s11;
	s23 =	sor.u32 $0xC00, s13;
	s22 =	spop (v2sf)  }
0x33: {  	(v2sf) =	vpush v0, $0x3;
	[hbm4b:s24+s2] =	stream.linear.scatter [tilespmem:s23], [sflag:$0x1], $0x80, $0x38;
	[tilespmem:$0x4400] =	vst v63  }
0x34: {  	s26 =	sor.u32 $0x1000, s13;
	s28 =	sadd.s32 $0x210, s11;
	s29 =	sor.u32 $0x1400, s13  }
0x35: {  	[hbm4b:s28+s2] =	stream.linear.scatter [tilespmem:s26], [sflag:$0x1], $0x80, $0x38;
	[tilespmem:$0x4400] =	vst v63  }
0x36: {  	s30 =	sadd.s32 $0x290, s11;
	s31 =	sor.u32 $0x1800, s13;
	s25 =	sshll.u32 s22, $0xA  }
0x37: {  	[hbm4b:s30+s2] =	stream.linear.scatter [tilespmem:s29], [sflag:$0x1], $0x80, $0x38;
	[tilespmem:$0x4400] =	vst v63  }
0x38: {  	s0 =	sadd.s32 $0x310, s11;
	s12 =	sshll.u32 s22, $0x7;
	s14 =	sand.u32 $0xFFFFE000, s25  }
0x39: {  	[hbm4b:s0+s2] =	stream.linear.scatter [tilespmem:s31], [sflag:$0x1], $0x80, $0x38;
	[tilespmem:$0x4400] =	vst v63  }
0x3a: {  	s16 =	sadd.s32 $0x390, s11;
	s12 =	sand.u32 $0x380, s12;
	s13 =	sor.u32 $0x1C00, s13  }
0x3b: {  	[hbm4b:s16+s2] =	stream.linear.scatter [tilespmem:s13], [sflag:$0x1], $0x80, $0x38;
	[tilespmem:$0x4400] =	vst v63  }
0x3c: {  	s17 =	sadd.s32 $0x20, s11;
	s12 =	sor.u32 s12, s14  }
0x3d: {  	[hbm4b:s17+s2] =	stream.linear.scatter [tilespmem:s12], [sflag:$0x1], $0x80, $0x38;
	[tilespmem:$0x4400] =	vst v63  }
0x3e: {  	s18 =	sor.u32 $0x400, s12;
	s19 =	sadd.s32 $0xA0, s11  }
0x3f: {  	[hbm4b:s19+s2] =	stream.linear.scatter [tilespmem:s18], [sflag:$0x1], $0x80, $0x38;
	[tilespmem:$0x4400] =	vst v63  }
0x40: {  	s20 =	sor.u32 $0x800, s12;
	s21 =	sadd.s32 $0x120, s11  }
0x41: {  	[hbm4b:s21+s2] =	stream.linear.scatter [tilespmem:s20], [sflag:$0x1], $0x80, $0x38;
	[tilespmem:$0x4400] =	vst v63  }
0x42: {  	s23 =	sor.u32 $0xC00, s12;
	s24 =	sadd.s32 $0x1A0, s11;
	s22 =	spop (v2sf)  }
0x43: {  	(v2sf) =	vpush v0, $0x4;
	[hbm4b:s24+s2] =	stream.linear.scatter [tilespmem:s23], [sflag:$0x1], $0x80, $0x38;
	[tilespmem:$0x4400] =	vst v63  }
0x44: {  	s26 =	sor.u32 $0x1000, s12;
	s28 =	sadd.s32 $0x220, s11;
	s29 =	sor.u32 $0x1400, s12  }
0x45: {  	[hbm4b:s28+s2] =	stream.linear.scatter [tilespmem:s26], [sflag:$0x1], $0x80, $0x38;
	[tilespmem:$0x4400] =	vst v63  }
0x46: {  	s30 =	sadd.s32 $0x2A0, s11;
	s25 =	sshll.u32 s22, $0xA;
	s31 =	sor.u32 $0x1800, s12  }
0x47: {  	[hbm4b:s30+s2] =	stream.linear.scatter [tilespmem:s29], [sflag:$0x1], $0x80, $0x38;
	[tilespmem:$0x4400] =	vst v63  }
0x48: {  	s0 =	sadd.s32 $0x320, s11;
	s14 =	sand.u32 $0xFFFFE000, s25;
	s13 =	sshll.u32 s22, $0x7  }
0x49: {  	[hbm4b:s0+s2] =	stream.linear.scatter [tilespmem:s31], [sflag:$0x1], $0x80, $0x38;
	[tilespmem:$0x4400] =	vst v63  }
0x4a: {  	s16 =	sadd.s32 $0x3A0, s11;
	s13 =	sand.u32 $0x380, s13;
	s12 =	sor.u32 $0x1C00, s12  }
0x4b: {  	[hbm4b:s16+s2] =	stream.linear.scatter [tilespmem:s12], [sflag:$0x1], $0x80, $0x38;
	[tilespmem:$0x4400] =	vst v63  }
0x4c: {  	s17 =	sadd.s32 $0x30, s11;
	s12 =	sor.u32 s13, s14  }
0x4d: {  	[hbm4b:s17+s2] =	stream.linear.scatter [tilespmem:s12], [sflag:$0x1], $0x80, $0x38;
	[tilespmem:$0x4400] =	vst v63  }
0x4e: {  	s19 =	sadd.s32 $0xB0, s11;
	s18 =	sor.u32 $0x400, s12  }
0x4f: {  	[hbm4b:s19+s2] =	stream.linear.scatter [tilespmem:s18], [sflag:$0x1], $0x80, $0x38;
	[tilespmem:$0x4400] =	vst v63  }
0x50: {  	s21 =	sadd.s32 $0x130, s11;
	s20 =	sor.u32 $0x800, s12  }
0x51: {  	[hbm4b:s21+s2] =	stream.linear.scatter [tilespmem:s20], [sflag:$0x1], $0x80, $0x38;
	[tilespmem:$0x4400] =	vst v63  }
0x52: {  	s24 =	sadd.s32 $0x1B0, s11;
	s22 =	spop (v2sf);
	s23 =	sor.u32 $0xC00, s12  }
0x53: {  	(v2sf) =	vpush v0, $0x5;
	[hbm4b:s24+s2] =	stream.linear.scatter [tilespmem:s23], [sflag:$0x1], $0x80, $0x38;
	[tilespmem:$0x4400] =	vst v63  }
0x54: {  	s28 =	sadd.s32 $0x230, s11;
	s30 =	sadd.s32 $0x2B0, s11;
	s26 =	sor.u32 $0x1000, s12  }
0x55: {  	[hbm4b:s28+s2] =	stream.linear.scatter [tilespmem:s26], [sflag:$0x1], $0x80, $0x38;
	[tilespmem:$0x4400] =	vst v63  }
0x56: {  	s25 =	sshll.u32 s22, $0xA;
	s0 =	sadd.s32 $0x330, s11;
	s29 =	sor.u32 $0x1400, s12  }
0x57: {  	[hbm4b:s30+s2] =	stream.linear.scatter [tilespmem:s29], [sflag:$0x1], $0x80, $0x38;
	[tilespmem:$0x4400] =	vst v63  }
0x58: {  	s14 =	sand.u32 $0xFFFFE000, s25;
	s13 =	sshll.u32 s22, $0x7;
	s31 =	sor.u32 $0x1800, s12  }
0x59: {  	[hbm4b:s0+s2] =	stream.linear.scatter [tilespmem:s31], [sflag:$0x1], $0x80, $0x38;
	[tilespmem:$0x4400] =	vst v63  }
0x5a: {  	s16 =	sadd.s32 $0x3B0, s11;
	s13 =	sand.u32 $0x380, s13;
	s12 =	sor.u32 $0x1C00, s12  }
0x5b: {  	[hbm4b:s16+s2] =	stream.linear.scatter [tilespmem:s12], [sflag:$0x1], $0x80, $0x38;
	[tilespmem:$0x4400] =	vst v63  }
0x5c: {  	s17 =	sadd.s32 $0x40, s11;
	s12 =	sor.u32 s13, s14  }
0x5d: {  	[hbm4b:s17+s2] =	stream.linear.scatter [tilespmem:s12], [sflag:$0x1], $0x80, $0x38;
	[tilespmem:$0x4400] =	vst v63  }
0x5e: {  	s19 =	sadd.s32 $0xC0, s11;
	s18 =	sor.u32 $0x400, s12  }
0x5f: {  	[hbm4b:s19+s2] =	stream.linear.scatter [tilespmem:s18], [sflag:$0x1], $0x80, $0x38;
	[tilespmem:$0x4400] =	vst v63  }
0x60: {  	s21 =	sadd.s32 $0x140, s11;
	s20 =	sor.u32 $0x800, s12  }
0x61: {  	[hbm4b:s21+s2] =	stream.linear.scatter [tilespmem:s20], [sflag:$0x1], $0x80, $0x38;
	[tilespmem:$0x4400] =	vst v63  }
0x62: {  	s24 =	sadd.s32 $0x1C0, s11;
	s22 =	spop (v2sf);
	s23 =	sor.u32 $0xC00, s12  }
0x63: {  	(v2sf) =	vpush v0, $0x6;
	[hbm4b:s24+s2] =	stream.linear.scatter [tilespmem:s23], [sflag:$0x1], $0x80, $0x38;
	[tilespmem:$0x4400] =	vst v63  }
0x64: {  	s28 =	sadd.s32 $0x240, s11;
	s25 =	sshll.u32 s22, $0xA;
	s26 =	sor.u32 $0x1000, s12  }
0x65: {  	[hbm4b:s28+s2] =	stream.linear.scatter [tilespmem:s26], [sflag:$0x1], $0x80, $0x38;
	[tilespmem:$0x4400] =	vst v63  }
0x66: {  	s30 =	sadd.s32 $0x2C0, s11;
	s0 =	sadd.s32 $0x340, s11;
	s29 =	sor.u32 $0x1400, s12  }
0x67: {  	[hbm4b:s30+s2] =	stream.linear.scatter [tilespmem:s29], [sflag:$0x1], $0x80, $0x38;
	[tilespmem:$0x4400] =	vst v63  }
0x68: {  	s13 =	sshll.u32 s22, $0x7;
	s14 =	sand.u32 $0xFFFFE000, s25;
	s31 =	sor.u32 $0x1800, s12  }
0x69: {  	[hbm4b:s0+s2] =	stream.linear.scatter [tilespmem:s31], [sflag:$0x1], $0x80, $0x38;
	[tilespmem:$0x4400] =	vst v63  }
0x6a: {  	s16 =	sadd.s32 $0x3C0, s11;
	s13 =	sand.u32 $0x380, s13;
	s12 =	sor.u32 $0x1C00, s12  }
0x6b: {  	[hbm4b:s16+s2] =	stream.linear.scatter [tilespmem:s12], [sflag:$0x1], $0x80, $0x38;
	[tilespmem:$0x4400] =	vst v63  }
0x6c: {  	s17 =	sadd.s32 $0x50, s11;
	s12 =	sor.u32 s13, s14  }
0x6d: {  	[hbm4b:s17+s2] =	stream.linear.scatter [tilespmem:s12], [sflag:$0x1], $0x80, $0x38;
	[tilespmem:$0x4400] =	vst v63  }
0x6e: {  	s19 =	sadd.s32 $0xD0, s11;
	s18 =	sor.u32 $0x400, s12  }
0x6f: {  	[hbm4b:s19+s2] =	stream.linear.scatter [tilespmem:s18], [sflag:$0x1], $0x80, $0x38;
	[tilespmem:$0x4400] =	vst v63  }
0x70: {  	s21 =	sadd.s32 $0x150, s11;
	s20 =	sor.u32 $0x800, s12  }
0x71: {  	[hbm4b:s21+s2] =	stream.linear.scatter [tilespmem:s20], [sflag:$0x1], $0x80, $0x38;
	[tilespmem:$0x4400] =	vst v63  }
0x72: {  	s24 =	sadd.s32 $0x1D0, s11;
	s22 =	spop (v2sf);
	s23 =	sor.u32 $0xC00, s12  }
0x73: {  	[hbm4b:s24+s2] =	stream.linear.scatter [tilespmem:s23], [sflag:$0x1], $0x80, $0x38;
	[tilespmem:$0x4400] =	vst v63  }
0x74: {  	s28 =	sadd.s32 $0x250, s11;
	s25 =	sshll.u32 s22, $0xA;
	s26 =	sor.u32 $0x1000, s12  }
0x75: {  	(v2sf) =	vpush v0, $0x7;
	[hbm4b:s28+s2] =	stream.linear.scatter [tilespmem:s26], [sflag:$0x1], $0x80, $0x38;
	[tilespmem:$0x4400] =	vst v63  }
0x76: {  	s30 =	sadd.s32 $0x2D0, s11;
	s0 =	sadd.s32 $0x350, s11;
	s29 =	sor.u32 $0x1400, s12  }
0x77: {  	[hbm4b:s30+s2] =	stream.linear.scatter [tilespmem:s29], [sflag:$0x1], $0x80, $0x38;
	[tilespmem:$0x4400] =	vst v63  }
0x78: {  	s13 =	sshll.u32 s22, $0x7;
	s14 =	sand.u32 $0xFFFFE000, s25;
	s31 =	sor.u32 $0x1800, s12  }
0x79: {  	[hbm4b:s0+s2] =	stream.linear.scatter [tilespmem:s31], [sflag:$0x1], $0x80, $0x38;
	[tilespmem:$0x4400] =	vst v63  }
0x7a: {  	s13 =	sand.u32 $0x380, s13;
	s12 =	sor.u32 $0x1C00, s12;
	s17 =	sadd.s32 $0x3D0, s11  }
0x7b: {  	[hbm4b:s17+s2] =	stream.linear.scatter [tilespmem:s12], [sflag:$0x1], $0x80, $0x38;
	[tilespmem:$0x4400] =	vst v63  }
0x7c: {  	s18 =	sor.u32 s13, s14;
	s19 =	sadd.s32 $0x60, s11  }
0x7d: {  	[hbm4b:s19+s2] =	stream.linear.scatter [tilespmem:s18], [sflag:$0x1], $0x80, $0x38;
	[tilespmem:$0x4400] =	vst v63  }
0x7e: {  	s20 =	sor.u32 $0x400, s18;
	s21 =	sadd.s32 $0xE0, s11  }
0x7f: {  	[hbm4b:s21+s2] =	stream.linear.scatter [tilespmem:s20], [sflag:$0x1], $0x80, $0x38;
	[tilespmem:$0x4400] =	vst v63  }
0x80: {  	s22 =	sor.u32 $0x800, s18;
	s23 =	sadd.s32 $0x160, s11  }
0x81: {  	(v2sf) =	vpush v0, $0x8;
	[hbm4b:s23+s2] =	stream.linear.scatter [tilespmem:s22], [sflag:$0x1], $0x80, $0x38;
	[tilespmem:$0x4400] =	vst v63  }
0x82: {  	s25 =	sor.u32 $0xC00, s18;
	s16 =	sor.u32 $0x1800, s18;
	s26 =	sadd.s32 $0x1E0, s11  }
0x83: {  	[hbm4b:s26+s2] =	stream.linear.scatter [tilespmem:s25], [sflag:$0x1], $0x80, $0x38;
	[tilespmem:$0x4400] =	vst v63  }
0x84: {  	s24 =	spop (v2sf);
	s29 =	sor.u32 $0x1000, s18;
	s30 =	sadd.s32 $0x260, s11  }
0x85: {  	[hbm4b:s30+s2] =	stream.linear.scatter [tilespmem:s29], [sflag:$0x1], $0x80, $0x38;
	[tilespmem:$0x4400] =	vst v63  }
0x86: {  	s13 =	sshll.u32 s24, $0x7;
	s31 =	sor.u32 $0x1400, s18;
	s0 =	sadd.s32 $0x2E0, s11  }
0x87: {  	[hbm4b:s0+s2] =	stream.linear.scatter [tilespmem:s31], [sflag:$0x1], $0x80, $0x38;
	[tilespmem:$0x4400] =	vst v63  }
0x88: {  	s28 =	sshll.u32 s24, $0xA;
	s13 =	sand.u32 $0x380, s13;
	s17 =	sadd.s32 $0x360, s11  }
0x89: {  	[hbm4b:s17+s2] =	stream.linear.scatter [tilespmem:s16], [sflag:$0x1], $0x80, $0x38;
	[tilespmem:$0x4400] =	vst v63  }
0x8a: {  	s14 =	sand.u32 $0xFFFFE000, s28;
	s12 =	sor.u32 $0x1C00, s18;
	s18 =	sadd.s32 $0x3E0, s11  }
0x8b: {  	[hbm4b:s18+s2] =	stream.linear.scatter [tilespmem:s12], [sflag:$0x1], $0x80, $0x38;
	[tilespmem:$0x4400] =	vst v63  }
0x8c: {  	s19 =	sadd.s32 $0x70, s11;
	s12 =	sor.u32 s13, s14  }
0x8d: {  	[hbm4b:s19+s2] =	stream.linear.scatter [tilespmem:s12], [sflag:$0x1], $0x80, $0x38;
	[tilespmem:$0x4400] =	vst v63  }
0x8e: {  	s21 =	sadd.s32 $0xF0, s11;
	s20 =	sor.u32 $0x400, s12  }
0x8f: {  	[hbm4b:s21+s2] =	stream.linear.scatter [tilespmem:s20], [sflag:$0x1], $0x80, $0x38;
	[tilespmem:$0x4400] =	vst v63  }
0x90: {  	s24 =	sadd.s32 $0x170, s11;
	s22 =	spop (v2sf);
	s23 =	sor.u32 $0x800, s12  }
0x91: {  	[hbm4b:s24+s2] =	stream.linear.scatter [tilespmem:s23], [sflag:$0x1], $0x80, $0x38;
	[tilespmem:$0x4400] =	vst v63  }
0x92: {  	s28 =	sadd.s32 $0x1F0, s11;
	s25 =	sshll.u32 s22, $0xA;
	s26 =	sor.u32 $0xC00, s12  }
0x93: {  	(v2sf) =	vpush v0, $0x9;
	[hbm4b:s28+s2] =	stream.linear.scatter [tilespmem:s26], [sflag:$0x1], $0x80, $0x38;
	[tilespmem:$0x4400] =	vst v63  }
0x94: {  	s30 =	sadd.s32 $0x270, s11;
	s0 =	sadd.s32 $0x2F0, s11;
	s29 =	sor.u32 $0x1000, s12  }
0x95: {  	[hbm4b:s30+s2] =	stream.linear.scatter [tilespmem:s29], [sflag:$0x1], $0x80, $0x38;
	[tilespmem:$0x4400] =	vst v63  }
0x96: {  	s17 =	rddreg [dreg:$0x4];
	s13 =	sshll.u32 s22, $0x7;
	s31 =	sor.u32 $0x1400, s12  }
0x97: {  	[hbm4b:s0+s2] =	stream.linear.scatter [tilespmem:s31], [sflag:$0x1], $0x80, $0x38;
	[tilespmem:$0x4400] =	vst v63  }
0x98: {  	s14 =	sand.u32 $0xFFFFE000, s25;
	s18 =	sor.u32 $0x1800, s12;
	s19 =	sadd.s32 $0x370, s11  }
0x99: {  	[hbm4b:s19+s2] =	stream.linear.scatter [tilespmem:s18], [sflag:$0x1], $0x80, $0x38;
	[tilespmem:$0x4400] =	vst v63  }
0x9a: {  	s13 =	sand.u32 $0x380, s13;
	s12 =	sor.u32 $0x1C00, s12;
	s11 =	sadd.s32 $0x3F0, s11  }
0x9b: {  	[hbm4b:s11+s2] =	stream.linear.scatter [tilespmem:s12], [sflag:$0x1], $0x80, $0x38;
	[tilespmem:$0x4400] =	vst v63  }
0x9c: {  	s20 =	sor.u32 s13, s14;
	s12 =	sadd.s32 $0x0, s17  }
0x9d: {  	[hbm4b:s12+s2] =	stream.linear.scatter [tilespmem:s20], [sflag:$0x1], $0x80, $0x38;
	[tilespmem:$0x4400] =	vst v63  }
0x9e: {  	s13 =	sor.u32 $0x400, s20;
	s21 =	sadd.s32 $0x80, s12  }
0x9f: {  	[hbm4b:s21+s2] =	stream.linear.scatter [tilespmem:s13], [sflag:$0x1], $0x80, $0x38;
	[tilespmem:$0x4400] =	vst v63  }
0xa0: {  	s22 =	sor.u32 $0x800, s20;
	s23 =	sadd.s32 $0x100, s12  }
0xa1: {  	[hbm4b:s23+s2] =	stream.linear.scatter [tilespmem:s22], [sflag:$0x1], $0x80, $0x38;
	[tilespmem:$0x4400] =	vst v63  }
0xa2: {  	s25 =	sor.u32 $0xC00, s20;
	s24 =	spop (v2sf);
	s26 =	sadd.s32 $0x180, s12  }
0xa3: {  	(v2sf) =	vpush v0, $0xA;
	[hbm4b:s26+s2] =	stream.linear.scatter [tilespmem:s25], [sflag:$0x1], $0x80, $0x38;
	[tilespmem:$0x4400] =	vst v63  }
0xa4: {  	s16 =	sor.u32 $0x1800, s20;
	s29 =	sor.u32 $0x1000, s20;
	s30 =	sadd.s32 $0x200, s12  }
0xa5: {  	[hbm4b:s30+s2] =	stream.linear.scatter [tilespmem:s29], [sflag:$0x1], $0x80, $0x38;
	[tilespmem:$0x4400] =	vst v63  }
0xa6: {  	s28 =	sshll.u32 s24, $0xA;
	s31 =	sor.u32 $0x1400, s20;
	s0 =	sadd.s32 $0x280, s12  }
0xa7: {  	[hbm4b:s0+s2] =	stream.linear.scatter [tilespmem:s31], [sflag:$0x1], $0x80, $0x38;
	[tilespmem:$0x4400] =	vst v63  }
0xa8: {  	s14 =	sand.u32 $0xFFFFE000, s28;
	s17 =	sadd.s32 $0x300, s12;
	s13 =	sshll.u32 s24, $0x7  }
0xa9: {  	[hbm4b:s17+s2] =	stream.linear.scatter [tilespmem:s16], [sflag:$0x1], $0x80, $0x38;
	[tilespmem:$0x4400] =	vst v63  }
0xaa: {  	s11 =	sor.u32 $0x1C00, s20;
	s18 =	sadd.s32 $0x380, s12;
	s13 =	sand.u32 $0x380, s13  }
0xab: {  	[hbm4b:s18+s2] =	stream.linear.scatter [tilespmem:s11], [sflag:$0x1], $0x80, $0x38;
	[tilespmem:$0x4400] =	vst v63  }
0xac: {  	s19 =	sadd.s32 $0x10, s12;
	s11 =	sor.u32 s13, s14  }
0xad: {  	[hbm4b:s19+s2] =	stream.linear.scatter [tilespmem:s11], [sflag:$0x1], $0x80, $0x38;
	[tilespmem:$0x4400] =	vst v63  }
0xae: {  	s21 =	sadd.s32 $0x90, s12;
	s20 =	sor.u32 $0x400, s11  }
0xaf: {  	[hbm4b:s21+s2] =	stream.linear.scatter [tilespmem:s20], [sflag:$0x1], $0x80, $0x38;
	[tilespmem:$0x4400] =	vst v63  }
0xb0: {  	s23 =	sadd.s32 $0x110, s12;
	s22 =	sor.u32 $0x800, s11  }
0xb1: {  	[hbm4b:s23+s2] =	stream.linear.scatter [tilespmem:s22], [sflag:$0x1], $0x80, $0x38;
	[tilespmem:$0x4400] =	vst v63  }
0xb2: {  	s24 =	spop (v2sf);
	s26 =	sadd.s32 $0x190, s12;
	s25 =	sor.u32 $0xC00, s11  }
0xb3: {  	(v2sf) =	vpush v0, $0xB;
	[hbm4b:s26+s2] =	stream.linear.scatter [tilespmem:s25], [sflag:$0x1], $0x80, $0x38;
	[tilespmem:$0x4400] =	vst v63  }
0xb4: {  	s28 =	sshll.u32 s24, $0xA;
	s30 =	sadd.s32 $0x210, s12;
	s29 =	sor.u32 $0x1000, s11  }
0xb5: {  	[hbm4b:s30+s2] =	stream.linear.scatter [tilespmem:s29], [sflag:$0x1], $0x80, $0x38;
	[tilespmem:$0x4400] =	vst v63  }
0xb6: {  	s0 =	sadd.s32 $0x290, s12;
	s17 =	sadd.s32 $0x390, s12;
	s31 =	sor.u32 $0x1400, s11  }
0xb7: {  	[hbm4b:s0+s2] =	stream.linear.scatter [tilespmem:s31], [sflag:$0x1], $0x80, $0x38;
	[tilespmem:$0x4400] =	vst v63  }
0xb8: {  	s13 =	sshll.u32 s24, $0x7;
	s18 =	sadd.s32 $0x310, s12;
	s16 =	sor.u32 $0x1800, s11  }
0xb9: {  	[hbm4b:s18+s2] =	stream.linear.scatter [tilespmem:s16], [sflag:$0x1], $0x80, $0x38;
	[tilespmem:$0x4400] =	vst v63  }
0xba: {  	s14 =	sand.u32 $0xFFFFE000, s28;
	s13 =	sand.u32 $0x380, s13;
	s11 =	sor.u32 $0x1C00, s11  }
0xbb: {  	[hbm4b:s17+s2] =	stream.linear.scatter [tilespmem:s11], [sflag:$0x1], $0x80, $0x38;
	[tilespmem:$0x4400] =	vst v63  }
0xbc: {  	s19 =	sadd.s32 $0x20, s12;
	s13 =	sor.u32 s13, s14  }
0xbd: {  	[hbm4b:s19+s2] =	stream.linear.scatter [tilespmem:s13], [sflag:$0x1], $0x80, $0x38;
	[tilespmem:$0x4400] =	vst v63  }
0xbe: {  	s20 =	sor.u32 $0x400, s13;
	s21 =	sadd.s32 $0xA0, s12  }
0xbf: {  	[hbm4b:s21+s2] =	stream.linear.scatter [tilespmem:s20], [sflag:$0x1], $0x80, $0x38;
	[tilespmem:$0x4400] =	vst v63  }
0xc0: {  	s22 =	sor.u32 $0x800, s13;
	s23 =	sadd.s32 $0x120, s12  }
0xc1: {  	[hbm4b:s23+s2] =	stream.linear.scatter [tilespmem:s22], [sflag:$0x1], $0x80, $0x38;
	[tilespmem:$0x4400] =	vst v63  }
0xc2: {  	s24 =	spop (v2sf);
	s25 =	sor.u32 $0xC00, s13;
	s26 =	sadd.s32 $0x1A0, s12  }
0xc3: {  	(v2sf) =	vpush v0, $0xC;
	[hbm4b:s26+s2] =	stream.linear.scatter [tilespmem:s25], [sflag:$0x1], $0x80, $0x38;
	[tilespmem:$0x4400] =	vst v63  }
0xc4: {  	s28 =	sshll.u32 s24, $0xA;
	s29 =	sor.u32 $0x1000, s13;
	s30 =	sadd.s32 $0x220, s12  }
0xc5: {  	[hbm4b:s30+s2] =	stream.linear.scatter [tilespmem:s29], [sflag:$0x1], $0x80, $0x38;
	[tilespmem:$0x4400] =	vst v63  }
0xc6: {  	s14 =	sand.u32 $0xFFFFE000, s28;
	s31 =	sor.u32 $0x1400, s13;
	s0 =	sadd.s32 $0x2A0, s12  }
0xc7: {  	[hbm4b:s0+s2] =	stream.linear.scatter [tilespmem:s31], [sflag:$0x1], $0x80, $0x38;
	[tilespmem:$0x4400] =	vst v63  }
0xc8: {  	s16 =	sor.u32 $0x1800, s13;
	s11 =	sshll.u32 s24, $0x7;
	s17 =	sadd.s32 $0x320, s12  }
0xc9: {  	[hbm4b:s17+s2] =	stream.linear.scatter [tilespmem:s16], [sflag:$0x1], $0x80, $0x38;
	[tilespmem:$0x4400] =	vst v63  }
0xca: {  	s18 =	sadd.s32 $0x3A0, s12;
	s11 =	sand.u32 $0x380, s11;
	s13 =	sor.u32 $0x1C00, s13  }
0xcb: {  	[hbm4b:s18+s2] =	stream.linear.scatter [tilespmem:s13], [sflag:$0x1], $0x80, $0x38;
	[tilespmem:$0x4400] =	vst v63  }
0xcc: {  	s19 =	sadd.s32 $0x30, s12;
	s11 =	sor.u32 s11, s14  }
0xcd: {  	[hbm4b:s19+s2] =	stream.linear.scatter [tilespmem:s11], [sflag:$0x1], $0x80, $0x38;
	[tilespmem:$0x4400] =	vst v63  }
0xce: {  	s20 =	sor.u32 $0x400, s11;
	s21 =	sadd.s32 $0xB0, s12  }
0xcf: {  	[hbm4b:s21+s2] =	stream.linear.scatter [tilespmem:s20], [sflag:$0x1], $0x80, $0x38;
	[tilespmem:$0x4400] =	vst v63  }
0xd0: {  	s22 =	sor.u32 $0x800, s11;
	s23 =	sadd.s32 $0x130, s12  }
0xd1: {  	[hbm4b:s23+s2] =	stream.linear.scatter [tilespmem:s22], [sflag:$0x1], $0x80, $0x38;
	[tilespmem:$0x4400] =	vst v63  }
0xd2: {  	s24 =	spop (v2sf);
	s25 =	sor.u32 $0xC00, s11;
	s26 =	sadd.s32 $0x1B0, s12  }
0xd3: {  	(v2sf) =	vpush v0, $0xD;
	[hbm4b:s26+s2] =	stream.linear.scatter [tilespmem:s25], [sflag:$0x1], $0x80, $0x38;
	[tilespmem:$0x4400] =	vst v63  }
0xd4: {  	s28 =	sshll.u32 s24, $0xA;
	s29 =	sor.u32 $0x1000, s11;
	s30 =	sadd.s32 $0x230, s12  }
0xd5: {  	[hbm4b:s30+s2] =	stream.linear.scatter [tilespmem:s29], [sflag:$0x1], $0x80, $0x38;
	[tilespmem:$0x4400] =	vst v63  }
0xd6: {  	s14 =	sand.u32 $0xFFFFE000, s28;
	s31 =	sor.u32 $0x1400, s11;
	s0 =	sadd.s32 $0x2B0, s12  }
0xd7: {  	[hbm4b:s0+s2] =	stream.linear.scatter [tilespmem:s31], [sflag:$0x1], $0x80, $0x38;
	[tilespmem:$0x4400] =	vst v63  }
0xd8: {  	s16 =	sor.u32 $0x1800, s11;
	s17 =	sadd.s32 $0x330, s12;
	s13 =	sshll.u32 s24, $0x7  }
0xd9: {  	[hbm4b:s17+s2] =	stream.linear.scatter [tilespmem:s16], [sflag:$0x1], $0x80, $0x38;
	[tilespmem:$0x4400] =	vst v63  }
0xda: {  	s18 =	sadd.s32 $0x3B0, s12;
	s13 =	sand.u32 $0x380, s13;
	s11 =	sor.u32 $0x1C00, s11  }
0xdb: {  	[hbm4b:s18+s2] =	stream.linear.scatter [tilespmem:s11], [sflag:$0x1], $0x80, $0x38;
	[tilespmem:$0x4400] =	vst v63  }
0xdc: {  	s19 =	sadd.s32 $0x40, s12;
	s13 =	sor.u32 s13, s14  }
0xdd: {  	[hbm4b:s19+s2] =	stream.linear.scatter [tilespmem:s13], [sflag:$0x1], $0x80, $0x38;
	[tilespmem:$0x4400] =	vst v63  }
0xde: {  	s20 =	sor.u32 $0x400, s13;
	s21 =	sadd.s32 $0xC0, s12  }
0xdf: {  	[hbm4b:s21+s2] =	stream.linear.scatter [tilespmem:s20], [sflag:$0x1], $0x80, $0x38;
	[tilespmem:$0x4400] =	vst v63  }
0xe0: {  	s22 =	sor.u32 $0x800, s13;
	s23 =	sadd.s32 $0x140, s12  }
0xe1: {  	[hbm4b:s23+s2] =	stream.linear.scatter [tilespmem:s22], [sflag:$0x1], $0x80, $0x38;
	[tilespmem:$0x4400] =	vst v63  }
0xe2: {  	s24 =	spop (v2sf);
	s25 =	sor.u32 $0xC00, s13;
	s26 =	sadd.s32 $0x1C0, s12  }
0xe3: {  	(v2sf) =	vpush v0, $0xE;
	[hbm4b:s26+s2] =	stream.linear.scatter [tilespmem:s25], [sflag:$0x1], $0x80, $0x38;
	[tilespmem:$0x4400] =	vst v63  }
0xe4: {  	s28 =	sshll.u32 s24, $0xA;
	s29 =	sor.u32 $0x1000, s13;
	s30 =	sadd.s32 $0x240, s12  }
0xe5: {  	[hbm4b:s30+s2] =	stream.linear.scatter [tilespmem:s29], [sflag:$0x1], $0x80, $0x38;
	[tilespmem:$0x4400] =	vst v63  }
0xe6: {  	s14 =	sand.u32 $0xFFFFE000, s28;
	s31 =	sor.u32 $0x1400, s13;
	s0 =	sadd.s32 $0x2C0, s12  }
0xe7: {  	[hbm4b:s0+s2] =	stream.linear.scatter [tilespmem:s31], [sflag:$0x1], $0x80, $0x38;
	[tilespmem:$0x4400] =	vst v63  }
0xe8: {  	s16 =	sor.u32 $0x1800, s13;
	s17 =	sadd.s32 $0x340, s12;
	s11 =	sshll.u32 s24, $0x7  }
0xe9: {  	[hbm4b:s17+s2] =	stream.linear.scatter [tilespmem:s16], [sflag:$0x1], $0x80, $0x38;
	[tilespmem:$0x4400] =	vst v63  }
0xea: {  	s18 =	sadd.s32 $0x3C0, s12;
	s11 =	sand.u32 $0x380, s11;
	s13 =	sor.u32 $0x1C00, s13  }
0xeb: {  	[hbm4b:s18+s2] =	stream.linear.scatter [tilespmem:s13], [sflag:$0x1], $0x80, $0x38;
	[tilespmem:$0x4400] =	vst v63  }
0xec: {  	s11 =	sor.u32 s11, s14;
	s19 =	sadd.s32 $0x50, s12  }
0xed: {  	[hbm4b:s19+s2] =	stream.linear.scatter [tilespmem:s11], [sflag:$0x1], $0x80, $0x38;
	[tilespmem:$0x4400] =	vst v63  }
0xee: {  	s20 =	sor.u32 $0x400, s11;
	s21 =	sadd.s32 $0xD0, s12  }
0xef: {  	[hbm4b:s21+s2] =	stream.linear.scatter [tilespmem:s20], [sflag:$0x1], $0x80, $0x38;
	[tilespmem:$0x4400] =	vst v63  }
0xf0: {  	s22 =	sor.u32 $0x800, s11;
	s23 =	sadd.s32 $0x150, s12  }
0xf1: {  	[hbm4b:s23+s2] =	stream.linear.scatter [tilespmem:s22], [sflag:$0x1], $0x80, $0x38;
	[tilespmem:$0x4400] =	vst v63  }
0xf2: {  	s24 =	spop (v2sf);
	s25 =	sor.u32 $0xC00, s11;
	s26 =	sadd.s32 $0x1D0, s12  }
0xf3: {  	(v2sf) =	vpush v0, $0xF;
	[hbm4b:s26+s2] =	stream.linear.scatter [tilespmem:s25], [sflag:$0x1], $0x80, $0x38;
	[tilespmem:$0x4400] =	vst v63  }
0xf4: {  	s28 =	sshll.u32 s24, $0xA;
	s29 =	sor.u32 $0x1000, s11;
	s30 =	sadd.s32 $0x250, s12  }
0xf5: {  	[hbm4b:s30+s2] =	stream.linear.scatter [tilespmem:s29], [sflag:$0x1], $0x80, $0x38;
	[tilespmem:$0x4400] =	vst v63  }
0xf6: {  	s14 =	sand.u32 $0xFFFFE000, s28;
	s31 =	sor.u32 $0x1400, s11;
	s0 =	sadd.s32 $0x2D0, s12  }
0xf7: {  	[hbm4b:s0+s2] =	stream.linear.scatter [tilespmem:s31], [sflag:$0x1], $0x80, $0x38;
	[tilespmem:$0x4400] =	vst v63  }
0xf8: {  	s16 =	sor.u32 $0x1800, s11;
	s17 =	sadd.s32 $0x350, s12;
	s13 =	sshll.u32 s24, $0x7  }
0xf9: {  	[hbm4b:s17+s2] =	stream.linear.scatter [tilespmem:s16], [sflag:$0x1], $0x80, $0x38;
	[tilespmem:$0x4400] =	vst v63  }
0xfa: {  	s18 =	sadd.s32 $0x3D0, s12;
	s13 =	sand.u32 $0x380, s13;
	s11 =	sor.u32 $0x1C00, s11  }
0xfb: {  	[hbm4b:s18+s2] =	stream.linear.scatter [tilespmem:s11], [sflag:$0x1], $0x80, $0x38;
	[tilespmem:$0x4400] =	vst v63  }
0xfc: {  	s19 =	sadd.s32 $0x60, s12;
	s13 =	sor.u32 s13, s14  }
0xfd: {  	[hbm4b:s19+s2] =	stream.linear.scatter [tilespmem:s13], [sflag:$0x1], $0x80, $0x38;
	[tilespmem:$0x4400] =	vst v63  }
0xfe: {  	s20 =	sor.u32 $0x400, s13;
	s21 =	sadd.s32 $0xE0, s12  }
0xff: {  	[hbm4b:s21+s2] =	stream.linear.scatter [tilespmem:s20], [sflag:$0x1], $0x80, $0x38;
	[tilespmem:$0x4400] =	vst v63  }
0x100: {  	s22 =	sor.u32 $0x800, s13;
	s23 =	sadd.s32 $0x160, s12  }
0x101: {  	[hbm4b:s23+s2] =	stream.linear.scatter [tilespmem:s22], [sflag:$0x1], $0x80, $0x38;
	[tilespmem:$0x4400] =	vst v63  }
0x102: {  	s24 =	spop (v2sf);
	s25 =	sor.u32 $0xC00, s13;
	s26 =	sadd.s32 $0x1E0, s12  }
0x103: {  	[hbm4b:s26+s2] =	stream.linear.scatter [tilespmem:s25], [sflag:$0x1], $0x80, $0x38;
	[tilespmem:$0x4400] =	vst v63  }
0x104: {  	s28 =	sshll.u32 s24, $0xA;
	s29 =	sor.u32 $0x1000, s13;
	s30 =	sadd.s32 $0x260, s12  }
0x105: {  	[hbm4b:s30+s2] =	stream.linear.scatter [tilespmem:s29], [sflag:$0x1], $0x80, $0x38;
	[tilespmem:$0x4400] =	vst v63  }
0x106: {  	s14 =	sand.u32 $0xFFFFE000, s28;
	s31 =	sor.u32 $0x1400, s13;
	s0 =	sadd.s32 $0x2E0, s12  }
0x107: {  	[hbm4b:s0+s2] =	stream.linear.scatter [tilespmem:s31], [sflag:$0x1], $0x80, $0x38;
	[tilespmem:$0x4400] =	vst v63  }
0x108: {  	s17 =	sor.u32 $0x1800, s13;
	s11 =	sshll.u32 s24, $0x7;
	s18 =	sadd.s32 $0x360, s12  }
0x109: {  	[hbm4b:s18+s2] =	stream.linear.scatter [tilespmem:s17], [sflag:$0x1], $0x80, $0x38;
	[tilespmem:$0x4400] =	vst v63  }
0x10a: {  	s11 =	sand.u32 $0x380, s11;
	s13 =	sor.u32 $0x1C00, s13;
	s19 =	sadd.s32 $0x3E0, s12  }
0x10b: {  	[hbm4b:s19+s2] =	stream.linear.scatter [tilespmem:s13], [sflag:$0x1], $0x80, $0x38;
	[tilespmem:$0x4400] =	vst v63  }
0x10c: {  	s16 =	sadd.s32 $0x370, s12;
	s20 =	sadd.s32 $0x70, s12;
	s21 =	sor.u32 s11, s14  }
0x10d: {  	[hbm4b:s20+s2] =	stream.linear.scatter [tilespmem:s21], [sflag:$0x1], $0x80, $0x38;
	[tilespmem:$0x4400] =	vst v63  }
0x10e: {  	s24 =	sadd.s32 $0x170, s12;
	s11 =	sor.u32 $0x400, s21;
	s22 =	sadd.s32 $0xF0, s12  }
0x10f: {  	[hbm4b:s22+s2] =	stream.linear.scatter [tilespmem:s11], [sflag:$0x1], $0x80, $0x38;
	[tilespmem:$0x4400] =	vst v63  }
0x110: {  	s28 =	sor.u32 $0x1000, s21;
	s14 =	sor.u32 $0x1800, s21;
	s23 =	sor.u32 $0x800, s21  }
0x111: {  	[hbm4b:s24+s2] =	stream.linear.scatter [tilespmem:s23], [sflag:$0x1], $0x80, $0x38;
	[tilespmem:$0x4400] =	vst v63  }
0x112: {  	s15 =	sor.u32 $0x1C00, s21;
	s25 =	sor.u32 $0xC00, s21;
	s26 =	sadd.s32 $0x1F0, s12  }
0x113: {  	[hbm4b:s26+s2] =	stream.linear.scatter [tilespmem:s25], [sflag:$0x1], $0x80, $0x38;
	[tilespmem:$0x4400] =	vst v63  }
0x114: {  	s29 =	sadd.s32 $0x270, s12;
	s30 =	sor.u32 $0x1400, s21;
	s31 =	sadd.s32 $0x2F0, s12  }
0x115: {  	[hbm4b:s29+s2] =	stream.linear.scatter [tilespmem:s28], [sflag:$0x1], $0x80, $0x38;
	[tilespmem:$0x4400] =	vst v63  }
0x116: {  	s17 =	sadd.s32 $0x3F0, s12;
	s12 =	simm.s32 $0x4010;
	s11 =	simm.s32 $0x800  }
0x117: {  	[hbm4b:s31+s2] =	stream.linear.scatter [tilespmem:s30], [sflag:$0x1], $0x80, $0x38;
	[tilespmem:$0x4400] =	vst v63  }
.LBB2_2:
0x118: {  	[hbm4b:s16+s2] =	stream.linear.scatter [tilespmem:s14], [sflag:$0x1], $0x80, $0x38;
	[tilespmem:$0x4400] =	vst v63  }
0x119: {  	_ = 	snop  }
0x11a: {  	[hbm4b:s17+s2] =	stream.linear.scatter [tilespmem:s15], [sflag:$0x1], $0x80, $0x38;
	[tilespmem:$0x4400] =	vst v63  }
0x11b: {  	v0 =	vld [tilespmem:s12+$0x0];
	_ =	sdelay $0x4  }
0x11c: {  	(v2sf) =	vpush v0, $0x0;
	_ =	sdelay $0xa  }
0x11d: {  	(v2sf) =	vpush v0, $0x1;
	_ =	sdelay $0x3  }
0x11e: {  	(v2sf) =	vpush v0, $0x2;
	s20 =	spop (v2sf)  }
0x11f: {  	s13 =	smov.u32 s11;
	s21 =	sshll.u32 s20, $0xA;
	s15 =	sshll.u32 s20, $0x7  }
0x120: {  	s19 =	rddreg [dreg:$0x3];
	s16 =	sand.u32 $0xFFFFE000, s21;
	s15 =	sand.u32 $0x380, s15  }
0x121: {  	s14 =	sadd.s32 s13, s19;
	s15 =	sor.u32 s15, s16  }
0x122: {  	[hbm4b:s14+s2] =	stream.linear.scatter [tilespmem:s15], [sflag:$0x1], $0x80, $0x38;
	[tilespmem:$0x4400] =	vst v63  }
0x123: {  	s23 =	sadd.s32 $0x80, s14;
	s19 =	sor.u32 $0x400, s15  }
0x124: {  	[hbm4b:s23+s2] =	stream.linear.scatter [tilespmem:s19], [sflag:$0x1], $0x80, $0x38;
	[tilespmem:$0x4400] =	vst v63  }
0x125: {  	s25 =	sadd.s32 $0x180, s14;
	s21 =	sadd.s32 $0x100, s14;
	s20 =	sor.u32 $0x800, s15  }
0x126: {  	[hbm4b:s21+s2] =	stream.linear.scatter [tilespmem:s20], [sflag:$0x1], $0x80, $0x38;
	[tilespmem:$0x4400] =	vst v63  }
0x127: {  	s28 =	sadd.s32 $0x200, s14;
	s30 =	sadd.s32 $0x280, s14;
	s24 =	sor.u32 $0xC00, s15  }
0x128: {  	[hbm4b:s25+s2] =	stream.linear.scatter [tilespmem:s24], [sflag:$0x1], $0x80, $0x38;
	[tilespmem:$0x4400] =	vst v63  }
0x129: {  	s0 =	sadd.s32 $0x300, s14;
	s22 =	spop (v2sf);
	s26 =	sor.u32 $0x1000, s15  }
0x12a: {  	[hbm4b:s28+s2] =	stream.linear.scatter [tilespmem:s26], [sflag:$0x1], $0x80, $0x38;
	[tilespmem:$0x4400] =	vst v63  }
0x12b: {  	s18 =	sshll.u32 s22, $0xA;
	s17 =	sshll.u32 s22, $0x7;
	s29 =	sor.u32 $0x1400, s15  }
0x12c: {  	(v2sf) =	vpush v0, $0x3;
	[hbm4b:s30+s2] =	stream.linear.scatter [tilespmem:s29], [sflag:$0x1], $0x80, $0x38;
	[tilespmem:$0x4400] =	vst v63  }
0x12d: {  	s22 =	spop (v2sf);
	s17 =	sand.u32 $0x380, s17;
	s31 =	sor.u32 $0x1800, s15  }
0x12e: {  	[hbm4b:s0+s2] =	stream.linear.scatter [tilespmem:s31], [sflag:$0x1], $0x80, $0x38;
	[tilespmem:$0x4400] =	vst v63  }
0x12f: {  	s18 =	sand.u32 $0xFFFFE000, s18;
	s15 =	sor.u32 $0x1C00, s15;
	s19 =	sadd.s32 $0x380, s14  }
0x130: {  	[hbm4b:s19+s2] =	stream.linear.scatter [tilespmem:s15], [sflag:$0x1], $0x80, $0x38;
	[tilespmem:$0x4400] =	vst v63  }
0x131: {  	s17 =	sor.u32 s17, s18;
	s23 =	sshll.u32 s22, $0xA;
	s21 =	sadd.s32 $0x10, s14  }
0x132: {  	[hbm4b:s21+s2] =	stream.linear.scatter [tilespmem:s17], [sflag:$0x1], $0x80, $0x38;
	[tilespmem:$0x4400] =	vst v63  }
0x133: {  	s20 =	sand.u32 $0xFFFFE000, s23;
	s25 =	sor.u32 $0x400, s17;
	s26 =	sadd.s32 $0x90, s14  }
0x134: {  	[hbm4b:s26+s2] =	stream.linear.scatter [tilespmem:s25], [sflag:$0x1], $0x80, $0x38;
	[tilespmem:$0x4400] =	vst v63  }
0x135: {  	s24 =	sshll.u32 s22, $0x7;
	s28 =	sor.u32 $0x800, s17;
	s29 =	sadd.s32 $0x110, s14  }
0x136: {  	(v2sf) =	vpush v0, $0x4;
	[hbm4b:s29+s2] =	stream.linear.scatter [tilespmem:s28], [sflag:$0x1], $0x80, $0x38;
	[tilespmem:$0x4400] =	vst v63  }
0x137: {  	s18 =	sand.u32 $0x380, s24;
	s30 =	sor.u32 $0xC00, s17;
	s31 =	sadd.s32 $0x190, s14  }
0x138: {  	[hbm4b:s31+s2] =	stream.linear.scatter [tilespmem:s30], [sflag:$0x1], $0x80, $0x38;
	[tilespmem:$0x4400] =	vst v63  }
0x139: {  	s23 =	sadd.s32 $0x210, s14;
	s18 =	sor.u32 s18, s20;
	s21 =	sor.u32 $0x1000, s17  }
0x13a: {  	[hbm4b:s23+s2] =	stream.linear.scatter [tilespmem:s21], [sflag:$0x1], $0x80, $0x38;
	[tilespmem:$0x4400] =	vst v63  }
0x13b: {  	s0 =	spop (v2sf);
	s25 =	sor.u32 $0x1400, s17;
	s26 =	sadd.s32 $0x290, s14  }
0x13c: {  	[hbm4b:s26+s2] =	stream.linear.scatter [tilespmem:s25], [sflag:$0x1], $0x80, $0x38;
	[tilespmem:$0x4400] =	vst v63  }
0x13d: {  	s24 =	sshll.u32 s0, $0xA;
	s28 =	sor.u32 $0x1800, s17;
	s29 =	sadd.s32 $0x310, s14  }
0x13e: {  	[hbm4b:s29+s2] =	stream.linear.scatter [tilespmem:s28], [sflag:$0x1], $0x80, $0x38;
	[tilespmem:$0x4400] =	vst v63  }
0x13f: {  	s22 =	sshll.u32 s0, $0x7;
	s30 =	sor.u32 $0x1C00, s17;
	s31 =	sadd.s32 $0x390, s14  }
0x140: {  	[hbm4b:s31+s2] =	stream.linear.scatter [tilespmem:s30], [sflag:$0x1], $0x80, $0x38;
	[tilespmem:$0x4400] =	vst v63  }
0x141: {  	s0 =	sand.u32 $0x380, s22;
	s23 =	sand.u32 $0xFFFFE000, s24;
	s21 =	sadd.s32 $0x20, s14  }
0x142: {  	(v2sf) =	vpush v0, $0x5;
	[hbm4b:s21+s2] =	stream.linear.scatter [tilespmem:s18], [sflag:$0x1], $0x80, $0x38;
	[tilespmem:$0x4400] =	vst v63  }
0x143: {  	s22 =	sor.u32 $0x400, s18;
	s15 =	sor.u32 s0, s23;
	s23 =	sadd.s32 $0xA0, s14  }
0x144: {  	[hbm4b:s23+s2] =	stream.linear.scatter [tilespmem:s22], [sflag:$0x1], $0x80, $0x38;
	[tilespmem:$0x4400] =	vst v63  }
0x145: {  	s24 =	spop (v2sf);
	s25 =	sor.u32 $0x800, s18;
	s26 =	sadd.s32 $0x120, s14  }
0x146: {  	[hbm4b:s26+s2] =	stream.linear.scatter [tilespmem:s25], [sflag:$0x1], $0x80, $0x38;
	[tilespmem:$0x4400] =	vst v63  }
0x147: {  	s0 =	sadd.s32 $0x220, s14;
	s29 =	sor.u32 $0xC00, s18;
	s30 =	sadd.s32 $0x1A0, s14  }
0x148: {  	[hbm4b:s30+s2] =	stream.linear.scatter [tilespmem:s29], [sflag:$0x1], $0x80, $0x38;
	[tilespmem:$0x4400] =	vst v63  }
0x149: {  	s20 =	sshll.u32 s24, $0x7;
	s28 =	sshll.u32 s24, $0xA;
	s31 =	sor.u32 $0x1000, s18  }
0x14a: {  	[hbm4b:s0+s2] =	stream.linear.scatter [tilespmem:s31], [sflag:$0x1], $0x80, $0x38;
	[tilespmem:$0x4400] =	vst v63  }
0x14b: {  	s24 =	sadd.s32 $0x2A0, s14;
	s22 =	sand.u32 $0xFFFFE000, s28;
	s23 =	sor.u32 $0x1400, s18  }
0x14c: {  	(v2sf) =	vpush v0, $0x6;
	[hbm4b:s24+s2] =	stream.linear.scatter [tilespmem:s23], [sflag:$0x1], $0x80, $0x38;
	[tilespmem:$0x4400] =	vst v63  }
0x14d: {  	s28 =	sadd.s32 $0x320, s14;
	s25 =	sand.u32 $0x380, s20;
	s26 =	sor.u32 $0x1800, s18  }
0x14e: {  	[hbm4b:s28+s2] =	stream.linear.scatter [tilespmem:s26], [sflag:$0x1], $0x80, $0x38;
	[tilespmem:$0x4400] =	vst v63  }
0x14f: {  	s16 =	sor.u32 s25, s22;
	s29 =	sor.u32 $0x1C00, s18;
	s30 =	sadd.s32 $0x3A0, s14  }
0x150: {  	[hbm4b:s30+s2] =	stream.linear.scatter [tilespmem:s29], [sflag:$0x1], $0x80, $0x38;
	[tilespmem:$0x4400] =	vst v63  }
0x151: {  	s25 =	sor.u32 $0x800, s15;
	s31 =	spop (v2sf);
	s0 =	sadd.s32 $0x30, s14  }
0x152: {  	[hbm4b:s0+s2] =	stream.linear.scatter [tilespmem:s15], [sflag:$0x1], $0x80, $0x38;
	[tilespmem:$0x4400] =	vst v63  }
0x153: {  	s22 =	sshll.u32 s31, $0xA;
	s23 =	sor.u32 $0x400, s15;
	s24 =	sadd.s32 $0xB0, s14  }
0x154: {  	(v2sf) =	vpush v0, $0x7;
	[hbm4b:s24+s2] =	stream.linear.scatter [tilespmem:s23], [sflag:$0x1], $0x80, $0x38;
	[tilespmem:$0x4400] =	vst v63  }
0x155: {  	s21 =	sshll.u32 s31, $0x7;
	s31 =	sadd.s32 $0x230, s14;
	s26 =	sadd.s32 $0x130, s14  }
0x156: {  	[hbm4b:s26+s2] =	stream.linear.scatter [tilespmem:s25], [sflag:$0x1], $0x80, $0x38;
	[tilespmem:$0x4400] =	vst v63  }
0x157: {  	s20 =	sand.u32 $0xFFFFE000, s22;
	s28 =	sor.u32 $0xC00, s15;
	s29 =	sadd.s32 $0x1B0, s14  }
0x158: {  	[hbm4b:s29+s2] =	stream.linear.scatter [tilespmem:s28], [sflag:$0x1], $0x80, $0x38;
	[tilespmem:$0x4400] =	vst v63  }
0x159: {  	s21 =	sand.u32 $0x380, s21;
	s22 =	sor.u32 $0x1400, s15;
	s30 =	sor.u32 $0x1000, s15  }
0x15a: {  	[hbm4b:s31+s2] =	stream.linear.scatter [tilespmem:s30], [sflag:$0x1], $0x80, $0x38;
	[tilespmem:$0x4400] =	vst v63  }
0x15b: {  	s18 =	sor.u32 s21, s20;
	s0 =	spop (v2sf);
	s23 =	sadd.s32 $0x2B0, s14  }
0x15c: {  	[hbm4b:s23+s2] =	stream.linear.scatter [tilespmem:s22], [sflag:$0x1], $0x80, $0x38;
	[tilespmem:$0x4400] =	vst v63  }
0x15d: {  	s21 =	sshll.u32 s0, $0x7;
	s25 =	sor.u32 $0x1800, s15;
	s26 =	sadd.s32 $0x330, s14  }
0x15e: {  	[hbm4b:s26+s2] =	stream.linear.scatter [tilespmem:s25], [sflag:$0x1], $0x80, $0x38;
	[tilespmem:$0x4400] =	vst v63  }
0x15f: {  	s24 =	sshll.u32 s0, $0xA;
	s15 =	sor.u32 $0x1C00, s15;
	s28 =	sadd.s32 $0x3B0, s14  }
0x160: {  	(v2sf) =	vpush v0, $0x8;
	[hbm4b:s28+s2] =	stream.linear.scatter [tilespmem:s15], [sflag:$0x1], $0x80, $0x38;
	[tilespmem:$0x4400] =	vst v63  }
0x161: {  	s29 =	sand.u32 $0xFFFFE000, s24;
	s24 =	sadd.s32 $0xC0, s14;
	s30 =	sadd.s32 $0x40, s14  }
0x162: {  	[hbm4b:s30+s2] =	stream.linear.scatter [tilespmem:s16], [sflag:$0x1], $0x80, $0x38;
	[tilespmem:$0x4400] =	vst v63  }
0x163: {  	s0 =	spop (v2sf);
	s31 =	sand.u32 $0x380, s21;
	s23 =	sor.u32 $0x400, s16  }
0x164: {  	[hbm4b:s24+s2] =	stream.linear.scatter [tilespmem:s23], [sflag:$0x1], $0x80, $0x38;
	[tilespmem:$0x4400] =	vst v63  }
0x165: {  	s21 =	sshll.u32 s0, $0x7;
	s25 =	sor.u32 $0x800, s16;
	s26 =	sadd.s32 $0x140, s14  }
0x166: {  	(v2sf) =	vpush v0, $0x9;
	[hbm4b:s26+s2] =	stream.linear.scatter [tilespmem:s25], [sflag:$0x1], $0x80, $0x38;
	[tilespmem:$0x4400] =	vst v63  }
0x167: {  	s19 =	sor.u32 s31, s29;
	s29 =	sor.u32 $0xC00, s16;
	s30 =	sadd.s32 $0x1C0, s14  }
0x168: {  	[hbm4b:s30+s2] =	stream.linear.scatter [tilespmem:s29], [sflag:$0x1], $0x80, $0x38;
	[tilespmem:$0x4400] =	vst v63  }
0x169: {  	s31 =	sor.u32 $0x1000, s16;
	s28 =	sshll.u32 s0, $0xA;
	s0 =	sadd.s32 $0x240, s14  }
0x16a: {  	[hbm4b:s0+s2] =	stream.linear.scatter [tilespmem:s31], [sflag:$0x1], $0x80, $0x38;
	[tilespmem:$0x4400] =	vst v63  }
0x16b: {  	s23 =	sand.u32 $0xFFFFE000, s28;
	s24 =	sadd.s32 $0x2C0, s14;
	s25 =	sor.u32 $0x1400, s16  }
0x16c: {  	[hbm4b:s24+s2] =	stream.linear.scatter [tilespmem:s25], [sflag:$0x1], $0x80, $0x38;
	[tilespmem:$0x4400] =	vst v63  }
0x16d: {  	s28 =	sor.u32 $0x1800, s16;
	s26 =	sand.u32 $0x380, s21;
	s29 =	sadd.s32 $0x340, s14  }
0x16e: {  	[hbm4b:s29+s2] =	stream.linear.scatter [tilespmem:s28], [sflag:$0x1], $0x80, $0x38;
	[tilespmem:$0x4400] =	vst v63  }
0x16f: {  	s30 =	sor.u32 $0x1C00, s16;
	s31 =	sadd.s32 $0x3C0, s14;
	s0 =	spop (v2sf)  }
0x170: {  	(v2sf) =	vpush v0, $0xA;
	[hbm4b:s31+s2] =	stream.linear.scatter [tilespmem:s30], [sflag:$0x1], $0x80, $0x38;
	[tilespmem:$0x4400] =	vst v63  }
0x171: {  	s21 =	sadd.s32 $0x50, s14;
	s15 =	sor.u32 s26, s23;
	s26 =	sadd.s32 $0xD0, s14  }
0x172: {  	[hbm4b:s21+s2] =	stream.linear.scatter [tilespmem:s18], [sflag:$0x1], $0x80, $0x38;
	[tilespmem:$0x4400] =	vst v63  }
0x173: {  	s16 =	sshll.u32 s0, $0xA;
	s17 =	sshll.u32 s0, $0x7;
	s24 =	sor.u32 $0x400, s18  }
0x174: {  	[hbm4b:s26+s2] =	stream.linear.scatter [tilespmem:s24], [sflag:$0x1], $0x80, $0x38;
	[tilespmem:$0x4400] =	vst v63  }
0x175: {  	s28 =	spop (v2sf);
	s29 =	sor.u32 $0x800, s18;
	s30 =	sadd.s32 $0x150, s14  }
0x176: {  	(v2sf) =	vpush v0, $0xB;
	[hbm4b:s30+s2] =	stream.linear.scatter [tilespmem:s29], [sflag:$0x1], $0x80, $0x38;
	[tilespmem:$0x4400] =	vst v63  }
0x177: {  	s0 =	sadd.s32 $0x1D0, s14;
	s25 =	sshll.u32 s28, $0xA;
	s31 =	sor.u32 $0xC00, s18  }
0x178: {  	[hbm4b:s0+s2] =	stream.linear.scatter [tilespmem:s31], [sflag:$0x1], $0x80, $0x38;
	[tilespmem:$0x4400] =	vst v63  }
0x179: {  	s23 =	sshll.u32 s28, $0x7;
	s24 =	sor.u32 $0x1000, s18;
	s26 =	sadd.s32 $0x250, s14  }
0x17a: {  	[hbm4b:s26+s2] =	stream.linear.scatter [tilespmem:s24], [sflag:$0x1], $0x80, $0x38;
	[tilespmem:$0x4400] =	vst v63  }
0x17b: {  	s28 =	sor.u32 $0x1400, s18;
	s23 =	sand.u32 $0x380, s23;
	s29 =	sadd.s32 $0x2D0, s14  }
0x17c: {  	[hbm4b:s29+s2] =	stream.linear.scatter [tilespmem:s28], [sflag:$0x1], $0x80, $0x38;
	[tilespmem:$0x4400] =	vst v63  }
0x17d: {  	s25 =	sand.u32 $0xFFFFE000, s25;
	s30 =	sor.u32 $0x1800, s18;
	s31 =	sadd.s32 $0x350, s14  }
0x17e: {  	[hbm4b:s31+s2] =	stream.linear.scatter [tilespmem:s30], [sflag:$0x1], $0x80, $0x38;
	[tilespmem:$0x4400] =	vst v63  }
0x17f: {  	s18 =	sor.u32 $0x1C00, s18;
	s0 =	sadd.s32 $0x3D0, s14;
	s26 =	spop (v2sf)  }
0x180: {  	(v2sf) =	vpush v0, $0xC;
	[hbm4b:s0+s2] =	stream.linear.scatter [tilespmem:s18], [sflag:$0x1], $0x80, $0x38;
	[tilespmem:$0x4400] =	vst v63  }
0x181: {  	s23 =	sor.u32 s23, s25;
	s24 =	sshll.u32 s26, $0xA;
	s28 =	sadd.s32 $0x60, s14  }
0x182: {  	[hbm4b:s28+s2] =	stream.linear.scatter [tilespmem:s19], [sflag:$0x1], $0x80, $0x38;
	[tilespmem:$0x4400] =	vst v63  }
0x183: {  	s25 =	sshll.u32 s26, $0x7;
	s29 =	sor.u32 $0x400, s19;
	s30 =	sadd.s32 $0xE0, s14  }
0x184: {  	(v2sf) =	vpush v0, $0xD;
	[hbm4b:s30+s2] =	stream.linear.scatter [tilespmem:s29], [sflag:$0x1], $0x80, $0x38;
	[tilespmem:$0x4400] =	vst v63  }
0x185: {  	s26 =	spop (v2sf);
	s31 =	sor.u32 $0x800, s19;
	s28 =	sadd.s32 $0x160, s14  }
0x186: {  	[hbm4b:s28+s2] =	stream.linear.scatter [tilespmem:s31], [sflag:$0x1], $0x80, $0x38;
	[tilespmem:$0x4400] =	vst v63  }
0x187: {  	s21 =	sshll.u32 s26, $0xA;
	s0 =	sor.u32 $0xC00, s19;
	s29 =	sadd.s32 $0x1E0, s14  }
0x188: {  	[hbm4b:s29+s2] =	stream.linear.scatter [tilespmem:s0], [sflag:$0x1], $0x80, $0x38;
	[tilespmem:$0x4400] =	vst v63  }
0x189: {  	s22 =	sshll.u32 s26, $0x7;
	s26 =	sor.u32 $0x1000, s19;
	s31 =	sadd.s32 $0x260, s14  }
0x18a: {  	[hbm4b:s31+s2] =	stream.linear.scatter [tilespmem:s26], [sflag:$0x1], $0x80, $0x38;
	[tilespmem:$0x4400] =	vst v63  }
0x18b: {  	s30 =	sadd.s32 $0x2E0, s14;
	s29 =	sor.u32 $0x1400, s19  }
0x18c: {  	[hbm4b:s30+s2] =	stream.linear.scatter [tilespmem:s29], [sflag:$0x1], $0x80, $0x38;
	[tilespmem:$0x4400] =	vst v63  }
0x18d: {  	s0 =	sor.u32 $0x1800, s19;
	s31 =	sadd.s32 $0x360, s14  }
0x18e: {  	[hbm4b:s31+s2] =	stream.linear.scatter [tilespmem:s0], [sflag:$0x1], $0x80, $0x38;
	[tilespmem:$0x4400] =	vst v63  }
0x18f: {  	s28 =	spop (v2sf);
	s19 =	sor.u32 $0x1C00, s19;
	s30 =	sadd.s32 $0x3E0, s14  }
0x190: {  	[hbm4b:s30+s2] =	stream.linear.scatter [tilespmem:s19], [sflag:$0x1], $0x80, $0x38;
	[tilespmem:$0x4400] =	vst v63  }
0x191: {  	s18 =	sshll.u32 s28, $0xA;
	s20 =	sshll.u32 s28, $0x7;
	s31 =	sadd.s32 $0x70, s14  }
0x192: {  	[hbm4b:s31+s2] =	stream.linear.scatter [tilespmem:s15], [sflag:$0x1], $0x80, $0x38;
	[tilespmem:$0x4400] =	vst v63  }
0x193: {  	s28 =	spop (v2sf);
	s29 =	sadd.s32 $0xF0, s14;
	s19 =	sor.u32 $0x400, s15  }
0x194: {  	[hbm4b:s29+s2] =	stream.linear.scatter [tilespmem:s19], [sflag:$0x1], $0x80, $0x38;
	[tilespmem:$0x4400] =	vst v63  }
0x195: {  	s26 =	sor.u32 $0x800, s15;
	s0 =	sshll.u32 s28, $0xA;
	s31 =	sadd.s32 $0x170, s14  }
0x196: {  	[hbm4b:s31+s2] =	stream.linear.scatter [tilespmem:s26], [sflag:$0x1], $0x80, $0x38;
	[tilespmem:$0x4400] =	vst v63  }
0x197: {  	s30 =	sand.u32 $0xFFFFE000, s0;
	s0 =	sadd.s32 $0x1F0, s14;
	s19 =	sor.u32 $0xC00, s15  }
0x198: {  	(v2sf) =	vpush v0, $0xE;
	[hbm4b:s0+s2] =	stream.linear.scatter [tilespmem:s19], [sflag:$0x1], $0x80, $0x38;
	[tilespmem:$0x4400] =	vst v63  }
0x199: {  	s26 =	sor.u32 $0x1000, s15;
	s31 =	sadd.s32 $0x270, s14  }
0x19a: {  	[hbm4b:s31+s2] =	stream.linear.scatter [tilespmem:s26], [sflag:$0x1], $0x80, $0x38;
	[tilespmem:$0x4400] =	vst v63  }
0x19b: {  	s17 =	sand.u32 $0x380, s17;
	s29 =	sadd.s32 $0x2F0, s14;
	s19 =	sor.u32 $0x1400, s15  }
0x19c: {  	[hbm4b:s29+s2] =	stream.linear.scatter [tilespmem:s19], [sflag:$0x1], $0x80, $0x38;
	[tilespmem:$0x4400] =	vst v63  }
0x19d: {  	s16 =	sand.u32 $0xFFFFE000, s16;
	s26 =	sor.u32 $0x1800, s15;
	s31 =	sadd.s32 $0x370, s14  }
0x19e: {  	(v2sf) =	vpush v0, $0xF;
	[hbm4b:s31+s2] =	stream.linear.scatter [tilespmem:s26], [sflag:$0x1], $0x80, $0x38;
	[tilespmem:$0x4400] =	vst v63  }
0x19f: {  	s0 =	rddreg [dreg:$0x4];
	s14 =	sadd.s32 $0x3F0, s14;
	s29 =	sor.u32 $0x1C00, s15  }
0x1a0: {  	[hbm4b:s14+s2] =	stream.linear.scatter [tilespmem:s29], [sflag:$0x1], $0x80, $0x38;
	[tilespmem:$0x4400] =	vst v63  }
0x1a1: {  	s28 =	sshll.u32 s28, $0x7;
	s13 =	sadd.s32 s13, s0;
	s0 =	sor.u32 s17, s16  }
0x1a2: {  	[hbm4b:s13+s2] =	stream.linear.scatter [tilespmem:s0], [sflag:$0x1], $0x80, $0x38;
	[tilespmem:$0x4400] =	vst v63  }
0x1a3: {  	s28 =	sand.u32 $0x380, s28;
	s17 =	sor.u32 $0x400, s0;
	s29 =	sadd.s32 $0x80, s13  }
0x1a4: {  	[hbm4b:s29+s2] =	stream.linear.scatter [tilespmem:s17], [sflag:$0x1], $0x80, $0x38;
	[tilespmem:$0x4400] =	vst v63  }
0x1a5: {  	s15 =	sor.u32 s28, s30;
	s30 =	sadd.s32 $0x100, s13;
	s26 =	sor.u32 $0x800, s0  }
0x1a6: {  	[hbm4b:s30+s2] =	stream.linear.scatter [tilespmem:s26], [sflag:$0x1], $0x80, $0x38;
	[tilespmem:$0x4400] =	vst v63  }
0x1a7: {  	s16 =	sor.u32 $0xC00, s0;
	s19 =	spop (v2sf);
	s29 =	sadd.s32 $0x180, s13  }
0x1a8: {  	[hbm4b:s29+s2] =	stream.linear.scatter [tilespmem:s16], [sflag:$0x1], $0x80, $0x38;
	[tilespmem:$0x4400] =	vst v63  }
0x1a9: {  	s31 =	sshll.u32 s19, $0xA;
	s26 =	sor.u32 $0x1000, s0;
	s30 =	sadd.s32 $0x200, s13  }
0x1aa: {  	[hbm4b:s30+s2] =	stream.linear.scatter [tilespmem:s26], [sflag:$0x1], $0x80, $0x38;
	[tilespmem:$0x4400] =	vst v63  }
0x1ab: {  	s17 =	sand.u32 $0xFFFFE000, s31;
	s31 =	sadd.s32 $0x280, s13;
	s16 =	sor.u32 $0x1400, s0  }
0x1ac: {  	[hbm4b:s31+s2] =	stream.linear.scatter [tilespmem:s16], [sflag:$0x1], $0x80, $0x38;
	[tilespmem:$0x4400] =	vst v63  }
0x1ad: {  	s28 =	sadd.s32 $0x300, s13;
	s29 =	spop (v2sf);
	s26 =	sor.u32 $0x1800, s0  }
0x1ae: {  	[hbm4b:s28+s2] =	stream.linear.scatter [tilespmem:s26], [sflag:$0x1], $0x80, $0x38;
	[tilespmem:$0x4400] =	vst v63  }
0x1af: {  	s30 =	sshll.u32 s29, $0xA;
	s0 =	sor.u32 $0x1C00, s0;
	s31 =	sadd.s32 $0x380, s13  }
0x1b0: {  	[hbm4b:s31+s2] =	stream.linear.scatter [tilespmem:s0], [sflag:$0x1], $0x80, $0x38;
	[tilespmem:$0x4400] =	vst v63  }
0x1b1: {  	s14 =	sand.u32 $0xFFFFE000, s30;
	s30 =	sadd.s32 $0x10, s13  }
0x1b2: {  	[hbm4b:s30+s2] =	stream.linear.scatter [tilespmem:s23], [sflag:$0x1], $0x80, $0x38;
	[tilespmem:$0x4400] =	vst v63  }
0x1b3: {  	s28 =	sadd.s32 $0x90, s13;
	s0 =	sor.u32 $0x400, s23  }
0x1b4: {  	[hbm4b:s28+s2] =	stream.linear.scatter [tilespmem:s0], [sflag:$0x1], $0x80, $0x38;
	[tilespmem:$0x4400] =	vst v63  }
0x1b5: {  	s31 =	sor.u32 $0x800, s23;
	s30 =	sadd.s32 $0x110, s13  }
0x1b6: {  	[hbm4b:s30+s2] =	stream.linear.scatter [tilespmem:s31], [sflag:$0x1], $0x80, $0x38;
	[tilespmem:$0x4400] =	vst v63  }
0x1b7: {  	s0 =	sor.u32 $0xC00, s23;
	s28 =	sadd.s32 $0x190, s13  }
0x1b8: {  	[hbm4b:s28+s2] =	stream.linear.scatter [tilespmem:s0], [sflag:$0x1], $0x80, $0x38;
	[tilespmem:$0x4400] =	vst v63  }
0x1b9: {  	s31 =	sor.u32 $0x1000, s23;
	s30 =	sadd.s32 $0x210, s13  }
0x1ba: {  	[hbm4b:s30+s2] =	stream.linear.scatter [tilespmem:s31], [sflag:$0x1], $0x80, $0x38;
	[tilespmem:$0x4400] =	vst v63  }
0x1bb: {  	s0 =	sor.u32 $0x1400, s23;
	s28 =	sadd.s32 $0x290, s13  }
0x1bc: {  	[hbm4b:s28+s2] =	stream.linear.scatter [tilespmem:s0], [sflag:$0x1], $0x80, $0x38;
	[tilespmem:$0x4400] =	vst v63  }
0x1bd: {  	s24 =	sand.u32 $0xFFFFE000, s24;
	s26 =	sor.u32 $0x1800, s23;
	s31 =	sadd.s32 $0x310, s13  }
0x1be: {  	[hbm4b:s31+s2] =	stream.linear.scatter [tilespmem:s26], [sflag:$0x1], $0x80, $0x38;
	[tilespmem:$0x4400] =	vst v63  }
0x1bf: {  	s30 =	sadd.s32 $0x390, s13;
	s0 =	sor.u32 $0x1C00, s23;
	s28 =	sand.u32 $0x380, s25  }
0x1c0: {  	[hbm4b:s30+s2] =	stream.linear.scatter [tilespmem:s0], [sflag:$0x1], $0x80, $0x38;
	[tilespmem:$0x4400] =	vst v63  }
0x1c1: {  	s23 =	sor.u32 s28, s24;
	s31 =	sadd.s32 $0x20, s13  }
0x1c2: {  	[hbm4b:s31+s2] =	stream.linear.scatter [tilespmem:s23], [sflag:$0x1], $0x80, $0x38;
	[tilespmem:$0x4400] =	vst v63  }
0x1c3: {  	s24 =	sor.u32 $0x400, s23;
	s26 =	sadd.s32 $0xA0, s13  }
0x1c4: {  	[hbm4b:s26+s2] =	stream.linear.scatter [tilespmem:s24], [sflag:$0x1], $0x80, $0x38;
	[tilespmem:$0x4400] =	vst v63  }
0x1c5: {  	s16 =	sshll.u32 s29, $0x7;
	s29 =	sadd.s32 $0x120, s13;
	s28 =	sor.u32 $0x800, s23  }
0x1c6: {  	[hbm4b:s29+s2] =	stream.linear.scatter [tilespmem:s28], [sflag:$0x1], $0x80, $0x38;
	[tilespmem:$0x4400] =	vst v63  }
0x1c7: {  	s30 =	sor.u32 $0xC00, s23;
	s31 =	sadd.s32 $0x1A0, s13  }
0x1c8: {  	[hbm4b:s31+s2] =	stream.linear.scatter [tilespmem:s30], [sflag:$0x1], $0x80, $0x38;
	[tilespmem:$0x4400] =	vst v63  }
0x1c9: {  	s28 =	sor.u32 $0x1000, s23;
	s29 =	sadd.s32 $0x220, s13  }
0x1ca: {  	[hbm4b:s29+s2] =	stream.linear.scatter [tilespmem:s28], [sflag:$0x1], $0x80, $0x38;
	[tilespmem:$0x4400] =	vst v63  }
0x1cb: {  	s30 =	sor.u32 $0x1400, s23;
	s31 =	sadd.s32 $0x2A0, s13  }
0x1cc: {  	[hbm4b:s31+s2] =	stream.linear.scatter [tilespmem:s30], [sflag:$0x1], $0x80, $0x38;
	[tilespmem:$0x4400] =	vst v63  }
0x1cd: {  	s22 =	sand.u32 $0x380, s22;
	s26 =	sor.u32 $0x1800, s23;
	s28 =	sadd.s32 $0x320, s13  }
0x1ce: {  	[hbm4b:s28+s2] =	stream.linear.scatter [tilespmem:s26], [sflag:$0x1], $0x80, $0x38;
	[tilespmem:$0x4400] =	vst v63  }
0x1cf: {  	s21 =	sand.u32 $0xFFFFE000, s21;
	s29 =	sor.u32 $0x1C00, s23;
	s30 =	sadd.s32 $0x3A0, s13  }
0x1d0: {  	[hbm4b:s30+s2] =	stream.linear.scatter [tilespmem:s29], [sflag:$0x1], $0x80, $0x38;
	[tilespmem:$0x4400] =	vst v63  }
0x1d1: {  	s21 =	sor.u32 s22, s21;
	s31 =	sadd.s32 $0x30, s13  }
0x1d2: {  	[hbm4b:s31+s2] =	stream.linear.scatter [tilespmem:s21], [sflag:$0x1], $0x80, $0x38;
	[tilespmem:$0x4400] =	vst v63  }
0x1d3: {  	s25 =	sor.u32 $0x400, s21;
	s26 =	sadd.s32 $0xB0, s13  }
0x1d4: {  	[hbm4b:s26+s2] =	stream.linear.scatter [tilespmem:s25], [sflag:$0x1], $0x80, $0x38;
	[tilespmem:$0x4400] =	vst v63  }
0x1d5: {  	s28 =	sor.u32 $0x800, s21;
	s29 =	sadd.s32 $0x130, s13  }
0x1d6: {  	[hbm4b:s29+s2] =	stream.linear.scatter [tilespmem:s28], [sflag:$0x1], $0x80, $0x38;
	[tilespmem:$0x4400] =	vst v63  }
0x1d7: {  	s30 =	sor.u32 $0xC00, s21;
	s31 =	sadd.s32 $0x1B0, s13  }
0x1d8: {  	[hbm4b:s31+s2] =	stream.linear.scatter [tilespmem:s30], [sflag:$0x1], $0x80, $0x38;
	[tilespmem:$0x4400] =	vst v63  }
0x1d9: {  	s25 =	sor.u32 $0x1000, s21;
	s26 =	sadd.s32 $0x230, s13  }
0x1da: {  	[hbm4b:s26+s2] =	stream.linear.scatter [tilespmem:s25], [sflag:$0x1], $0x80, $0x38;
	[tilespmem:$0x4400] =	vst v63  }
0x1db: {  	s28 =	sor.u32 $0x1400, s21;
	s29 =	sadd.s32 $0x2B0, s13  }
0x1dc: {  	[hbm4b:s29+s2] =	stream.linear.scatter [tilespmem:s28], [sflag:$0x1], $0x80, $0x38;
	[tilespmem:$0x4400] =	vst v63  }
0x1dd: {  	s22 =	sor.u32 $0x1C00, s21;
	s30 =	sor.u32 $0x1800, s21;
	s31 =	sadd.s32 $0x330, s13  }
0x1de: {  	[hbm4b:s31+s2] =	stream.linear.scatter [tilespmem:s30], [sflag:$0x1], $0x80, $0x38;
	[tilespmem:$0x4400] =	vst v63  }
0x1df: {  	s18 =	sand.u32 $0xFFFFE000, s18;
	s20 =	sand.u32 $0x380, s20;
	s25 =	sadd.s32 $0x3B0, s13  }
0x1e0: {  	[hbm4b:s25+s2] =	stream.linear.scatter [tilespmem:s22], [sflag:$0x1], $0x80, $0x38;
	[tilespmem:$0x4400] =	vst v63  }
0x1e1: {  	s18 =	sor.u32 s20, s18;
	s26 =	sadd.s32 $0x40, s13  }
0x1e2: {  	[hbm4b:s26+s2] =	stream.linear.scatter [tilespmem:s18], [sflag:$0x1], $0x80, $0x38;
	[tilespmem:$0x4400] =	vst v63  }
0x1e3: {  	s28 =	sor.u32 $0x400, s18;
	s29 =	sadd.s32 $0xC0, s13  }
0x1e4: {  	[hbm4b:s29+s2] =	stream.linear.scatter [tilespmem:s28], [sflag:$0x1], $0x80, $0x38;
	[tilespmem:$0x4400] =	vst v63  }
0x1e5: {  	s30 =	sor.u32 $0x800, s18;
	s31 =	sadd.s32 $0x140, s13  }
0x1e6: {  	[hbm4b:s31+s2] =	stream.linear.scatter [tilespmem:s30], [sflag:$0x1], $0x80, $0x38;
	[tilespmem:$0x4400] =	vst v63  }
0x1e7: {  	s24 =	sadd.s32 $0x1C0, s13;
	s23 =	sor.u32 $0xC00, s18  }
0x1e8: {  	[hbm4b:s24+s2] =	stream.linear.scatter [tilespmem:s23], [sflag:$0x1], $0x80, $0x38;
	[tilespmem:$0x4400] =	vst v63  }
0x1e9: {  	s25 =	sor.u32 $0x1000, s18;
	s26 =	sadd.s32 $0x240, s13  }
0x1ea: {  	[hbm4b:s26+s2] =	stream.linear.scatter [tilespmem:s25], [sflag:$0x1], $0x80, $0x38;
	[tilespmem:$0x4400] =	vst v63  }
0x1eb: {  	s28 =	sor.u32 $0x1400, s18;
	s29 =	sadd.s32 $0x2C0, s13  }
0x1ec: {  	[hbm4b:s29+s2] =	stream.linear.scatter [tilespmem:s28], [sflag:$0x1], $0x80, $0x38;
	[tilespmem:$0x4400] =	vst v63  }
0x1ed: {  	s30 =	sor.u32 $0x1800, s18;
	s31 =	sadd.s32 $0x340, s13  }
0x1ee: {  	[hbm4b:s31+s2] =	stream.linear.scatter [tilespmem:s30], [sflag:$0x1], $0x80, $0x38;
	[tilespmem:$0x4400] =	vst v63  }
0x1ef: {  	s20 =	sor.u32 $0x1C00, s18;
	s23 =	sadd.s32 $0x3C0, s13  }
0x1f0: {  	[hbm4b:s23+s2] =	stream.linear.scatter [tilespmem:s20], [sflag:$0x1], $0x80, $0x38;
	[tilespmem:$0x4400] =	vst v63  }
0x1f1: {  	s24 =	sadd.s32 $0x50, s13  }
0x1f2: {  	[hbm4b:s24+s2] =	stream.linear.scatter [tilespmem:s15], [sflag:$0x1], $0x80, $0x38;
	[tilespmem:$0x4400] =	vst v63  }
0x1f3: {  	s25 =	sor.u32 $0x400, s15;
	s26 =	sadd.s32 $0xD0, s13  }
0x1f4: {  	[hbm4b:s26+s2] =	stream.linear.scatter [tilespmem:s25], [sflag:$0x1], $0x80, $0x38;
	[tilespmem:$0x4400] =	vst v63  }
0x1f5: {  	s28 =	sor.u32 $0x800, s15;
	s29 =	sadd.s32 $0x150, s13  }
0x1f6: {  	[hbm4b:s29+s2] =	stream.linear.scatter [tilespmem:s28], [sflag:$0x1], $0x80, $0x38;
	[tilespmem:$0x4400] =	vst v63  }
0x1f7: {  	s30 =	sor.u32 $0xC00, s15;
	s31 =	sadd.s32 $0x1D0, s13  }
0x1f8: {  	[hbm4b:s31+s2] =	stream.linear.scatter [tilespmem:s30], [sflag:$0x1], $0x80, $0x38;
	[tilespmem:$0x4400] =	vst v63  }
0x1f9: {  	s21 =	sor.u32 $0x1000, s15;
	s22 =	sadd.s32 $0x250, s13  }
0x1fa: {  	[hbm4b:s22+s2] =	stream.linear.scatter [tilespmem:s21], [sflag:$0x1], $0x80, $0x38;
	[tilespmem:$0x4400] =	vst v63  }
0x1fb: {  	s23 =	sor.u32 $0x1400, s15;
	s24 =	sadd.s32 $0x2D0, s13  }
0x1fc: {  	[hbm4b:s24+s2] =	stream.linear.scatter [tilespmem:s23], [sflag:$0x1], $0x80, $0x38;
	[tilespmem:$0x4400] =	vst v63  }
0x1fd: {  	s19 =	sshll.u32 s19, $0x7;
	s25 =	sor.u32 $0x1800, s15;
	s26 =	sadd.s32 $0x350, s13  }
0x1fe: {  	[hbm4b:s26+s2] =	stream.linear.scatter [tilespmem:s25], [sflag:$0x1], $0x80, $0x38;
	[tilespmem:$0x4400] =	vst v63  }
0x1ff: {  	s28 =	sor.u32 $0x1C00, s15;
	s29 =	sadd.s32 $0x3D0, s13;
	s30 =	sand.u32 $0x380, s19  }
0x200: {  	[hbm4b:s29+s2] =	stream.linear.scatter [tilespmem:s28], [sflag:$0x1], $0x80, $0x38;
	[tilespmem:$0x4400] =	vst v63  }
0x201: {  	s31 =	sadd.s32 $0x60, s13;
	s17 =	sor.u32 s30, s17  }
0x202: {  	[hbm4b:s31+s2] =	stream.linear.scatter [tilespmem:s17], [sflag:$0x1], $0x80, $0x38;
	[tilespmem:$0x4400] =	vst v63  }
0x203: {  	s20 =	sor.u32 $0x400, s17;
	s21 =	sadd.s32 $0xE0, s13  }
0x204: {  	[hbm4b:s21+s2] =	stream.linear.scatter [tilespmem:s20], [sflag:$0x1], $0x80, $0x38;
	[tilespmem:$0x4400] =	vst v63  }
0x205: {  	s18 =	sor.u32 $0x800, s17;
	s22 =	sadd.s32 $0x160, s13  }
0x206: {  	[hbm4b:s22+s2] =	stream.linear.scatter [tilespmem:s18], [sflag:$0x1], $0x80, $0x38;
	[tilespmem:$0x4400] =	vst v63  }
0x207: {  	s23 =	sor.u32 $0xC00, s17;
	s24 =	sadd.s32 $0x1E0, s13  }
0x208: {  	[hbm4b:s24+s2] =	stream.linear.scatter [tilespmem:s23], [sflag:$0x1], $0x80, $0x38;
	[tilespmem:$0x4400] =	vst v63  }
0x209: {  	s25 =	sor.u32 $0x1000, s17;
	s26 =	sadd.s32 $0x260, s13  }
0x20a: {  	[hbm4b:s26+s2] =	stream.linear.scatter [tilespmem:s25], [sflag:$0x1], $0x80, $0x38;
	[tilespmem:$0x4400] =	vst v63  }
0x20b: {  	s28 =	sor.u32 $0x1400, s17;
	s29 =	sadd.s32 $0x2E0, s13  }
0x20c: {  	[hbm4b:s29+s2] =	stream.linear.scatter [tilespmem:s28], [sflag:$0x1], $0x80, $0x38;
	[tilespmem:$0x4400] =	vst v63  }
0x20d: {  	s30 =	sor.u32 $0x1800, s17;
	s31 =	sadd.s32 $0x360, s13  }
0x20e: {  	[hbm4b:s31+s2] =	stream.linear.scatter [tilespmem:s30], [sflag:$0x1], $0x80, $0x38;
	[tilespmem:$0x4400] =	vst v63  }
0x20f: {  	s16 =	sand.u32 $0x380, s16;
	s15 =	sor.u32 $0x1C00, s17;
	s17 =	sadd.s32 $0x3E0, s13  }
0x210: {  	[hbm4b:s17+s2] =	stream.linear.scatter [tilespmem:s15], [sflag:$0x1], $0x80, $0x38;
	[tilespmem:$0x4400] =	vst v63  }
0x211: {  	s19 =	sadd.s32 $0x70, s13;
	s20 =	sor.u32 s16, s14  }
0x212: {  	[hbm4b:s19+s2] =	stream.linear.scatter [tilespmem:s20], [sflag:$0x1], $0x80, $0x38;
	[tilespmem:$0x4400] =	vst v63  }
0x213: {  	p0 =	sne.s32 s11, $0x1F800;
	s21 =	sor.u32 $0x400, s20;
	s22 =	sadd.s32 $0xF0, s13  }
0x214: {  	[hbm4b:s22+s2] =	stream.linear.scatter [tilespmem:s21], [sflag:$0x1], $0x80, $0x38;
	[tilespmem:$0x4400] =	vst v63  }
0x215: {  	s11 =	sadd.s32 $0x800, s11;
	s23 =	sor.u32 $0x800, s20;
	s24 =	sadd.s32 $0x170, s13  }
0x216: {  	[hbm4b:s24+s2] =	stream.linear.scatter [tilespmem:s23], [sflag:$0x1], $0x80, $0x38;
	[tilespmem:$0x4400] =	vst v63  }
0x217: {  	s12 =	sadd.s32 $0x10, s12;
	s25 =	sor.u32 $0xC00, s20;
	s26 =	sadd.s32 $0x1F0, s13  }
0x218: {  	[hbm4b:s26+s2] =	stream.linear.scatter [tilespmem:s25], [sflag:$0x1], $0x80, $0x38;
	[tilespmem:$0x4400] =	vst v63  }
.Ltmp0:
0x219: {  	s16 =	sadd.s32 $0x370, s13;
	s14 =	sor.u32 $0x1800, s20;
	(pc) =	sbr.rel @p0 .LBB2_2-.Ltmp0, $4  }
0x21a: {  	s28 =	sor.u32 $0x1000, s20;
	s29 =	sadd.s32 $0x270, s13;
	s30 =	sor.u32 $0x1400, s20  }
0x21b: {  	[hbm4b:s29+s2] =	stream.linear.scatter [tilespmem:s28], [sflag:$0x1], $0x80, $0x38;
	[tilespmem:$0x4400] =	vst v63  }
0x21c: {  	s31 =	sadd.s32 $0x2F0, s13;
	s15 =	sor.u32 $0x1C00, s20;
	s17 =	sadd.s32 $0x3F0, s13  }
0x21d: {  	[hbm4b:s31+s2] =	stream.linear.scatter [tilespmem:s30], [sflag:$0x1], $0x80, $0x38;
	[tilespmem:$0x4400] =	vst v63  }
0x21e: {  	[hbm4b:s16+s2] =	stream.linear.scatter [tilespmem:s14], [sflag:$0x1], $0x80, $0x38;
	[tilespmem:$0x4400] =	vst v63  }
0x21f: {  	_ = 	snop  }
0x220: {  	[hbm4b:s17+s2] =	stream.linear.scatter [tilespmem:s15], [sflag:$0x1], $0x80, $0x38;
	[tilespmem:$0x4400] =	vst v63  }
0x221: {  	_ =	swait.ge [sflag:s9], $0x4000  }
0x222: {  	s11 =	simm.s32 $0x3F;
	[sflag:s9] =	ssyncset.done $0x0  }
.LBB2_4:
0x223: {  	p0 =	sne.s32 s11, $0x1;
	s11 =	sadd.s32 $0xFFFFFFFF, s11;
	[sflag:s9] =	ssyncadd.s32 $0xFFFFC000  }
.Ltmp1:
0x224: {  	(pc) =	sbr.rel @p0 .LBB2_4-.Ltmp1, $3  }
0x225: {  	_ =	sdelay $0x1  }
0x226: {  	_ =	swait.ge [sflag:s9], $0x4000  }
0x227: {  	[sflag:s9] =	ssyncset.done $0x0  }
0x228: {  	s10 =	sadd.s32 $0x1, s10  }
0x229: {  	p0 =	sne.s32 s10, s5  }
.Ltmp2:
0x22a: {  	_ = 	snop;
	(pc) =	sbr.rel @p0 .LBB2_1-.Ltmp2, $2  }
0x22b: {  	_ =	sdelay $0x2  }
0x22c: {  	[sflag:s9] =	ssyncadd.s32 $0xFFFFC000  }
0x22d: {  	_ =	sfence.sel $0x180000  }
0x22e: {  	[bflag:$0x0] =	sbarrier.arrive $0xFFFF  }
0x22f: {  	_ =	strace $0x90000047  }
0x230: {  	[bflag:$0x2] =	sbarrier.arrive $0xFFFF  }
0x231: {  	p0 =	sne.s32 s1, $0x0;
	s0 =	rddreg [dreg:$0x2]  }
0x232: {  	s0 =	sadd.s32 @!p0 $0x100000, s0  }
0x233: {  	[sflag:s0] =	ssyncadd.tile.s32 @!p0 $0x1;
	_ =	shalt  }
.Lfunc_end2:
_tile_overlayer_lowered:
.L_overlay_start_2:
0x234: {  	(tag) =	ssettag $0x2  }
0x235: {  	s0 =	rddreg [dreg:$0x0];
	s2 =	stileid.u32  }
0x236: {  	s1 =	rddreg [dreg:$0x1];
	p0 =	sne.s32 s2, $0x0  }
0x237: {  	s3 =	rddreg [dreg:$0x2];
	[bflag:$0x3] =	sbarrier.arrive $0xFFFF;
	s2 =	simm.s32 @!p0 $0x1C02  }
0x238: {  	[timem:s3], [sflag:s2] =	dma.local @!p0 [hbm:s0], s1  }
0x239: {  	s0 =	simm.s32 @!p0 $0x2  }
0x23a: {  	_ =	swait.ge @!p0 [sflag:s0], s1  }
0x23b: {  	s1 =	ssub.s32 @!p0 $0x0, s1;
	[sflag:s0] =	ssyncset.done @!p0 $0x0  }
0x23c: {  	[sflag:s0] =	ssyncadd.s32 @!p0 s1  }
0x23d: {  	[bflag:$0x3] =	sbarrier.arrive $0xFFFF  }
0x23e: {  	_ =	shalt  }

</sc_bundles>
